<compile_context>
chip_gen: v7x
topology: tpu7x:2x2x1
jax: 0.10.2.dev20260603
libtpu: 0.0.44.dev20260713+nightly
codegen_flags: <defaults>
</compile_context>

<pallas_src>
import functools

import jax
import jax.numpy as jnp
from jax import lax
from jax.experimental import pallas as pl
from jax.experimental.pallas import tpu as pltpu
from jax.experimental.pallas import tpu_sc as plsc

NC = 2
NS = 16
L = 16
NW = NC * NS
NBUF = 4
TW = 128


def _make_kernel(B, D):
    b_per_w = B // NW
    mesh = plsc.VectorSubcoreMesh(core_axis_name="c", subcore_axis_name="s")

    @functools.partial(
        pl.kernel,
        out_type=jax.ShapeDtypeStruct((B,), jnp.float32),
        mesh=mesh,
        compiler_params=pltpu.CompilerParams(
            needs_layout_passes=False, use_tc_tiling_on_sc=True
        ),
        scratch_types=[
            pltpu.VMEM((b_per_w,), jnp.int32),
            pltpu.VMEM((b_per_w,), jnp.int32),
            pltpu.SMEM((b_per_w,), jnp.int32),
            pltpu.SMEM((b_per_w,), jnp.int32),
            pltpu.VMEM((NBUF, D, TW), jnp.float32),
            pltpu.VMEM((NBUF, D, TW), jnp.float32),
            pltpu.VMEM((D,), jnp.float32),
            pltpu.VMEM((L,), jnp.float32),
            pltpu.VMEM((b_per_w,), jnp.float32),
        ]
        + [pltpu.SemaphoreType.DMA] * NBUF,
    )
    def kern(user_h, song_h, uembT, sembT, w_h, bvec_h, out_h,
             uidx_v, sidx_v, uidx_s, sidx_s, ublk, sblk, wv, bvec, out_v,
             *sems):
        wid = lax.axis_index("s") * NC + lax.axis_index("c")
        base = wid * b_per_w

        pltpu.sync_copy(user_h.at[pl.ds(base, b_per_w)], uidx_v)
        pltpu.sync_copy(song_h.at[pl.ds(base, b_per_w)], sidx_v)
        pltpu.sync_copy(w_h, wv)
        pltpu.sync_copy(bvec_h, bvec)

        wregs = [wv[pl.ds(j * L, L)] for j in range(D // L)]
        lane_iota = lax.iota(jnp.int32, L)

        def ext_body(g, carry):
            uc = uidx_v[pl.ds(g * L, L)]
            sc = sidx_v[pl.ds(g * L, L)]
            for l in range(L):
                onehot = lane_iota == l
                uidx_s[g * L + l] = jnp.sum(jnp.where(onehot, uc, 0))
                sidx_s[g * L + l] = jnp.sum(jnp.where(onehot, sc, 0))
            return carry

        lax.fori_loop(0, b_per_w // L, ext_body, 0)

        def fetch(e, slot):
            ru = uidx_s[e]
            rs = sidx_s[e]
            cu = pl.multiple_of((ru // TW) * TW, TW)
            cs = pl.multiple_of((rs // TW) * TW, TW)
            half = 32
            for h in range(2):
                rows = pl.ds(h * half, half)
                pltpu.async_copy(uembT.at[rows, pl.ds(cu, TW)],
                                 ublk.at[slot, rows], sems[slot])
                pltpu.async_copy(sembT.at[rows, pl.ds(cs, TW)],
                                 sblk.at[slot, rows], sems[slot])

        for s in range(NBUF):
            fetch(s, s)

        def body(g, acc):
            for slot in range(NBUF):
                e = g * NBUF + slot
                pltpu.make_async_copy(uembT.at[:, pl.ds(0, TW)],
                                      ublk.at[slot], sems[slot]).wait()
                pltpu.make_async_copy(sembT.at[:, pl.ds(0, TW)],
                                      sblk.at[slot], sems[slot]).wait()
                lane_u = jnp.broadcast_to(uidx_s[e] % TW, (L,))
                lane_s = jnp.broadcast_to(sidx_s[e] % TW, (L,))
                p = jnp.zeros((L,), jnp.float32)
                for j in range(D // L):
                    rows = lane_iota + j * L
                    u = plsc.load_gather(ublk.at[slot], [rows, lane_u])
                    s = plsc.load_gather(sblk.at[slot], [rows, lane_s])
                    p = p + u * s * wregs[j]
                val = jnp.sum(p)

                @pl.when(e + NBUF < b_per_w)
                def _():
                    fetch(e + NBUF, slot)

                acc = jnp.where(lane_iota == e % L, val, acc)

                @pl.when(e % L == L - 1)
                def _():
                    out_v[pl.ds((e // L) * L, L)] = acc + bvec[:]
                acc = jnp.where(e % L == L - 1,
                                jnp.zeros((L,), jnp.float32), acc)
            return acc

        lax.fori_loop(0, b_per_w // NBUF, body,
                      jnp.zeros((L,), jnp.float32))
        pltpu.sync_copy(out_v, out_h.at[pl.ds(base, b_per_w)])

    return kern


def kernel(user, song, user_embedding, song_embedding, fc_w, fc_b):
    B = user.shape[0]
    D = user_embedding.shape[1]
    kern = _make_kernel(B, D)
    return kern(
        user.astype(jnp.int32),
        song.astype(jnp.int32),
        user_embedding.T,
        song_embedding.T,
        fc_w.reshape(D).astype(jnp.float32),
        jnp.broadcast_to(fc_b.reshape(1), (L,)).astype(jnp.float32),
    )

# --- scband reference (transcript-rebuilt; emitter-appended) ---
"""Pipeline reference for scband-music-recommender-69561290326254 (READ-ONLY COPY).

The authoritative reference and input builder live on the scoring server;
editing this copy changes nothing except your own understanding.
"""

import jax, jax.numpy as jnp
import numpy as np

NUM_USERS = 1000000
NUM_SONGS = 1000000
EMBED_DIM = 64
BATCH = 16384

def setup_inputs(seed: int = 0) -> dict:
    key = jax.random.key(seed)
    k_user, k_song, k_ue, k_se, k_w, k_b = jax.random.split(key, 6)
    user = jax.random.randint(k_user, (BATCH,), 0, NUM_USERS, dtype=jnp.int64 if jax.config.jax_enable_x64 else jnp.int32)
    song = jax.random.randint(k_song, (BATCH,), 0, NUM_SONGS, dtype=jnp.int64 if jax.config.jax_enable_x64 else jnp.int32)
    user_embedding = jax.random.normal(k_ue, (NUM_USERS, EMBED_DIM), dtype=jnp.float32)
    song_embedding = jax.random.normal(k_se, (NUM_SONGS, EMBED_DIM), dtype=jnp.float32)
    fc_w = jax.random.normal(k_w, (1, EMBED_DIM), dtype=jnp.float32) * (1.0 / np.sqrt(EMBED_DIM))
    fc_b = jnp.zeros((1,), dtype=jnp.float32)
    return {"user": user, "song": song, "user_embedding": user_embedding, "song_embedding": song_embedding, "fc_w": fc_w, "fc_b": fc_b}

def reference(user, song, user_embedding, song_embedding, fc_w, fc_b):
    # gather rows from embedding tables (SparseCore-mappable gathers)
    user_vec = jnp.take(user_embedding, user, axis=0)   # [B, D]
    song_vec = jnp.take(song_embedding, song, axis=0)   # [B, D]
    interaction = user_vec * song_vec                    # [B, D]
    out = interaction @ fc_w.T + fc_b                    # [B, 1]
    return jnp.squeeze(out, axis=-1)                     # [B]

if __name__ == "__main__":
    import jax
    _d = setup_inputs()
    print(jax.jit(kernel)(*tuple(_d.values())))

</pallas_src>

<mosaic_0001>
#map = affine_map<(d0, d1) -> (0)>
#map1 = affine_map<(d0, d1) -> (0, 0)>
module attributes {stable_mosaic.version = 14 : i64} {
  func.func @kern(%arg0: i32, %arg1: i32, %arg2: memref<16384xi32, #tpu.memory_space<hbm>>, %arg3: memref<16384xi32, #tpu.memory_space<hbm>>, %arg4: memref<64x1000000xf32, #tpu.memory_space<hbm>>, %arg5: memref<64x1000000xf32, #tpu.memory_space<hbm>>, %arg6: memref<64xf32, #tpu.memory_space<hbm>>, %arg7: memref<16xf32, #tpu.memory_space<hbm>>, %arg8: memref<16384xf32, #tpu.memory_space<hbm>>, %arg9: memref<512xi32, #tpu.memory_space<vmem>>, %arg10: memref<512xi32, #tpu.memory_space<vmem>>, %arg11: memref<512xi32, #tpu.memory_space<smem>>, %arg12: memref<512xi32, #tpu.memory_space<smem>>, %arg13: memref<4x64x128xf32, #tpu.memory_space<vmem>>, %arg14: memref<4x64x128xf32, #tpu.memory_space<vmem>>, %arg15: memref<64xf32, #tpu.memory_space<vmem>>, %arg16: memref<16xf32, #tpu.memory_space<vmem>>, %arg17: memref<512xf32, #tpu.memory_space<vmem>>, %arg18: memref<!tpu.dma_semaphore, #tpu.memory_space<semaphore_mem>>, %arg19: memref<!tpu.dma_semaphore, #tpu.memory_space<semaphore_mem>>, %arg20: memref<!tpu.dma_semaphore, #tpu.memory_space<semaphore_mem>>, %arg21: memref<!tpu.dma_semaphore, #tpu.memory_space<semaphore_mem>>) attributes {dimension_semantics = [#tpu.dimension_semantics<core_parallel>, #tpu.dimension_semantics<subcore_parallel>], iteration_bounds = array<i64: 2, 16>, scalar_prefetch = 0 : i64, scratch_operands = 13 : i64, tpu.core_type = #tpu.core_type<sc_vector_subcore>, window_params = [{transform_indices = #map}, {transform_indices = #map}, {transform_indices = #map1}, {transform_indices = #map1}, {transform_indices = #map}, {transform_indices = #map}, {transform_indices = #map}]} {
    %mul3A = arith.constant 2 : i32
    %mul3A_0 = arith.muli %arg1, %mul3A : i32
    %add3A = arith.addi %mul3A_0, %arg0 : i32
    %mul3A_1 = arith.constant 512 : i32
    %mul3A_2 = arith.muli %add3A, %mul3A_1 : i32
    "tpu.region"() ({
      %run_scoped3A = tpu.sem_alloc : memref<!tpu.dma_semaphore, #tpu.memory_space<semaphore_mem>>
      %dma_start3A_460 = tpu.memref_slice %arg2[%mul3A_2] : memref<16384xi32, #tpu.memory_space<hbm>> -> memref<512xi32, #tpu.memory_space<hbm>>
      %dma_start3A_461 = tpu.memref_slice %arg2[%mul3A_2] : memref<16384xi32, #tpu.memory_space<hbm>> -> memref<512xi32, #tpu.memory_space<hbm>>
      tpu.enqueue_dma source(%dma_start3A_461 : memref<512xi32, #tpu.memory_space<hbm>>) target(%arg9 : memref<512xi32, #tpu.memory_space<vmem>>) target_semaphore(%run_scoped3A : memref<!tpu.dma_semaphore, #tpu.memory_space<semaphore_mem>>)
      %dma_wait3A = tpu.memref_slice %arg2[%mul3A_2] : memref<16384xi32, #tpu.memory_space<hbm>> -> memref<512xi32, #tpu.memory_space<hbm>>
      %dma_wait3A_462 = tpu.memref_slice %arg2[%mul3A_2] : memref<16384xi32, #tpu.memory_space<hbm>> -> memref<512xi32, #tpu.memory_space<hbm>>
      tpu.wait_dma2 semaphore(%run_scoped3A : memref<!tpu.dma_semaphore, #tpu.memory_space<semaphore_mem>>) src(%dma_wait3A_462 : memref<512xi32, #tpu.memory_space<hbm>>) dst(%arg9 : memref<512xi32, #tpu.memory_space<vmem>>)
      tpu.yield
    }) : () -> ()
    "tpu.region"() ({
      %run_scoped3A = tpu.sem_alloc : memref<!tpu.dma_semaphore, #tpu.memory_space<semaphore_mem>>
      %dma_start3A_460 = tpu.memref_slice %arg3[%mul3A_2] : memref<16384xi32, #tpu.memory_space<hbm>> -> memref<512xi32, #tpu.memory_space<hbm>>
      %dma_start3A_461 = tpu.memref_slice %arg3[%mul3A_2] : memref<16384xi32, #tpu.memory_space<hbm>> -> memref<512xi32, #tpu.memory_space<hbm>>
      tpu.enqueue_dma source(%dma_start3A_461 : memref<512xi32, #tpu.memory_space<hbm>>) target(%arg10 : memref<512xi32, #tpu.memory_space<vmem>>) target_semaphore(%run_scoped3A : memref<!tpu.dma_semaphore, #tpu.memory_space<semaphore_mem>>)
      %dma_wait3A = tpu.memref_slice %arg3[%mul3A_2] : memref<16384xi32, #tpu.memory_space<hbm>> -> memref<512xi32, #tpu.memory_space<hbm>>
      %dma_wait3A_462 = tpu.memref_slice %arg3[%mul3A_2] : memref<16384xi32, #tpu.memory_space<hbm>> -> memref<512xi32, #tpu.memory_space<hbm>>
      tpu.wait_dma2 semaphore(%run_scoped3A : memref<!tpu.dma_semaphore, #tpu.memory_space<semaphore_mem>>) src(%dma_wait3A_462 : memref<512xi32, #tpu.memory_space<hbm>>) dst(%arg10 : memref<512xi32, #tpu.memory_space<vmem>>)
      tpu.yield
    }) : () -> ()
    "tpu.region"() ({
      %run_scoped3A = tpu.sem_alloc : memref<!tpu.dma_semaphore, #tpu.memory_space<semaphore_mem>>
      tpu.enqueue_dma source(%arg6 : memref<64xf32, #tpu.memory_space<hbm>>) target(%arg15 : memref<64xf32, #tpu.memory_space<vmem>>) target_semaphore(%run_scoped3A : memref<!tpu.dma_semaphore, #tpu.memory_space<semaphore_mem>>)
      tpu.wait_dma2 semaphore(%run_scoped3A : memref<!tpu.dma_semaphore, #tpu.memory_space<semaphore_mem>>) src(%arg6 : memref<64xf32, #tpu.memory_space<hbm>>) dst(%arg15 : memref<64xf32, #tpu.memory_space<vmem>>)
      tpu.yield
    }) : () -> ()
    "tpu.region"() ({
      %run_scoped3A = tpu.sem_alloc : memref<!tpu.dma_semaphore, #tpu.memory_space<semaphore_mem>>
      tpu.enqueue_dma source(%arg7 : memref<16xf32, #tpu.memory_space<hbm>>) target(%arg16 : memref<16xf32, #tpu.memory_space<vmem>>) target_semaphore(%run_scoped3A : memref<!tpu.dma_semaphore, #tpu.memory_space<semaphore_mem>>)
      tpu.wait_dma2 semaphore(%run_scoped3A : memref<!tpu.dma_semaphore, #tpu.memory_space<semaphore_mem>>) src(%arg7 : memref<16xf32, #tpu.memory_space<hbm>>) dst(%arg16 : memref<16xf32, #tpu.memory_space<vmem>>)
      tpu.yield
    }) : () -> ()
    %get3A = arith.constant 0 : index
    %get3A_3 = tpu.vector_load %arg15[%get3A] {strides = array<i32>} : memref<64xf32, #tpu.memory_space<vmem>>, vector<16xf32>,
    %get3A_4 = arith.constant 16 : index
    %get3A_5 = tpu.vector_load %arg15[%get3A_4] {strides = array<i32>} : memref<64xf32, #tpu.memory_space<vmem>>, vector<16xf32>,
    %get3A_6 = arith.constant 32 : index
    %get3A_7 = tpu.vector_load %arg15[%get3A_6] {strides = array<i32>} : memref<64xf32, #tpu.memory_space<vmem>>, vector<16xf32>,
    %get3A_8 = arith.constant 48 : index
    %get3A_9 = tpu.vector_load %arg15[%get3A_8] {strides = array<i32>} : memref<64xf32, #tpu.memory_space<vmem>>, vector<16xf32>,
    %iota3A = tpu.iota {dimensions = array<i32: 0>} : vector<16xi32>
    %scan3A = arith.constant 0 : i32
    %scan3A_10 = arith.constant 0 : i32
    %scan3A_11 = arith.constant 32 : i32
    %scan3A_12 = arith.addi %scan3A_10, %scan3A_11 : i32
    %scan3A_13 = arith.constant 1 : i32
    scf.for %scan3A_460 = %scan3A_10 to %scan3A_12 step %scan3A_13  : i32 {
      %mul3A_461 = arith.constant 16 : i32
      %mul3A_462 = arith.muli %scan3A_460, %mul3A_461 : i32
      %get3A_463 = arith.index_cast %mul3A_462 : i32 to index
      %get3A_464 = tpu.vector_load %arg9[%get3A_463] {strides = array<i32>} : memref<512xi32, #tpu.memory_space<vmem>>, vector<16xi32>,
      %mul3A_465 = arith.constant 16 : i32
      %mul3A_466 = arith.muli %scan3A_460, %mul3A_465 : i32
      %get3A_467 = arith.index_cast %mul3A_466 : i32 to index
      %get3A_468 = tpu.vector_load %arg10[%get3A_467] {strides = array<i32>} : memref<512xi32, #tpu.memory_space<vmem>>, vector<16xi32>,
      %eq3A = arith.constant 0 : i32
      %eq3A_469 = vector.broadcast %eq3A : i32 to vector<16xi32>
      %eq3A_470 = arith.cmpi eq, %iota3A, %eq3A_469 : vector<16xi32>
      %jit3A_471 = arith.constant 0 : i32
      %broadcast_in_dim3A_472 = vector.broadcast %jit3A_471 : i32 to vector<16xi32>
      %select_n3A_473 = arith.select %eq3A_470, %get3A_464, %broadcast_in_dim3A_472 : vector<16xi1>, vector<16xi32>
      %reduce_sum3A = arith.constant true
      %reduce_sum3A_474 = vector.broadcast %reduce_sum3A : i1 to vector<16xi1>
      %reduce_sum3A_475 = tpu.scan <sum>, %select_n3A_473 masked %reduce_sum3A_474 : vector<16xi32>, vector<16xi1> -> vector<16xi32>
      %reduce_sum3A_476 = vector.extract %reduce_sum3A_475[15] : i32 from vector<16xi32>
      %mul3A_477 = arith.constant 16 : i32
      %mul3A_478 = arith.muli %scan3A_460, %mul3A_477 : i32
      %add3A_479 = arith.constant 0 : i32
      %add3A_480 = arith.addi %mul3A_478, %add3A_479 : i32
      %swap3A = arith.index_cast %add3A_480 : i32 to index
      %swap3A_481 = memref.load %arg11[%swap3A] : memref<512xi32, #tpu.memory_space<smem>>
      memref.store %reduce_sum3A_476, %arg11[%swap3A] : memref<512xi32, #tpu.memory_space<smem>>
      %jit3A_482 = arith.constant 0 : i32
      %broadcast_in_dim3A_483 = vector.broadcast %jit3A_482 : i32 to vector<16xi32>
      %select_n3A_484 = arith.select %eq3A_470, %get3A_468, %broadcast_in_dim3A_483 : vector<16xi1>, vector<16xi32>
      %reduce_sum3A_485 = arith.constant true
      %reduce_sum3A_486 = vector.broadcast %reduce_sum3A_485 : i1 to vector<16xi1>
      %reduce_sum3A_487 = tpu.scan <sum>, %select_n3A_484 masked %reduce_sum3A_486 : vector<16xi32>, vector<16xi1> -> vector<16xi32>
      %reduce_sum3A_488 = vector.extract %reduce_sum3A_487[15] : i32 from vector<16xi32>
      %mul3A_489 = arith.constant 16 : i32
      %mul3A_490 = arith.muli %scan3A_460, %mul3A_489 : i32
      %add3A_491 = arith.constant 0 : i32
      %add3A_492 = arith.addi %mul3A_490, %add3A_491 : i32
      %swap3A_493 = arith.index_cast %add3A_492 : i32 to index
      %swap3A_494 = memref.load %arg12[%swap3A_493] : memref<512xi32, #tpu.memory_space<smem>>
      memref.store %reduce_sum3A_488, %arg12[%swap3A_493] : memref<512xi32, #tpu.memory_space<smem>>
      %eq3A_495 = arith.constant 1 : i32
      %eq3A_496 = vector.broadcast %eq3A_495 : i32 to vector<16xi32>
      %eq3A_497 = arith.cmpi eq, %iota3A, %eq3A_496 : vector<16xi32>
      %jit3A_498 = arith.constant 0 : i32
      %broadcast_in_dim3A_499 = vector.broadcast %jit3A_498 : i32 to vector<16xi32>
      %select_n3A_500 = arith.select %eq3A_497, %get3A_464, %broadcast_in_dim3A_499 : vector<16xi1>, vector<16xi32>
      %reduce_sum3A_501 = arith.constant true
      %reduce_sum3A_502 = vector.broadcast %reduce_sum3A_501 : i1 to vector<16xi1>
      %reduce_sum3A_503 = tpu.scan <sum>, %select_n3A_500 masked %reduce_sum3A_502 : vector<16xi32>, vector<16xi1> -> vector<16xi32>
      %reduce_sum3A_504 = vector.extract %reduce_sum3A_503[15] : i32 from vector<16xi32>
      %mul3A_505 = arith.constant 16 : i32
      %mul3A_506 = arith.muli %scan3A_460, %mul3A_505 : i32
      %add3A_507 = arith.constant 1 : i32
      %add3A_508 = arith.addi %mul3A_506, %add3A_507 : i32
      %swap3A_509 = arith.index_cast %add3A_508 : i32 to index
      %swap3A_510 = memref.load %arg11[%swap3A_509] : memref<512xi32, #tpu.memory_space<smem>>
      memref.store %reduce_sum3A_504, %arg11[%swap3A_509] : memref<512xi32, #tpu.memory_space<smem>>
      %jit3A_511 = arith.constant 0 : i32
      %broadcast_in_dim3A_512 = vector.broadcast %jit3A_511 : i32 to vector<16xi32>
      %select_n3A_513 = arith.select %eq3A_497, %get3A_468, %broadcast_in_dim3A_512 : vector<16xi1>, vector<16xi32>
      %reduce_sum3A_514 = arith.constant true
      %reduce_sum3A_515 = vector.broadcast %reduce_sum3A_514 : i1 to vector<16xi1>
      %reduce_sum3A_516 = tpu.scan <sum>, %select_n3A_513 masked %reduce_sum3A_515 : vector<16xi32>, vector<16xi1> -> vector<16xi32>
      %reduce_sum3A_517 = vector.extract %reduce_sum3A_516[15] : i32 from vector<16xi32>
      %mul3A_518 = arith.constant 16 : i32
      %mul3A_519 = arith.muli %scan3A_460, %mul3A_518 : i32
      %add3A_520 = arith.constant 1 : i32
      %add3A_521 = arith.addi %mul3A_519, %add3A_520 : i32
      %swap3A_522 = arith.index_cast %add3A_521 : i32 to index
      %swap3A_523 = memref.load %arg12[%swap3A_522] : memref<512xi32, #tpu.memory_space<smem>>
      memref.store %reduce_sum3A_517, %arg12[%swap3A_522] : memref<512xi32, #tpu.memory_space<smem>>
      %eq3A_524 = arith.constant 2 : i32
      %eq3A_525 = vector.broadcast %eq3A_524 : i32 to vector<16xi32>
      %eq3A_526 = arith.cmpi eq, %iota3A, %eq3A_525 : vector<16xi32>
      %jit3A_527 = arith.constant 0 : i32
      %broadcast_in_dim3A_528 = vector.broadcast %jit3A_527 : i32 to vector<16xi32>
      %select_n3A_529 = arith.select %eq3A_526, %get3A_464, %broadcast_in_dim3A_528 : vector<16xi1>, vector<16xi32>
      %reduce_sum3A_530 = arith.constant true
      %reduce_sum3A_531 = vector.broadcast %reduce_sum3A_530 : i1 to vector<16xi1>
      %reduce_sum3A_532 = tpu.scan <sum>, %select_n3A_529 masked %reduce_sum3A_531 : vector<16xi32>, vector<16xi1> -> vector<16xi32>
      %reduce_sum3A_533 = vector.extract %reduce_sum3A_532[15] : i32 from vector<16xi32>
      %mul3A_534 = arith.constant 16 : i32
      %mul3A_535 = arith.muli %scan3A_460, %mul3A_534 : i32
      %add3A_536 = arith.constant 2 : i32
      %add3A_537 = arith.addi %mul3A_535, %add3A_536 : i32
      %swap3A_538 = arith.index_cast %add3A_537 : i32 to index
      %swap3A_539 = memref.load %arg11[%swap3A_538] : memref<512xi32, #tpu.memory_space<smem>>
      memref.store %reduce_sum3A_533, %arg11[%swap3A_538] : memref<512xi32, #tpu.memory_space<smem>>
      %jit3A_540 = arith.constant 0 : i32
      %broadcast_in_dim3A_541 = vector.broadcast %jit3A_540 : i32 to vector<16xi32>
      %select_n3A_542 = arith.select %eq3A_526, %get3A_468, %broadcast_in_dim3A_541 : vector<16xi1>, vector<16xi32>
      %reduce_sum3A_543 = arith.constant true
      %reduce_sum3A_544 = vector.broadcast %reduce_sum3A_543 : i1 to vector<16xi1>
      %reduce_sum3A_545 = tpu.scan <sum>, %select_n3A_542 masked %reduce_sum3A_544 : vector<16xi32>, vector<16xi1> -> vector<16xi32>
      %reduce_sum3A_546 = vector.extract %reduce_sum3A_545[15] : i32 from vector<16xi32>
      %mul3A_547 = arith.constant 16 : i32
      %mul3A_548 = arith.muli %scan3A_460, %mul3A_547 : i32
      %add3A_549 = arith.constant 2 : i32
      %add3A_550 = arith.addi %mul3A_548, %add3A_549 : i32
      %swap3A_551 = arith.index_cast %add3A_550 : i32 to index
      %swap3A_552 = memref.load %arg12[%swap3A_551] : memref<512xi32, #tpu.memory_space<smem>>
      memref.store %reduce_sum3A_546, %arg12[%swap3A_551] : memref<512xi32, #tpu.memory_space<smem>>
      %eq3A_553 = arith.constant 3 : i32
      %eq3A_554 = vector.broadcast %eq3A_553 : i32 to vector<16xi32>
      %eq3A_555 = arith.cmpi eq, %iota3A, %eq3A_554 : vector<16xi32>
      %jit3A_556 = arith.constant 0 : i32
      %broadcast_in_dim3A_557 = vector.broadcast %jit3A_556 : i32 to vector<16xi32>
      %select_n3A_558 = arith.select %eq3A_555, %get3A_464, %broadcast_in_dim3A_557 : vector<16xi1>, vector<16xi32>
      %reduce_sum3A_559 = arith.constant true
      %reduce_sum3A_560 = vector.broadcast %reduce_sum3A_559 : i1 to vector<16xi1>
      %reduce_sum3A_561 = tpu.scan <sum>, %select_n3A_558 masked %reduce_sum3A_560 : vector<16xi32>, vector<16xi1> -> vector<16xi32>
      %reduce_sum3A_562 = vector.extract %reduce_sum3A_561[15] : i32 from vector<16xi32>
      %mul3A_563 = arith.constant 16 : i32
      %mul3A_564 = arith.muli %scan3A_460, %mul3A_563 : i32
      %add3A_565 = arith.constant 3 : i32
      %add3A_566 = arith.addi %mul3A_564, %add3A_565 : i32
      %swap3A_567 = arith.index_cast %add3A_566 : i32 to index
      %swap3A_568 = memref.load %arg11[%swap3A_567] : memref<512xi32, #tpu.memory_space<smem>>
      memref.store %reduce_sum3A_562, %arg11[%swap3A_567] : memref<512xi32, #tpu.memory_space<smem>>
      %jit3A_569 = arith.constant 0 : i32
      %broadcast_in_dim3A_570 = vector.broadcast %jit3A_569 : i32 to vector<16xi32>
      %select_n3A_571 = arith.select %eq3A_555, %get3A_468, %broadcast_in_dim3A_570 : vector<16xi1>, vector<16xi32>
      %reduce_sum3A_572 = arith.constant true
      %reduce_sum3A_573 = vector.broadcast %reduce_sum3A_572 : i1 to vector<16xi1>
      %reduce_sum3A_574 = tpu.scan <sum>, %select_n3A_571 masked %reduce_sum3A_573 : vector<16xi32>, vector<16xi1> -> vector<16xi32>
      %reduce_sum3A_575 = vector.extract %reduce_sum3A_574[15] : i32 from vector<16xi32>
      %mul3A_576 = arith.constant 16 : i32
      %mul3A_577 = arith.muli %scan3A_460, %mul3A_576 : i32
      %add3A_578 = arith.constant 3 : i32
      %add3A_579 = arith.addi %mul3A_577, %add3A_578 : i32
      %swap3A_580 = arith.index_cast %add3A_579 : i32 to index
      %swap3A_581 = memref.load %arg12[%swap3A_580] : memref<512xi32, #tpu.memory_space<smem>>
      memref.store %reduce_sum3A_575, %arg12[%swap3A_580] : memref<512xi32, #tpu.memory_space<smem>>
      %eq3A_582 = arith.constant 4 : i32
      %eq3A_583 = vector.broadcast %eq3A_582 : i32 to vector<16xi32>
      %eq3A_584 = arith.cmpi eq, %iota3A, %eq3A_583 : vector<16xi32>
      %jit3A_585 = arith.constant 0 : i32
      %broadcast_in_dim3A_586 = vector.broadcast %jit3A_585 : i32 to vector<16xi32>
      %select_n3A_587 = arith.select %eq3A_584, %get3A_464, %broadcast_in_dim3A_586 : vector<16xi1>, vector<16xi32>
      %reduce_sum3A_588 = arith.constant true
      %reduce_sum3A_589 = vector.broadcast %reduce_sum3A_588 : i1 to vector<16xi1>
      %reduce_sum3A_590 = tpu.scan <sum>, %select_n3A_587 masked %reduce_sum3A_589 : vector<16xi32>, vector<16xi1> -> vector<16xi32>
      %reduce_sum3A_591 = vector.extract %reduce_sum3A_590[15] : i32 from vector<16xi32>
      %mul3A_592 = arith.constant 16 : i32
      %mul3A_593 = arith.muli %scan3A_460, %mul3A_592 : i32
      %add3A_594 = arith.constant 4 : i32
      %add3A_595 = arith.addi %mul3A_593, %add3A_594 : i32
      %swap3A_596 = arith.index_cast %add3A_595 : i32 to index
      %swap3A_597 = memref.load %arg11[%swap3A_596] : memref<512xi32, #tpu.memory_space<smem>>
      memref.store %reduce_sum3A_591, %arg11[%swap3A_596] : memref<512xi32, #tpu.memory_space<smem>>
      %jit3A_598 = arith.constant 0 : i32
      %broadcast_in_dim3A_599 = vector.broadcast %jit3A_598 : i32 to vector<16xi32>
      %select_n3A_600 = arith.select %eq3A_584, %get3A_468, %broadcast_in_dim3A_599 : vector<16xi1>, vector<16xi32>
      %reduce_sum3A_601 = arith.constant true
      %reduce_sum3A_602 = vector.broadcast %reduce_sum3A_601 : i1 to vector<16xi1>
      %reduce_sum3A_603 = tpu.scan <sum>, %select_n3A_600 masked %reduce_sum3A_602 : vector<16xi32>, vector<16xi1> -> vector<16xi32>
      %reduce_sum3A_604 = vector.extract %reduce_sum3A_603[15] : i32 from vector<16xi32>
      %mul3A_605 = arith.constant 16 : i32
      %mul3A_606 = arith.muli %scan3A_460, %mul3A_605 : i32
      %add3A_607 = arith.constant 4 : i32
      %add3A_608 = arith.addi %mul3A_606, %add3A_607 : i32
      %swap3A_609 = arith.index_cast %add3A_608 : i32 to index
      %swap3A_610 = memref.load %arg12[%swap3A_609] : memref<512xi32, #tpu.memory_space<smem>>
      memref.store %reduce_sum3A_604, %arg12[%swap3A_609] : memref<512xi32, #tpu.memory_space<smem>>
      %eq3A_611 = arith.constant 5 : i32
      %eq3A_612 = vector.broadcast %eq3A_611 : i32 to vector<16xi32>
      %eq3A_613 = arith.cmpi eq, %iota3A, %eq3A_612 : vector<16xi32>
      %jit3A_614 = arith.constant 0 : i32
      %broadcast_in_dim3A_615 = vector.broadcast %jit3A_614 : i32 to vector<16xi32>
      %select_n3A_616 = arith.select %eq3A_613, %get3A_464, %broadcast_in_dim3A_615 : vector<16xi1>, vector<16xi32>
      %reduce_sum3A_617 = arith.constant true
      %reduce_sum3A_618 = vector.broadcast %reduce_sum3A_617 : i1 to vector<16xi1>
      %reduce_sum3A_619 = tpu.scan <sum>, %select_n3A_616 masked %reduce_sum3A_618 : vector<16xi32>, vector<16xi1> -> vector<16xi32>
      %reduce_sum3A_620 = vector.extract %reduce_sum3A_619[15] : i32 from vector<16xi32>
      %mul3A_621 = arith.constant 16 : i32
      %mul3A_622 = arith.muli %scan3A_460, %mul3A_621 : i32
      %add3A_623 = arith.constant 5 : i32
      %add3A_624 = arith.addi %mul3A_622, %add3A_623 : i32
      %swap3A_625 = arith.index_cast %add3A_624 : i32 to index
      %swap3A_626 = memref.load %arg11[%swap3A_625] : memref<512xi32, #tpu.memory_space<smem>>
      memref.store %reduce_sum3A_620, %arg11[%swap3A_625] : memref<512xi32, #tpu.memory_space<smem>>
      %jit3A_627 = arith.constant 0 : i32
      %broadcast_in_dim3A_628 = vector.broadcast %jit3A_627 : i32 to vector<16xi32>
      %select_n3A_629 = arith.select %eq3A_613, %get3A_468, %broadcast_in_dim3A_628 : vector<16xi1>, vector<16xi32>
      %reduce_sum3A_630 = arith.constant true
      %reduce_sum3A_631 = vector.broadcast %reduce_sum3A_630 : i1 to vector<16xi1>
      %reduce_sum3A_632 = tpu.scan <sum>, %select_n3A_629 masked %reduce_sum3A_631 : vector<16xi32>, vector<16xi1> -> vector<16xi32>
      %reduce_sum3A_633 = vector.extract %reduce_sum3A_632[15] : i32 from vector<16xi32>
      %mul3A_634 = arith.constant 16 : i32
      %mul3A_635 = arith.muli %scan3A_460, %mul3A_634 : i32
      %add3A_636 = arith.constant 5 : i32
      %add3A_637 = arith.addi %mul3A_635, %add3A_636 : i32
      %swap3A_638 = arith.index_cast %add3A_637 : i32 to index
      %swap3A_639 = memref.load %arg12[%swap3A_638] : memref<512xi32, #tpu.memory_space<smem>>
      memref.store %reduce_sum3A_633, %arg12[%swap3A_638] : memref<512xi32, #tpu.memory_space<smem>>
      %eq3A_640 = arith.constant 6 : i32
      %eq3A_641 = vector.broadcast %eq3A_640 : i32 to vector<16xi32>
      %eq3A_642 = arith.cmpi eq, %iota3A, %eq3A_641 : vector<16xi32>
      %jit3A_643 = arith.constant 0 : i32
      %broadcast_in_dim3A_644 = vector.broadcast %jit3A_643 : i32 to vector<16xi32>
      %select_n3A_645 = arith.select %eq3A_642, %get3A_464, %broadcast_in_dim3A_644 : vector<16xi1>, vector<16xi32>
      %reduce_sum3A_646 = arith.constant true
      %reduce_sum3A_647 = vector.broadcast %reduce_sum3A_646 : i1 to vector<16xi1>
      %reduce_sum3A_648 = tpu.scan <sum>, %select_n3A_645 masked %reduce_sum3A_647 : vector<16xi32>, vector<16xi1> -> vector<16xi32>
      %reduce_sum3A_649 = vector.extract %reduce_sum3A_648[15] : i32 from vector<16xi32>
      %mul3A_650 = arith.constant 16 : i32
      %mul3A_651 = arith.muli %scan3A_460, %mul3A_650 : i32
      %add3A_652 = arith.constant 6 : i32
      %add3A_653 = arith.addi %mul3A_651, %add3A_652 : i32
      %swap3A_654 = arith.index_cast %add3A_653 : i32 to index
      %swap3A_655 = memref.load %arg11[%swap3A_654] : memref<512xi32, #tpu.memory_space<smem>>
      memref.store %reduce_sum3A_649, %arg11[%swap3A_654] : memref<512xi32, #tpu.memory_space<smem>>
      %jit3A_656 = arith.constant 0 : i32
      %broadcast_in_dim3A_657 = vector.broadcast %jit3A_656 : i32 to vector<16xi32>
      %select_n3A_658 = arith.select %eq3A_642, %get3A_468, %broadcast_in_dim3A_657 : vector<16xi1>, vector<16xi32>
      %reduce_sum3A_659 = arith.constant true
      %reduce_sum3A_660 = vector.broadcast %reduce_sum3A_659 : i1 to vector<16xi1>
      %reduce_sum3A_661 = tpu.scan <sum>, %select_n3A_658 masked %reduce_sum3A_660 : vector<16xi32>, vector<16xi1> -> vector<16xi32>
      %reduce_sum3A_662 = vector.extract %reduce_sum3A_661[15] : i32 from vector<16xi32>
      %mul3A_663 = arith.constant 16 : i32
      %mul3A_664 = arith.muli %scan3A_460, %mul3A_663 : i32
      %add3A_665 = arith.constant 6 : i32
      %add3A_666 = arith.addi %mul3A_664, %add3A_665 : i32
      %swap3A_667 = arith.index_cast %add3A_666 : i32 to index
      %swap3A_668 = memref.load %arg12[%swap3A_667] : memref<512xi32, #tpu.memory_space<smem>>
      memref.store %reduce_sum3A_662, %arg12[%swap3A_667] : memref<512xi32, #tpu.memory_space<smem>>
      %eq3A_669 = arith.constant 7 : i32
      %eq3A_670 = vector.broadcast %eq3A_669 : i32 to vector<16xi32>
      %eq3A_671 = arith.cmpi eq, %iota3A, %eq3A_670 : vector<16xi32>
      %jit3A_672 = arith.constant 0 : i32
      %broadcast_in_dim3A_673 = vector.broadcast %jit3A_672 : i32 to vector<16xi32>
      %select_n3A_674 = arith.select %eq3A_671, %get3A_464, %broadcast_in_dim3A_673 : vector<16xi1>, vector<16xi32>
      %reduce_sum3A_675 = arith.constant true
      %reduce_sum3A_676 = vector.broadcast %reduce_sum3A_675 : i1 to vector<16xi1>
      %reduce_sum3A_677 = tpu.scan <sum>, %select_n3A_674 masked %reduce_sum3A_676 : vector<16xi32>, vector<16xi1> -> vector<16xi32>
      %reduce_sum3A_678 = vector.extract %reduce_sum3A_677[15] : i32 from vector<16xi32>
      %mul3A_679 = arith.constant 16 : i32
      %mul3A_680 = arith.muli %scan3A_460, %mul3A_679 : i32
      %add3A_681 = arith.constant 7 : i32
      %add3A_682 = arith.addi %mul3A_680, %add3A_681 : i32
      %swap3A_683 = arith.index_cast %add3A_682 : i32 to index
      %swap3A_684 = memref.load %arg11[%swap3A_683] : memref<512xi32, #tpu.memory_space<smem>>
      memref.store %reduce_sum3A_678, %arg11[%swap3A_683] : memref<512xi32, #tpu.memory_space<smem>>
      %jit3A_685 = arith.constant 0 : i32
      %broadcast_in_dim3A_686 = vector.broadcast %jit3A_685 : i32 to vector<16xi32>
      %select_n3A_687 = arith.select %eq3A_671, %get3A_468, %broadcast_in_dim3A_686 : vector<16xi1>, vector<16xi32>
      %reduce_sum3A_688 = arith.constant true
      %reduce_sum3A_689 = vector.broadcast %reduce_sum3A_688 : i1 to vector<16xi1>
      %reduce_sum3A_690 = tpu.scan <sum>, %select_n3A_687 masked %reduce_sum3A_689 : vector<16xi32>, vector<16xi1> -> vector<16xi32>
      %reduce_sum3A_691 = vector.extract %reduce_sum3A_690[15] : i32 from vector<16xi32>
      %mul3A_692 = arith.constant 16 : i32
      %mul3A_693 = arith.muli %scan3A_460, %mul3A_692 : i32
      %add3A_694 = arith.constant 7 : i32
      %add3A_695 = arith.addi %mul3A_693, %add3A_694 : i32
      %swap3A_696 = arith.index_cast %add3A_695 : i32 to index
      %swap3A_697 = memref.load %arg12[%swap3A_696] : memref<512xi32, #tpu.memory_space<smem>>
      memref.store %reduce_sum3A_691, %arg12[%swap3A_696] : memref<512xi32, #tpu.memory_space<smem>>
      %eq3A_698 = arith.constant 8 : i32
      %eq3A_699 = vector.broadcast %eq3A_698 : i32 to vector<16xi32>
      %eq3A_700 = arith.cmpi eq, %iota3A, %eq3A_699 : vector<16xi32>
      %jit3A_701 = arith.constant 0 : i32
      %broadcast_in_dim3A_702 = vector.broadcast %jit3A_701 : i32 to vector<16xi32>
      %select_n3A_703 = arith.select %eq3A_700, %get3A_464, %broadcast_in_dim3A_702 : vector<16xi1>, vector<16xi32>
      %reduce_sum3A_704 = arith.constant true
      %reduce_sum3A_705 = vector.broadcast %reduce_sum3A_704 : i1 to vector<16xi1>
      %reduce_sum3A_706 = tpu.scan <sum>, %select_n3A_703 masked %reduce_sum3A_705 : vector<16xi32>, vector<16xi1> -> vector<16xi32>
      %reduce_sum3A_707 = vector.extract %reduce_sum3A_706[15] : i32 from vector<16xi32>
      %mul3A_708 = arith.constant 16 : i32
      %mul3A_709 = arith.muli %scan3A_460, %mul3A_708 : i32
      %add3A_710 = arith.constant 8 : i32
      %add3A_711 = arith.addi %mul3A_709, %add3A_710 : i32
      %swap3A_712 = arith.index_cast %add3A_711 : i32 to index
      %swap3A_713 = memref.load %arg11[%swap3A_712] : memref<512xi32, #tpu.memory_space<smem>>
      memref.store %reduce_sum3A_707, %arg11[%swap3A_712] : memref<512xi32, #tpu.memory_space<smem>>
      %jit3A_714 = arith.constant 0 : i32
      %broadcast_in_dim3A_715 = vector.broadcast %jit3A_714 : i32 to vector<16xi32>
      %select_n3A_716 = arith.select %eq3A_700, %get3A_468, %broadcast_in_dim3A_715 : vector<16xi1>, vector<16xi32>
      %reduce_sum3A_717 = arith.constant true
      %reduce_sum3A_718 = vector.broadcast %reduce_sum3A_717 : i1 to vector<16xi1>
      %reduce_sum3A_719 = tpu.scan <sum>, %select_n3A_716 masked %reduce_sum3A_718 : vector<16xi32>, vector<16xi1> -> vector<16xi32>
      %reduce_sum3A_720 = vector.extract %reduce_sum3A_719[15] : i32 from vector<16xi32>
      %mul3A_721 = arith.constant 16 : i32
      %mul3A_722 = arith.muli %scan3A_460, %mul3A_721 : i32
      %add3A_723 = arith.constant 8 : i32
      %add3A_724 = arith.addi %mul3A_722, %add3A_723 : i32
      %swap3A_725 = arith.index_cast %add3A_724 : i32 to index
      %swap3A_726 = memref.load %arg12[%swap3A_725] : memref<512xi32, #tpu.memory_space<smem>>
      memref.store %reduce_sum3A_720, %arg12[%swap3A_725] : memref<512xi32, #tpu.memory_space<smem>>
      %eq3A_727 = arith.constant 9 : i32
      %eq3A_728 = vector.broadcast %eq3A_727 : i32 to vector<16xi32>
      %eq3A_729 = arith.cmpi eq, %iota3A, %eq3A_728 : vector<16xi32>
      %jit3A_730 = arith.constant 0 : i32
      %broadcast_in_dim3A_731 = vector.broadcast %jit3A_730 : i32 to vector<16xi32>
      %select_n3A_732 = arith.select %eq3A_729, %get3A_464, %broadcast_in_dim3A_731 : vector<16xi1>, vector<16xi32>
      %reduce_sum3A_733 = arith.constant true
      %reduce_sum3A_734 = vector.broadcast %reduce_sum3A_733 : i1 to vector<16xi1>
      %reduce_sum3A_735 = tpu.scan <sum>, %select_n3A_732 masked %reduce_sum3A_734 : vector<16xi32>, vector<16xi1> -> vector<16xi32>
      %reduce_sum3A_736 = vector.extract %reduce_sum3A_735[15] : i32 from vector<16xi32>
      %mul3A_737 = arith.constant 16 : i32
      %mul3A_738 = arith.muli %scan3A_460, %mul3A_737 : i32
      %add3A_739 = arith.constant 9 : i32
      %add3A_740 = arith.addi %mul3A_738, %add3A_739 : i32
      %swap3A_741 = arith.index_cast %add3A_740 : i32 to index
      %swap3A_742 = memref.load %arg11[%swap3A_741] : memref<512xi32, #tpu.memory_space<smem>>
      memref.store %reduce_sum3A_736, %arg11[%swap3A_741] : memref<512xi32, #tpu.memory_space<smem>>
      %jit3A_743 = arith.constant 0 : i32
      %broadcast_in_dim3A_744 = vector.broadcast %jit3A_743 : i32 to vector<16xi32>
      %select_n3A_745 = arith.select %eq3A_729, %get3A_468, %broadcast_in_dim3A_744 : vector<16xi1>, vector<16xi32>
      %reduce_sum3A_746 = arith.constant true
      %reduce_sum3A_747 = vector.broadcast %reduce_sum3A_746 : i1 to vector<16xi1>
      %reduce_sum3A_748 = tpu.scan <sum>, %select_n3A_745 masked %reduce_sum3A_747 : vector<16xi32>, vector<16xi1> -> vector<16xi32>
      %reduce_sum3A_749 = vector.extract %reduce_sum3A_748[15] : i32 from vector<16xi32>
      %mul3A_750 = arith.constant 16 : i32
      %mul3A_751 = arith.muli %scan3A_460, %mul3A_750 : i32
      %add3A_752 = arith.constant 9 : i32
      %add3A_753 = arith.addi %mul3A_751, %add3A_752 : i32
      %swap3A_754 = arith.index_cast %add3A_753 : i32 to index
      %swap3A_755 = memref.load %arg12[%swap3A_754] : memref<512xi32, #tpu.memory_space<smem>>
      memref.store %reduce_sum3A_749, %arg12[%swap3A_754] : memref<512xi32, #tpu.memory_space<smem>>
      %eq3A_756 = arith.constant 10 : i32
      %eq3A_757 = vector.broadcast %eq3A_756 : i32 to vector<16xi32>
      %eq3A_758 = arith.cmpi eq, %iota3A, %eq3A_757 : vector<16xi32>
      %jit3A_759 = arith.constant 0 : i32
      %broadcast_in_dim3A_760 = vector.broadcast %jit3A_759 : i32 to vector<16xi32>
      %select_n3A_761 = arith.select %eq3A_758, %get3A_464, %broadcast_in_dim3A_760 : vector<16xi1>, vector<16xi32>
      %reduce_sum3A_762 = arith.constant true
      %reduce_sum3A_763 = vector.broadcast %reduce_sum3A_762 : i1 to vector<16xi1>
      %reduce_sum3A_764 = tpu.scan <sum>, %select_n3A_761 masked %reduce_sum3A_763 : vector<16xi32>, vector<16xi1> -> vector<16xi32>
      %reduce_sum3A_765 = vector.extract %reduce_sum3A_764[15] : i32 from vector<16xi32>
      %mul3A_766 = arith.constant 16 : i32
      %mul3A_767 = arith.muli %scan3A_460, %mul3A_766 : i32
      %add3A_768 = arith.constant 10 : i32
      %add3A_769 = arith.addi %mul3A_767, %add3A_768 : i32
      %swap3A_770 = arith.index_cast %add3A_769 : i32 to index
      %swap3A_771 = memref.load %arg11[%swap3A_770] : memref<512xi32, #tpu.memory_space<smem>>
      memref.store %reduce_sum3A_765, %arg11[%swap3A_770] : memref<512xi32, #tpu.memory_space<smem>>
      %jit3A_772 = arith.constant 0 : i32
      %broadcast_in_dim3A_773 = vector.broadcast %jit3A_772 : i32 to vector<16xi32>
      %select_n3A_774 = arith.select %eq3A_758, %get3A_468, %broadcast_in_dim3A_773 : vector<16xi1>, vector<16xi32>
      %reduce_sum3A_775 = arith.constant true
      %reduce_sum3A_776 = vector.broadcast %reduce_sum3A_775 : i1 to vector<16xi1>
      %reduce_sum3A_777 = tpu.scan <sum>, %select_n3A_774 masked %reduce_sum3A_776 : vector<16xi32>, vector<16xi1> -> vector<16xi32>
      %reduce_sum3A_778 = vector.extract %reduce_sum3A_777[15] : i32 from vector<16xi32>
      %mul3A_779 = arith.constant 16 : i32
      %mul3A_780 = arith.muli %scan3A_460, %mul3A_779 : i32
      %add3A_781 = arith.constant 10 : i32
      %add3A_782 = arith.addi %mul3A_780, %add3A_781 : i32
      %swap3A_783 = arith.index_cast %add3A_782 : i32 to index
      %swap3A_784 = memref.load %arg12[%swap3A_783] : memref<512xi32, #tpu.memory_space<smem>>
      memref.store %reduce_sum3A_778, %arg12[%swap3A_783] : memref<512xi32, #tpu.memory_space<smem>>
      %eq3A_785 = arith.constant 11 : i32
      %eq3A_786 = vector.broadcast %eq3A_785 : i32 to vector<16xi32>
      %eq3A_787 = arith.cmpi eq, %iota3A, %eq3A_786 : vector<16xi32>
      %jit3A_788 = arith.constant 0 : i32
      %broadcast_in_dim3A_789 = vector.broadcast %jit3A_788 : i32 to vector<16xi32>
      %select_n3A_790 = arith.select %eq3A_787, %get3A_464, %broadcast_in_dim3A_789 : vector<16xi1>, vector<16xi32>
      %reduce_sum3A_791 = arith.constant true
      %reduce_sum3A_792 = vector.broadcast %reduce_sum3A_791 : i1 to vector<16xi1>
      %reduce_sum3A_793 = tpu.scan <sum>, %select_n3A_790 masked %reduce_sum3A_792 : vector<16xi32>, vector<16xi1> -> vector<16xi32>
      %reduce_sum3A_794 = vector.extract %reduce_sum3A_793[15] : i32 from vector<16xi32>
      %mul3A_795 = arith.constant 16 : i32
      %mul3A_796 = arith.muli %scan3A_460, %mul3A_795 : i32
      %add3A_797 = arith.constant 11 : i32
      %add3A_798 = arith.addi %mul3A_796, %add3A_797 : i32
      %swap3A_799 = arith.index_cast %add3A_798 : i32 to index
      %swap3A_800 = memref.load %arg11[%swap3A_799] : memref<512xi32, #tpu.memory_space<smem>>
      memref.store %reduce_sum3A_794, %arg11[%swap3A_799] : memref<512xi32, #tpu.memory_space<smem>>
      %jit3A_801 = arith.constant 0 : i32
      %broadcast_in_dim3A_802 = vector.broadcast %jit3A_801 : i32 to vector<16xi32>
      %select_n3A_803 = arith.select %eq3A_787, %get3A_468, %broadcast_in_dim3A_802 : vector<16xi1>, vector<16xi32>
      %reduce_sum3A_804 = arith.constant true
      %reduce_sum3A_805 = vector.broadcast %reduce_sum3A_804 : i1 to vector<16xi1>
      %reduce_sum3A_806 = tpu.scan <sum>, %select_n3A_803 masked %reduce_sum3A_805 : vector<16xi32>, vector<16xi1> -> vector<16xi32>
      %reduce_sum3A_807 = vector.extract %reduce_sum3A_806[15] : i32 from vector<16xi32>
      %mul3A_808 = arith.constant 16 : i32
      %mul3A_809 = arith.muli %scan3A_460, %mul3A_808 : i32
      %add3A_810 = arith.constant 11 : i32
      %add3A_811 = arith.addi %mul3A_809, %add3A_810 : i32
      %swap3A_812 = arith.index_cast %add3A_811 : i32 to index
      %swap3A_813 = memref.load %arg12[%swap3A_812] : memref<512xi32, #tpu.memory_space<smem>>
      memref.store %reduce_sum3A_807, %arg12[%swap3A_812] : memref<512xi32, #tpu.memory_space<smem>>
      %eq3A_814 = arith.constant 12 : i32
      %eq3A_815 = vector.broadcast %eq3A_814 : i32 to vector<16xi32>
      %eq3A_816 = arith.cmpi eq, %iota3A, %eq3A_815 : vector<16xi32>
      %jit3A_817 = arith.constant 0 : i32
      %broadcast_in_dim3A_818 = vector.broadcast %jit3A_817 : i32 to vector<16xi32>
      %select_n3A_819 = arith.select %eq3A_816, %get3A_464, %broadcast_in_dim3A_818 : vector<16xi1>, vector<16xi32>
      %reduce_sum3A_820 = arith.constant true
      %reduce_sum3A_821 = vector.broadcast %reduce_sum3A_820 : i1 to vector<16xi1>
      %reduce_sum3A_822 = tpu.scan <sum>, %select_n3A_819 masked %reduce_sum3A_821 : vector<16xi32>, vector<16xi1> -> vector<16xi32>
      %reduce_sum3A_823 = vector.extract %reduce_sum3A_822[15] : i32 from vector<16xi32>
      %mul3A_824 = arith.constant 16 : i32
      %mul3A_825 = arith.muli %scan3A_460, %mul3A_824 : i32
      %add3A_826 = arith.constant 12 : i32
      %add3A_827 = arith.addi %mul3A_825, %add3A_826 : i32
      %swap3A_828 = arith.index_cast %add3A_827 : i32 to index
      %swap3A_829 = memref.load %arg11[%swap3A_828] : memref<512xi32, #tpu.memory_space<smem>>
      memref.store %reduce_sum3A_823, %arg11[%swap3A_828] : memref<512xi32, #tpu.memory_space<smem>>
      %jit3A_830 = arith.constant 0 : i32
      %broadcast_in_dim3A_831 = vector.broadcast %jit3A_830 : i32 to vector<16xi32>
      %select_n3A_832 = arith.select %eq3A_816, %get3A_468, %broadcast_in_dim3A_831 : vector<16xi1>, vector<16xi32>
      %reduce_sum3A_833 = arith.constant true
      %reduce_sum3A_834 = vector.broadcast %reduce_sum3A_833 : i1 to vector<16xi1>
      %reduce_sum3A_835 = tpu.scan <sum>, %select_n3A_832 masked %reduce_sum3A_834 : vector<16xi32>, vector<16xi1> -> vector<16xi32>
      %reduce_sum3A_836 = vector.extract %reduce_sum3A_835[15] : i32 from vector<16xi32>
      %mul3A_837 = arith.constant 16 : i32
      %mul3A_838 = arith.muli %scan3A_460, %mul3A_837 : i32
      %add3A_839 = arith.constant 12 : i32
      %add3A_840 = arith.addi %mul3A_838, %add3A_839 : i32
      %swap3A_841 = arith.index_cast %add3A_840 : i32 to index
      %swap3A_842 = memref.load %arg12[%swap3A_841] : memref<512xi32, #tpu.memory_space<smem>>
      memref.store %reduce_sum3A_836, %arg12[%swap3A_841] : memref<512xi32, #tpu.memory_space<smem>>
      %eq3A_843 = arith.constant 13 : i32
      %eq3A_844 = vector.broadcast %eq3A_843 : i32 to vector<16xi32>
      %eq3A_845 = arith.cmpi eq, %iota3A, %eq3A_844 : vector<16xi32>
      %jit3A_846 = arith.constant 0 : i32
      %broadcast_in_dim3A_847 = vector.broadcast %jit3A_846 : i32 to vector<16xi32>
      %select_n3A_848 = arith.select %eq3A_845, %get3A_464, %broadcast_in_dim3A_847 : vector<16xi1>, vector<16xi32>
      %reduce_sum3A_849 = arith.constant true
      %reduce_sum3A_850 = vector.broadcast %reduce_sum3A_849 : i1 to vector<16xi1>
      %reduce_sum3A_851 = tpu.scan <sum>, %select_n3A_848 masked %reduce_sum3A_850 : vector<16xi32>, vector<16xi1> -> vector<16xi32>
      %reduce_sum3A_852 = vector.extract %reduce_sum3A_851[15] : i32 from vector<16xi32>
      %mul3A_853 = arith.constant 16 : i32
      %mul3A_854 = arith.muli %scan3A_460, %mul3A_853 : i32
      %add3A_855 = arith.constant 13 : i32
      %add3A_856 = arith.addi %mul3A_854, %add3A_855 : i32
      %swap3A_857 = arith.index_cast %add3A_856 : i32 to index
      %swap3A_858 = memref.load %arg11[%swap3A_857] : memref<512xi32, #tpu.memory_space<smem>>
      memref.store %reduce_sum3A_852, %arg11[%swap3A_857] : memref<512xi32, #tpu.memory_space<smem>>
      %jit3A_859 = arith.constant 0 : i32
      %broadcast_in_dim3A_860 = vector.broadcast %jit3A_859 : i32 to vector<16xi32>
      %select_n3A_861 = arith.select %eq3A_845, %get3A_468, %broadcast_in_dim3A_860 : vector<16xi1>, vector<16xi32>
      %reduce_sum3A_862 = arith.constant true
      %reduce_sum3A_863 = vector.broadcast %reduce_sum3A_862 : i1 to vector<16xi1>
      %reduce_sum3A_864 = tpu.scan <sum>, %select_n3A_861 masked %reduce_sum3A_863 : vector<16xi32>, vector<16xi1> -> vector<16xi32>
      %reduce_sum3A_865 = vector.extract %reduce_sum3A_864[15] : i32 from vector<16xi32>
      %mul3A_866 = arith.constant 16 : i32
      %mul3A_867 = arith.muli %scan3A_460, %mul3A_866 : i32
      %add3A_868 = arith.constant 13 : i32
      %add3A_869 = arith.addi %mul3A_867, %add3A_868 : i32
      %swap3A_870 = arith.index_cast %add3A_869 : i32 to index
      %swap3A_871 = memref.load %arg12[%swap3A_870] : memref<512xi32, #tpu.memory_space<smem>>
      memref.store %reduce_sum3A_865, %arg12[%swap3A_870] : memref<512xi32, #tpu.memory_space<smem>>
      %eq3A_872 = arith.constant 14 : i32
      %eq3A_873 = vector.broadcast %eq3A_872 : i32 to vector<16xi32>
      %eq3A_874 = arith.cmpi eq, %iota3A, %eq3A_873 : vector<16xi32>
      %jit3A_875 = arith.constant 0 : i32
      %broadcast_in_dim3A_876 = vector.broadcast %jit3A_875 : i32 to vector<16xi32>
      %select_n3A_877 = arith.select %eq3A_874, %get3A_464, %broadcast_in_dim3A_876 : vector<16xi1>, vector<16xi32>
      %reduce_sum3A_878 = arith.constant true
      %reduce_sum3A_879 = vector.broadcast %reduce_sum3A_878 : i1 to vector<16xi1>
      %reduce_sum3A_880 = tpu.scan <sum>, %select_n3A_877 masked %reduce_sum3A_879 : vector<16xi32>, vector<16xi1> -> vector<16xi32>
      %reduce_sum3A_881 = vector.extract %reduce_sum3A_880[15] : i32 from vector<16xi32>
      %mul3A_882 = arith.constant 16 : i32
      %mul3A_883 = arith.muli %scan3A_460, %mul3A_882 : i32
      %add3A_884 = arith.constant 14 : i32
      %add3A_885 = arith.addi %mul3A_883, %add3A_884 : i32
      %swap3A_886 = arith.index_cast %add3A_885 : i32 to index
      %swap3A_887 = memref.load %arg11[%swap3A_886] : memref<512xi32, #tpu.memory_space<smem>>
      memref.store %reduce_sum3A_881, %arg11[%swap3A_886] : memref<512xi32, #tpu.memory_space<smem>>
      %jit3A_888 = arith.constant 0 : i32
      %broadcast_in_dim3A_889 = vector.broadcast %jit3A_888 : i32 to vector<16xi32>
      %select_n3A_890 = arith.select %eq3A_874, %get3A_468, %broadcast_in_dim3A_889 : vector<16xi1>, vector<16xi32>
      %reduce_sum3A_891 = arith.constant true
      %reduce_sum3A_892 = vector.broadcast %reduce_sum3A_891 : i1 to vector<16xi1>
      %reduce_sum3A_893 = tpu.scan <sum>, %select_n3A_890 masked %reduce_sum3A_892 : vector<16xi32>, vector<16xi1> -> vector<16xi32>
      %reduce_sum3A_894 = vector.extract %reduce_sum3A_893[15] : i32 from vector<16xi32>
      %mul3A_895 = arith.constant 16 : i32
      %mul3A_896 = arith.muli %scan3A_460, %mul3A_895 : i32
      %add3A_897 = arith.constant 14 : i32
      %add3A_898 = arith.addi %mul3A_896, %add3A_897 : i32
      %swap3A_899 = arith.index_cast %add3A_898 : i32 to index
      %swap3A_900 = memref.load %arg12[%swap3A_899] : memref<512xi32, #tpu.memory_space<smem>>
      memref.store %reduce_sum3A_894, %arg12[%swap3A_899] : memref<512xi32, #tpu.memory_space<smem>>
      %eq3A_901 = arith.constant 15 : i32
      %eq3A_902 = vector.broadcast %eq3A_901 : i32 to vector<16xi32>
      %eq3A_903 = arith.cmpi eq, %iota3A, %eq3A_902 : vector<16xi32>
      %jit3A_904 = arith.constant 0 : i32
      %broadcast_in_dim3A_905 = vector.broadcast %jit3A_904 : i32 to vector<16xi32>
      %select_n3A_906 = arith.select %eq3A_903, %get3A_464, %broadcast_in_dim3A_905 : vector<16xi1>, vector<16xi32>
      %reduce_sum3A_907 = arith.constant true
      %reduce_sum3A_908 = vector.broadcast %reduce_sum3A_907 : i1 to vector<16xi1>
      %reduce_sum3A_909 = tpu.scan <sum>, %select_n3A_906 masked %reduce_sum3A_908 : vector<16xi32>, vector<16xi1> -> vector<16xi32>
      %reduce_sum3A_910 = vector.extract %reduce_sum3A_909[15] : i32 from vector<16xi32>
      %mul3A_911 = arith.constant 16 : i32
      %mul3A_912 = arith.muli %scan3A_460, %mul3A_911 : i32
      %add3A_913 = arith.constant 15 : i32
      %add3A_914 = arith.addi %mul3A_912, %add3A_913 : i32
      %swap3A_915 = arith.index_cast %add3A_914 : i32 to index
      %swap3A_916 = memref.load %arg11[%swap3A_915] : memref<512xi32, #tpu.memory_space<smem>>
      memref.store %reduce_sum3A_910, %arg11[%swap3A_915] : memref<512xi32, #tpu.memory_space<smem>>
      %jit3A_917 = arith.constant 0 : i32
      %broadcast_in_dim3A_918 = vector.broadcast %jit3A_917 : i32 to vector<16xi32>
      %select_n3A_919 = arith.select %eq3A_903, %get3A_468, %broadcast_in_dim3A_918 : vector<16xi1>, vector<16xi32>
      %reduce_sum3A_920 = arith.constant true
      %reduce_sum3A_921 = vector.broadcast %reduce_sum3A_920 : i1 to vector<16xi1>
      %reduce_sum3A_922 = tpu.scan <sum>, %select_n3A_919 masked %reduce_sum3A_921 : vector<16xi32>, vector<16xi1> -> vector<16xi32>
      %reduce_sum3A_923 = vector.extract %reduce_sum3A_922[15] : i32 from vector<16xi32>
      %mul3A_924 = arith.constant 16 : i32
      %mul3A_925 = arith.muli %scan3A_460, %mul3A_924 : i32
      %add3A_926 = arith.constant 15 : i32
      %add3A_927 = arith.addi %mul3A_925, %add3A_926 : i32
      %swap3A_928 = arith.index_cast %add3A_927 : i32 to index
      %swap3A_929 = memref.load %arg12[%swap3A_928] : memref<512xi32, #tpu.memory_space<smem>>
      memref.store %reduce_sum3A_923, %arg12[%swap3A_928] : memref<512xi32, #tpu.memory_space<smem>>
    }
    %scan3A_14 = arith.constant 32 : i32
    %get3A_15 = arith.constant 0 : i32
    %get3A_16 = arith.index_cast %get3A_15 : i32 to index
    %get3A_17 = memref.load %arg11[%get3A_16] : memref<512xi32, #tpu.memory_space<smem>>
    %get3A_18 = arith.constant 0 : i32
    %get3A_19 = arith.index_cast %get3A_18 : i32 to index
    %get3A_20 = memref.load %arg12[%get3A_19] : memref<512xi32, #tpu.memory_space<smem>>
    %jit3A = arith.constant 128 : i32
    %div3A = arith.divsi %get3A_17, %jit3A : i32
    %sign3A = arith.constant 0 : i32
    %sign3A_21 = arith.cmpi sgt, %get3A_17, %sign3A : i32
    %sign3A_22 = arith.extui %sign3A_21 : i1 to i32
    %sign3A_23 = arith.constant 0 : i32
    %sign3A_24 = arith.cmpi slt, %get3A_17, %sign3A_23 : i32
    %sign3A_25 = arith.extui %sign3A_24 : i1 to i32
    %sign3A_26 = arith.subi %sign3A_22, %sign3A_25 : i32
    %sign3A_27 = arith.constant 0 : i32
    %sign3A_28 = arith.cmpi sgt, %jit3A, %sign3A_27 : i32
    %sign3A_29 = arith.extui %sign3A_28 : i1 to i32
    %sign3A_30 = arith.constant 0 : i32
    %sign3A_31 = arith.cmpi slt, %jit3A, %sign3A_30 : i32
    %sign3A_32 = arith.extui %sign3A_31 : i1 to i32
    %sign3A_33 = arith.subi %sign3A_29, %sign3A_32 : i32
    %ne3A = arith.cmpi ne, %sign3A_26, %sign3A_33 : i32
    %rem3A = arith.remsi %get3A_17, %jit3A : i32
    %ne3A_34 = arith.constant 0 : i32
    %ne3A_35 = arith.cmpi ne, %rem3A, %ne3A_34 : i32
    %and3A = arith.andi %ne3A, %ne3A_35 : i1
    %sub3A = arith.constant 1 : i32
    %sub3A_36 = arith.subi %div3A, %sub3A : i32
    %select_n3A = arith.select %and3A, %sub3A_36, %div3A : i32
    %mul3A_37 = arith.constant 128 : i32
    %mul3A_38 = arith.muli %select_n3A, %mul3A_37 : i32
    %multiple_of3A = tpu.assume_multiple %mul3A_38, 128 : i32
    %jit3A_39 = arith.constant 128 : i32
    %div3A_40 = arith.divsi %get3A_20, %jit3A_39 : i32
    %sign3A_41 = arith.constant 0 : i32
    %sign3A_42 = arith.cmpi sgt, %get3A_20, %sign3A_41 : i32
    %sign3A_43 = arith.extui %sign3A_42 : i1 to i32
    %sign3A_44 = arith.constant 0 : i32
    %sign3A_45 = arith.cmpi slt, %get3A_20, %sign3A_44 : i32
    %sign3A_46 = arith.extui %sign3A_45 : i1 to i32
    %sign3A_47 = arith.subi %sign3A_43, %sign3A_46 : i32
    %sign3A_48 = arith.constant 0 : i32
    %sign3A_49 = arith.cmpi sgt, %jit3A_39, %sign3A_48 : i32
    %sign3A_50 = arith.extui %sign3A_49 : i1 to i32
    %sign3A_51 = arith.constant 0 : i32
    %sign3A_52 = arith.cmpi slt, %jit3A_39, %sign3A_51 : i32
    %sign3A_53 = arith.extui %sign3A_52 : i1 to i32
    %sign3A_54 = arith.subi %sign3A_50, %sign3A_53 : i32
    %ne3A_55 = arith.cmpi ne, %sign3A_47, %sign3A_54 : i32
    %rem3A_56 = arith.remsi %get3A_20, %jit3A_39 : i32
    %ne3A_57 = arith.constant 0 : i32
    %ne3A_58 = arith.cmpi ne, %rem3A_56, %ne3A_57 : i32
    %and3A_59 = arith.andi %ne3A_55, %ne3A_58 : i1
    %sub3A_60 = arith.constant 1 : i32
    %sub3A_61 = arith.subi %div3A_40, %sub3A_60 : i32
    %select_n3A_62 = arith.select %and3A_59, %sub3A_61, %div3A_40 : i32
    %mul3A_63 = arith.constant 128 : i32
    %mul3A_64 = arith.muli %select_n3A_62, %mul3A_63 : i32
    %multiple_of3A_65 = tpu.assume_multiple %mul3A_64, 128 : i32
    %dma_start3A = arith.constant 0 : i32
    %dma_start3A_66 = arith.constant 0 : i32
    %dma_start3A_67 = arith.constant 0 : i32
    %dma_start3A_68 = tpu.memref_slice %arg13[%dma_start3A, %dma_start3A_66, %dma_start3A_67] : memref<4x64x128xf32, #tpu.memory_space<vmem>> -> memref<1x32x128xf32, #tpu.memory_space<vmem>>
    %dma_start3A_69 = tpu.memref_squeeze %dma_start3A_68 : memref<1x32x128xf32, #tpu.memory_space<vmem>> -> memref<32x128xf32, #tpu.memory_space<vmem>>
    %dma_start3A_70 = arith.constant 0 : i32
    %dma_start3A_71 = tpu.memref_slice %arg4[%dma_start3A_70, %multiple_of3A] : memref<64x1000000xf32, #tpu.memory_space<hbm>> -> memref<32x128xf32, #tpu.memory_space<hbm>>
    %dma_start3A_72 = arith.constant 0 : i32
    %dma_start3A_73 = arith.constant 0 : i32
    %dma_start3A_74 = tpu.memref_slice %arg13[%dma_start3A, %dma_start3A_72, %dma_start3A_73] : memref<4x64x128xf32, #tpu.memory_space<vmem>> -> memref<1x32x128xf32, #tpu.memory_space<vmem>>
    %dma_start3A_75 = tpu.memref_squeeze %dma_start3A_74 : memref<1x32x128xf32, #tpu.memory_space<vmem>> -> memref<32x128xf32, #tpu.memory_space<vmem>>
    %dma_start3A_76 = arith.constant 0 : i32
    %dma_start3A_77 = tpu.memref_slice %arg4[%dma_start3A_76, %multiple_of3A] : memref<64x1000000xf32, #tpu.memory_space<hbm>> -> memref<32x128xf32, #tpu.memory_space<hbm>>
    tpu.enqueue_dma source(%dma_start3A_77 : memref<32x128xf32, #tpu.memory_space<hbm>>) target(%dma_start3A_75 : memref<32x128xf32, #tpu.memory_space<vmem>>) target_semaphore(%arg18 : memref<!tpu.dma_semaphore, #tpu.memory_space<semaphore_mem>>)
    %dma_start3A_78 = arith.constant 0 : i32
    %dma_start3A_79 = arith.constant 0 : i32
    %dma_start3A_80 = arith.constant 0 : i32
    %dma_start3A_81 = tpu.memref_slice %arg14[%dma_start3A_78, %dma_start3A_79, %dma_start3A_80] : memref<4x64x128xf32, #tpu.memory_space<vmem>> -> memref<1x32x128xf32, #tpu.memory_space<vmem>>
    %dma_start3A_82 = tpu.memref_squeeze %dma_start3A_81 : memref<1x32x128xf32, #tpu.memory_space<vmem>> -> memref<32x128xf32, #tpu.memory_space<vmem>>
    %dma_start3A_83 = arith.constant 0 : i32
    %dma_start3A_84 = tpu.memref_slice %arg5[%dma_start3A_83, %multiple_of3A_65] : memref<64x1000000xf32, #tpu.memory_space<hbm>> -> memref<32x128xf32, #tpu.memory_space<hbm>>
    %dma_start3A_85 = arith.constant 0 : i32
    %dma_start3A_86 = arith.constant 0 : i32
    %dma_start3A_87 = tpu.memref_slice %arg14[%dma_start3A_78, %dma_start3A_85, %dma_start3A_86] : memref<4x64x128xf32, #tpu.memory_space<vmem>> -> memref<1x32x128xf32, #tpu.memory_space<vmem>>
    %dma_start3A_88 = tpu.memref_squeeze %dma_start3A_87 : memref<1x32x128xf32, #tpu.memory_space<vmem>> -> memref<32x128xf32, #tpu.memory_space<vmem>>
    %dma_start3A_89 = arith.constant 0 : i32
    %dma_start3A_90 = tpu.memref_slice %arg5[%dma_start3A_89, %multiple_of3A_65] : memref<64x1000000xf32, #tpu.memory_space<hbm>> -> memref<32x128xf32, #tpu.memory_space<hbm>>
    tpu.enqueue_dma source(%dma_start3A_90 : memref<32x128xf32, #tpu.memory_space<hbm>>) target(%dma_start3A_88 : memref<32x128xf32, #tpu.memory_space<vmem>>) target_semaphore(%arg18 : memref<!tpu.dma_semaphore, #tpu.memory_space<semaphore_mem>>)
    %dma_start3A_91 = arith.constant 0 : i32
    %dma_start3A_92 = arith.constant 32 : i32
    %dma_start3A_93 = arith.constant 0 : i32
    %dma_start3A_94 = tpu.memref_slice %arg13[%dma_start3A_91, %dma_start3A_92, %dma_start3A_93] : memref<4x64x128xf32, #tpu.memory_space<vmem>> -> memref<1x32x128xf32, #tpu.memory_space<vmem>>
    %dma_start3A_95 = tpu.memref_squeeze %dma_start3A_94 : memref<1x32x128xf32, #tpu.memory_space<vmem>> -> memref<32x128xf32, #tpu.memory_space<vmem>>
    %dma_start3A_96 = arith.constant 32 : i32
    %dma_start3A_97 = tpu.memref_slice %arg4[%dma_start3A_96, %multiple_of3A] : memref<64x1000000xf32, #tpu.memory_space<hbm>> -> memref<32x128xf32, #tpu.memory_space<hbm>>
    %dma_start3A_98 = arith.constant 32 : i32
    %dma_start3A_99 = arith.constant 0 : i32
    %dma_start3A_100 = tpu.memref_slice %arg13[%dma_start3A_91, %dma_start3A_98, %dma_start3A_99] : memref<4x64x128xf32, #tpu.memory_space<vmem>> -> memref<1x32x128xf32, #tpu.memory_space<vmem>>
    %dma_start3A_101 = tpu.memref_squeeze %dma_start3A_100 : memref<1x32x128xf32, #tpu.memory_space<vmem>> -> memref<32x128xf32, #tpu.memory_space<vmem>>
    %dma_start3A_102 = arith.constant 32 : i32
    %dma_start3A_103 = tpu.memref_slice %arg4[%dma_start3A_102, %multiple_of3A] : memref<64x1000000xf32, #tpu.memory_space<hbm>> -> memref<32x128xf32, #tpu.memory_space<hbm>>
    tpu.enqueue_dma source(%dma_start3A_103 : memref<32x128xf32, #tpu.memory_space<hbm>>) target(%dma_start3A_101 : memref<32x128xf32, #tpu.memory_space<vmem>>) target_semaphore(%arg18 : memref<!tpu.dma_semaphore, #tpu.memory_space<semaphore_mem>>)
    %dma_start3A_104 = arith.constant 0 : i32
    %dma_start3A_105 = arith.constant 32 : i32
    %dma_start3A_106 = arith.constant 0 : i32
    %dma_start3A_107 = tpu.memref_slice %arg14[%dma_start3A_104, %dma_start3A_105, %dma_start3A_106] : memref<4x64x128xf32, #tpu.memory_space<vmem>> -> memref<1x32x128xf32, #tpu.memory_space<vmem>>
    %dma_start3A_108 = tpu.memref_squeeze %dma_start3A_107 : memref<1x32x128xf32, #tpu.memory_space<vmem>> -> memref<32x128xf32, #tpu.memory_space<vmem>>
    %dma_start3A_109 = arith.constant 32 : i32
    %dma_start3A_110 = tpu.memref_slice %arg5[%dma_start3A_109, %multiple_of3A_65] : memref<64x1000000xf32, #tpu.memory_space<hbm>> -> memref<32x128xf32, #tpu.memory_space<hbm>>
    %dma_start3A_111 = arith.constant 32 : i32
    %dma_start3A_112 = arith.constant 0 : i32
    %dma_start3A_113 = tpu.memref_slice %arg14[%dma_start3A_104, %dma_start3A_111, %dma_start3A_112] : memref<4x64x128xf32, #tpu.memory_space<vmem>> -> memref<1x32x128xf32, #tpu.memory_space<vmem>>
    %dma_start3A_114 = tpu.memref_squeeze %dma_start3A_113 : memref<1x32x128xf32, #tpu.memory_space<vmem>> -> memref<32x128xf32, #tpu.memory_space<vmem>>
    %dma_start3A_115 = arith.constant 32 : i32
    %dma_start3A_116 = tpu.memref_slice %arg5[%dma_start3A_115, %multiple_of3A_65] : memref<64x1000000xf32, #tpu.memory_space<hbm>> -> memref<32x128xf32, #tpu.memory_space<hbm>>
    tpu.enqueue_dma source(%dma_start3A_116 : memref<32x128xf32, #tpu.memory_space<hbm>>) target(%dma_start3A_114 : memref<32x128xf32, #tpu.memory_space<vmem>>) target_semaphore(%arg18 : memref<!tpu.dma_semaphore, #tpu.memory_space<semaphore_mem>>)
    %get3A_117 = arith.constant 1 : i32
    %get3A_118 = arith.index_cast %get3A_117 : i32 to index
    %get3A_119 = memref.load %arg11[%get3A_118] : memref<512xi32, #tpu.memory_space<smem>>
    %get3A_120 = arith.constant 1 : i32
    %get3A_121 = arith.index_cast %get3A_120 : i32 to index
    %get3A_122 = memref.load %arg12[%get3A_121] : memref<512xi32, #tpu.memory_space<smem>>
    %jit3A_123 = arith.constant 128 : i32
    %div3A_124 = arith.divsi %get3A_119, %jit3A_123 : i32
    %sign3A_125 = arith.constant 0 : i32
    %sign3A_126 = arith.cmpi sgt, %get3A_119, %sign3A_125 : i32
    %sign3A_127 = arith.extui %sign3A_126 : i1 to i32
    %sign3A_128 = arith.constant 0 : i32
    %sign3A_129 = arith.cmpi slt, %get3A_119, %sign3A_128 : i32
    %sign3A_130 = arith.extui %sign3A_129 : i1 to i32
    %sign3A_131 = arith.subi %sign3A_127, %sign3A_130 : i32
    %sign3A_132 = arith.constant 0 : i32
    %sign3A_133 = arith.cmpi sgt, %jit3A_123, %sign3A_132 : i32
    %sign3A_134 = arith.extui %sign3A_133 : i1 to i32
    %sign3A_135 = arith.constant 0 : i32
    %sign3A_136 = arith.cmpi slt, %jit3A_123, %sign3A_135 : i32
    %sign3A_137 = arith.extui %sign3A_136 : i1 to i32
    %sign3A_138 = arith.subi %sign3A_134, %sign3A_137 : i32
    %ne3A_139 = arith.cmpi ne, %sign3A_131, %sign3A_138 : i32
    %rem3A_140 = arith.remsi %get3A_119, %jit3A_123 : i32
    %ne3A_141 = arith.constant 0 : i32
    %ne3A_142 = arith.cmpi ne, %rem3A_140, %ne3A_141 : i32
    %and3A_143 = arith.andi %ne3A_139, %ne3A_142 : i1
    %sub3A_144 = arith.constant 1 : i32
    %sub3A_145 = arith.subi %div3A_124, %sub3A_144 : i32
    %select_n3A_146 = arith.select %and3A_143, %sub3A_145, %div3A_124 : i32
    %mul3A_147 = arith.constant 128 : i32
    %mul3A_148 = arith.muli %select_n3A_146, %mul3A_147 : i32
    %multiple_of3A_149 = tpu.assume_multiple %mul3A_148, 128 : i32
    %jit3A_150 = arith.constant 128 : i32
    %div3A_151 = arith.divsi %get3A_122, %jit3A_150 : i32
    %sign3A_152 = arith.constant 0 : i32
    %sign3A_153 = arith.cmpi sgt, %get3A_122, %sign3A_152 : i32
    %sign3A_154 = arith.extui %sign3A_153 : i1 to i32
    %sign3A_155 = arith.constant 0 : i32
    %sign3A_156 = arith.cmpi slt, %get3A_122, %sign3A_155 : i32
    %sign3A_157 = arith.extui %sign3A_156 : i1 to i32
    %sign3A_158 = arith.subi %sign3A_154, %sign3A_157 : i32
    %sign3A_159 = arith.constant 0 : i32
    %sign3A_160 = arith.cmpi sgt, %jit3A_150, %sign3A_159 : i32
    %sign3A_161 = arith.extui %sign3A_160 : i1 to i32
    %sign3A_162 = arith.constant 0 : i32
    %sign3A_163 = arith.cmpi slt, %jit3A_150, %sign3A_162 : i32
    %sign3A_164 = arith.extui %sign3A_163 : i1 to i32
    %sign3A_165 = arith.subi %sign3A_161, %sign3A_164 : i32
    %ne3A_166 = arith.cmpi ne, %sign3A_158, %sign3A_165 : i32
    %rem3A_167 = arith.remsi %get3A_122, %jit3A_150 : i32
    %ne3A_168 = arith.constant 0 : i32
    %ne3A_169 = arith.cmpi ne, %rem3A_167, %ne3A_168 : i32
    %and3A_170 = arith.andi %ne3A_166, %ne3A_169 : i1
    %sub3A_171 = arith.constant 1 : i32
    %sub3A_172 = arith.subi %div3A_151, %sub3A_171 : i32
    %select_n3A_173 = arith.select %and3A_170, %sub3A_172, %div3A_151 : i32
    %mul3A_174 = arith.constant 128 : i32
    %mul3A_175 = arith.muli %select_n3A_173, %mul3A_174 : i32
    %multiple_of3A_176 = tpu.assume_multiple %mul3A_175, 128 : i32
    %dma_start3A_177 = arith.constant 1 : i32
    %dma_start3A_178 = arith.constant 0 : i32
    %dma_start3A_179 = arith.constant 0 : i32
    %dma_start3A_180 = tpu.memref_slice %arg13[%dma_start3A_177, %dma_start3A_178, %dma_start3A_179] : memref<4x64x128xf32, #tpu.memory_space<vmem>> -> memref<1x32x128xf32, #tpu.memory_space<vmem>>
    %dma_start3A_181 = tpu.memref_squeeze %dma_start3A_180 : memref<1x32x128xf32, #tpu.memory_space<vmem>> -> memref<32x128xf32, #tpu.memory_space<vmem>>
    %dma_start3A_182 = arith.constant 0 : i32
    %dma_start3A_183 = tpu.memref_slice %arg4[%dma_start3A_182, %multiple_of3A_149] : memref<64x1000000xf32, #tpu.memory_space<hbm>> -> memref<32x128xf32, #tpu.memory_space<hbm>>
    %dma_start3A_184 = arith.constant 0 : i32
    %dma_start3A_185 = arith.constant 0 : i32
    %dma_start3A_186 = tpu.memref_slice %arg13[%dma_start3A_177, %dma_start3A_184, %dma_start3A_185] : memref<4x64x128xf32, #tpu.memory_space<vmem>> -> memref<1x32x128xf32, #tpu.memory_space<vmem>>
    %dma_start3A_187 = tpu.memref_squeeze %dma_start3A_186 : memref<1x32x128xf32, #tpu.memory_space<vmem>> -> memref<32x128xf32, #tpu.memory_space<vmem>>
    %dma_start3A_188 = arith.constant 0 : i32
    %dma_start3A_189 = tpu.memref_slice %arg4[%dma_start3A_188, %multiple_of3A_149] : memref<64x1000000xf32, #tpu.memory_space<hbm>> -> memref<32x128xf32, #tpu.memory_space<hbm>>
    tpu.enqueue_dma source(%dma_start3A_189 : memref<32x128xf32, #tpu.memory_space<hbm>>) target(%dma_start3A_187 : memref<32x128xf32, #tpu.memory_space<vmem>>) target_semaphore(%arg19 : memref<!tpu.dma_semaphore, #tpu.memory_space<semaphore_mem>>)
    %dma_start3A_190 = arith.constant 1 : i32
    %dma_start3A_191 = arith.constant 0 : i32
    %dma_start3A_192 = arith.constant 0 : i32
    %dma_start3A_193 = tpu.memref_slice %arg14[%dma_start3A_190, %dma_start3A_191, %dma_start3A_192] : memref<4x64x128xf32, #tpu.memory_space<vmem>> -> memref<1x32x128xf32, #tpu.memory_space<vmem>>
    %dma_start3A_194 = tpu.memref_squeeze %dma_start3A_193 : memref<1x32x128xf32, #tpu.memory_space<vmem>> -> memref<32x128xf32, #tpu.memory_space<vmem>>
    %dma_start3A_195 = arith.constant 0 : i32
    %dma_start3A_196 = tpu.memref_slice %arg5[%dma_start3A_195, %multiple_of3A_176] : memref<64x1000000xf32, #tpu.memory_space<hbm>> -> memref<32x128xf32, #tpu.memory_space<hbm>>
    %dma_start3A_197 = arith.constant 0 : i32
    %dma_start3A_198 = arith.constant 0 : i32
    %dma_start3A_199 = tpu.memref_slice %arg14[%dma_start3A_190, %dma_start3A_197, %dma_start3A_198] : memref<4x64x128xf32, #tpu.memory_space<vmem>> -> memref<1x32x128xf32, #tpu.memory_space<vmem>>
    %dma_start3A_200 = tpu.memref_squeeze %dma_start3A_199 : memref<1x32x128xf32, #tpu.memory_space<vmem>> -> memref<32x128xf32, #tpu.memory_space<vmem>>
    %dma_start3A_201 = arith.constant 0 : i32
    %dma_start3A_202 = tpu.memref_slice %arg5[%dma_start3A_201, %multiple_of3A_176] : memref<64x1000000xf32, #tpu.memory_space<hbm>> -> memref<32x128xf32, #tpu.memory_space<hbm>>
    tpu.enqueue_dma source(%dma_start3A_202 : memref<32x128xf32, #tpu.memory_space<hbm>>) target(%dma_start3A_200 : memref<32x128xf32, #tpu.memory_space<vmem>>) target_semaphore(%arg19 : memref<!tpu.dma_semaphore, #tpu.memory_space<semaphore_mem>>)
    %dma_start3A_203 = arith.constant 1 : i32
    %dma_start3A_204 = arith.constant 32 : i32
    %dma_start3A_205 = arith.constant 0 : i32
    %dma_start3A_206 = tpu.memref_slice %arg13[%dma_start3A_203, %dma_start3A_204, %dma_start3A_205] : memref<4x64x128xf32, #tpu.memory_space<vmem>> -> memref<1x32x128xf32, #tpu.memory_space<vmem>>
    %dma_start3A_207 = tpu.memref_squeeze %dma_start3A_206 : memref<1x32x128xf32, #tpu.memory_space<vmem>> -> memref<32x128xf32, #tpu.memory_space<vmem>>
    %dma_start3A_208 = arith.constant 32 : i32
    %dma_start3A_209 = tpu.memref_slice %arg4[%dma_start3A_208, %multiple_of3A_149] : memref<64x1000000xf32, #tpu.memory_space<hbm>> -> memref<32x128xf32, #tpu.memory_space<hbm>>
    %dma_start3A_210 = arith.constant 32 : i32
    %dma_start3A_211 = arith.constant 0 : i32
    %dma_start3A_212 = tpu.memref_slice %arg13[%dma_start3A_203, %dma_start3A_210, %dma_start3A_211] : memref<4x64x128xf32, #tpu.memory_space<vmem>> -> memref<1x32x128xf32, #tpu.memory_space<vmem>>
    %dma_start3A_213 = tpu.memref_squeeze %dma_start3A_212 : memref<1x32x128xf32, #tpu.memory_space<vmem>> -> memref<32x128xf32, #tpu.memory_space<vmem>>
    %dma_start3A_214 = arith.constant 32 : i32
    %dma_start3A_215 = tpu.memref_slice %arg4[%dma_start3A_214, %multiple_of3A_149] : memref<64x1000000xf32, #tpu.memory_space<hbm>> -> memref<32x128xf32, #tpu.memory_space<hbm>>
    tpu.enqueue_dma source(%dma_start3A_215 : memref<32x128xf32, #tpu.memory_space<hbm>>) target(%dma_start3A_213 : memref<32x128xf32, #tpu.memory_space<vmem>>) target_semaphore(%arg19 : memref<!tpu.dma_semaphore, #tpu.memory_space<semaphore_mem>>)
    %dma_start3A_216 = arith.constant 1 : i32
    %dma_start3A_217 = arith.constant 32 : i32
    %dma_start3A_218 = arith.constant 0 : i32
    %dma_start3A_219 = tpu.memref_slice %arg14[%dma_start3A_216, %dma_start3A_217, %dma_start3A_218] : memref<4x64x128xf32, #tpu.memory_space<vmem>> -> memref<1x32x128xf32, #tpu.memory_space<vmem>>
    %dma_start3A_220 = tpu.memref_squeeze %dma_start3A_219 : memref<1x32x128xf32, #tpu.memory_space<vmem>> -> memref<32x128xf32, #tpu.memory_space<vmem>>
    %dma_start3A_221 = arith.constant 32 : i32
    %dma_start3A_222 = tpu.memref_slice %arg5[%dma_start3A_221, %multiple_of3A_176] : memref<64x1000000xf32, #tpu.memory_space<hbm>> -> memref<32x128xf32, #tpu.memory_space<hbm>>
    %dma_start3A_223 = arith.constant 32 : i32
    %dma_start3A_224 = arith.constant 0 : i32
    %dma_start3A_225 = tpu.memref_slice %arg14[%dma_start3A_216, %dma_start3A_223, %dma_start3A_224] : memref<4x64x128xf32, #tpu.memory_space<vmem>> -> memref<1x32x128xf32, #tpu.memory_space<vmem>>
    %dma_start3A_226 = tpu.memref_squeeze %dma_start3A_225 : memref<1x32x128xf32, #tpu.memory_space<vmem>> -> memref<32x128xf32, #tpu.memory_space<vmem>>
    %dma_start3A_227 = arith.constant 32 : i32
    %dma_start3A_228 = tpu.memref_slice %arg5[%dma_start3A_227, %multiple_of3A_176] : memref<64x1000000xf32, #tpu.memory_space<hbm>> -> memref<32x128xf32, #tpu.memory_space<hbm>>
    tpu.enqueue_dma source(%dma_start3A_228 : memref<32x128xf32, #tpu.memory_space<hbm>>) target(%dma_start3A_226 : memref<32x128xf32, #tpu.memory_space<vmem>>) target_semaphore(%arg19 : memref<!tpu.dma_semaphore, #tpu.memory_space<semaphore_mem>>)
    %get3A_229 = arith.constant 2 : i32
    %get3A_230 = arith.index_cast %get3A_229 : i32 to index
    %get3A_231 = memref.load %arg11[%get3A_230] : memref<512xi32, #tpu.memory_space<smem>>
    %get3A_232 = arith.constant 2 : i32
    %get3A_233 = arith.index_cast %get3A_232 : i32 to index
    %get3A_234 = memref.load %arg12[%get3A_233] : memref<512xi32, #tpu.memory_space<smem>>
    %jit3A_235 = arith.constant 128 : i32
    %div3A_236 = arith.divsi %get3A_231, %jit3A_235 : i32
    %sign3A_237 = arith.constant 0 : i32
    %sign3A_238 = arith.cmpi sgt, %get3A_231, %sign3A_237 : i32
    %sign3A_239 = arith.extui %sign3A_238 : i1 to i32
    %sign3A_240 = arith.constant 0 : i32
    %sign3A_241 = arith.cmpi slt, %get3A_231, %sign3A_240 : i32
    %sign3A_242 = arith.extui %sign3A_241 : i1 to i32
    %sign3A_243 = arith.subi %sign3A_239, %sign3A_242 : i32
    %sign3A_244 = arith.constant 0 : i32
    %sign3A_245 = arith.cmpi sgt, %jit3A_235, %sign3A_244 : i32
    %sign3A_246 = arith.extui %sign3A_245 : i1 to i32
    %sign3A_247 = arith.constant 0 : i32
    %sign3A_248 = arith.cmpi slt, %jit3A_235, %sign3A_247 : i32
    %sign3A_249 = arith.extui %sign3A_248 : i1 to i32
    %sign3A_250 = arith.subi %sign3A_246, %sign3A_249 : i32
    %ne3A_251 = arith.cmpi ne, %sign3A_243, %sign3A_250 : i32
    %rem3A_252 = arith.remsi %get3A_231, %jit3A_235 : i32
    %ne3A_253 = arith.constant 0 : i32
    %ne3A_254 = arith.cmpi ne, %rem3A_252, %ne3A_253 : i32
    %and3A_255 = arith.andi %ne3A_251, %ne3A_254 : i1
    %sub3A_256 = arith.constant 1 : i32
    %sub3A_257 = arith.subi %div3A_236, %sub3A_256 : i32
    %select_n3A_258 = arith.select %and3A_255, %sub3A_257, %div3A_236 : i32
    %mul3A_259 = arith.constant 128 : i32
    %mul3A_260 = arith.muli %select_n3A_258, %mul3A_259 : i32
    %multiple_of3A_261 = tpu.assume_multiple %mul3A_260, 128 : i32
    %jit3A_262 = arith.constant 128 : i32
    %div3A_263 = arith.divsi %get3A_234, %jit3A_262 : i32
    %sign3A_264 = arith.constant 0 : i32
    %sign3A_265 = arith.cmpi sgt, %get3A_234, %sign3A_264 : i32
    %sign3A_266 = arith.extui %sign3A_265 : i1 to i32
    %sign3A_267 = arith.constant 0 : i32
    %sign3A_268 = arith.cmpi slt, %get3A_234, %sign3A_267 : i32
    %sign3A_269 = arith.extui %sign3A_268 : i1 to i32
    %sign3A_270 = arith.subi %sign3A_266, %sign3A_269 : i32
    %sign3A_271 = arith.constant 0 : i32
    %sign3A_272 = arith.cmpi sgt, %jit3A_262, %sign3A_271 : i32
    %sign3A_273 = arith.extui %sign3A_272 : i1 to i32
    %sign3A_274 = arith.constant 0 : i32
    %sign3A_275 = arith.cmpi slt, %jit3A_262, %sign3A_274 : i32
    %sign3A_276 = arith.extui %sign3A_275 : i1 to i32
    %sign3A_277 = arith.subi %sign3A_273, %sign3A_276 : i32
    %ne3A_278 = arith.cmpi ne, %sign3A_270, %sign3A_277 : i32
    %rem3A_279 = arith.remsi %get3A_234, %jit3A_262 : i32
    %ne3A_280 = arith.constant 0 : i32
    %ne3A_281 = arith.cmpi ne, %rem3A_279, %ne3A_280 : i32
    %and3A_282 = arith.andi %ne3A_278, %ne3A_281 : i1
    %sub3A_283 = arith.constant 1 : i32
    %sub3A_284 = arith.subi %div3A_263, %sub3A_283 : i32
    %select_n3A_285 = arith.select %and3A_282, %sub3A_284, %div3A_263 : i32
    %mul3A_286 = arith.constant 128 : i32
    %mul3A_287 = arith.muli %select_n3A_285, %mul3A_286 : i32
    %multiple_of3A_288 = tpu.assume_multiple %mul3A_287, 128 : i32
    %dma_start3A_289 = arith.constant 2 : i32
    %dma_start3A_290 = arith.constant 0 : i32
    %dma_start3A_291 = arith.constant 0 : i32
    %dma_start3A_292 = tpu.memref_slice %arg13[%dma_start3A_289, %dma_start3A_290, %dma_start3A_291] : memref<4x64x128xf32, #tpu.memory_space<vmem>> -> memref<1x32x128xf32, #tpu.memory_space<vmem>>
    %dma_start3A_293 = tpu.memref_squeeze %dma_start3A_292 : memref<1x32x128xf32, #tpu.memory_space<vmem>> -> memref<32x128xf32, #tpu.memory_space<vmem>>
    %dma_start3A_294 = arith.constant 0 : i32
    %dma_start3A_295 = tpu.memref_slice %arg4[%dma_start3A_294, %multiple_of3A_261] : memref<64x1000000xf32, #tpu.memory_space<hbm>> -> memref<32x128xf32, #tpu.memory_space<hbm>>
    %dma_start3A_296 = arith.constant 0 : i32
    %dma_start3A_297 = arith.constant 0 : i32
    %dma_start3A_298 = tpu.memref_slice %arg13[%dma_start3A_289, %dma_start3A_296, %dma_start3A_297] : memref<4x64x128xf32, #tpu.memory_space<vmem>> -> memref<1x32x128xf32, #tpu.memory_space<vmem>>
    %dma_start3A_299 = tpu.memref_squeeze %dma_start3A_298 : memref<1x32x128xf32, #tpu.memory_space<vmem>> -> memref<32x128xf32, #tpu.memory_space<vmem>>
    %dma_start3A_300 = arith.constant 0 : i32
    %dma_start3A_301 = tpu.memref_slice %arg4[%dma_start3A_300, %multiple_of3A_261] : memref<64x1000000xf32, #tpu.memory_space<hbm>> -> memref<32x128xf32, #tpu.memory_space<hbm>>
    tpu.enqueue_dma source(%dma_start3A_301 : memref<32x128xf32, #tpu.memory_space<hbm>>) target(%dma_start3A_299 : memref<32x128xf32, #tpu.memory_space<vmem>>) target_semaphore(%arg20 : memref<!tpu.dma_semaphore, #tpu.memory_space<semaphore_mem>>)
    %dma_start3A_302 = arith.constant 2 : i32
    %dma_start3A_303 = arith.constant 0 : i32
    %dma_start3A_304 = arith.constant 0 : i32
    %dma_start3A_305 = tpu.memref_slice %arg14[%dma_start3A_302, %dma_start3A_303, %dma_start3A_304] : memref<4x64x128xf32, #tpu.memory_space<vmem>> -> memref<1x32x128xf32, #tpu.memory_space<vmem>>
    %dma_start3A_306 = tpu.memref_squeeze %dma_start3A_305 : memref<1x32x128xf32, #tpu.memory_space<vmem>> -> memref<32x128xf32, #tpu.memory_space<vmem>>
    %dma_start3A_307 = arith.constant 0 : i32
    %dma_start3A_308 = tpu.memref_slice %arg5[%dma_start3A_307, %multiple_of3A_288] : memref<64x1000000xf32, #tpu.memory_space<hbm>> -> memref<32x128xf32, #tpu.memory_space<hbm>>
    %dma_start3A_309 = arith.constant 0 : i32
    %dma_start3A_310 = arith.constant 0 : i32
    %dma_start3A_311 = tpu.memref_slice %arg14[%dma_start3A_302, %dma_start3A_309, %dma_start3A_310] : memref<4x64x128xf32, #tpu.memory_space<vmem>> -> memref<1x32x128xf32, #tpu.memory_space<vmem>>
    %dma_start3A_312 = tpu.memref_squeeze %dma_start3A_311 : memref<1x32x128xf32, #tpu.memory_space<vmem>> -> memref<32x128xf32, #tpu.memory_space<vmem>>
    %dma_start3A_313 = arith.constant 0 : i32
    %dma_start3A_314 = tpu.memref_slice %arg5[%dma_start3A_313, %multiple_of3A_288] : memref<64x1000000xf32, #tpu.memory_space<hbm>> -> memref<32x128xf32, #tpu.memory_space<hbm>>
    tpu.enqueue_dma source(%dma_start3A_314 : memref<32x128xf32, #tpu.memory_space<hbm>>) target(%dma_start3A_312 : memref<32x128xf32, #tpu.memory_space<vmem>>) target_semaphore(%arg20 : memref<!tpu.dma_semaphore, #tpu.memory_space<semaphore_mem>>)
    %dma_start3A_315 = arith.constant 2 : i32
    %dma_start3A_316 = arith.constant 32 : i32
    %dma_start3A_317 = arith.constant 0 : i32
    %dma_start3A_318 = tpu.memref_slice %arg13[%dma_start3A_315, %dma_start3A_316, %dma_start3A_317] : memref<4x64x128xf32, #tpu.memory_space<vmem>> -> memref<1x32x128xf32, #tpu.memory_space<vmem>>
    %dma_start3A_319 = tpu.memref_squeeze %dma_start3A_318 : memref<1x32x128xf32, #tpu.memory_space<vmem>> -> memref<32x128xf32, #tpu.memory_space<vmem>>
    %dma_start3A_320 = arith.constant 32 : i32
    %dma_start3A_321 = tpu.memref_slice %arg4[%dma_start3A_320, %multiple_of3A_261] : memref<64x1000000xf32, #tpu.memory_space<hbm>> -> memref<32x128xf32, #tpu.memory_space<hbm>>
    %dma_start3A_322 = arith.constant 32 : i32
    %dma_start3A_323 = arith.constant 0 : i32
    %dma_start3A_324 = tpu.memref_slice %arg13[%dma_start3A_315, %dma_start3A_322, %dma_start3A_323] : memref<4x64x128xf32, #tpu.memory_space<vmem>> -> memref<1x32x128xf32, #tpu.memory_space<vmem>>
    %dma_start3A_325 = tpu.memref_squeeze %dma_start3A_324 : memref<1x32x128xf32, #tpu.memory_space<vmem>> -> memref<32x128xf32, #tpu.memory_space<vmem>>
    %dma_start3A_326 = arith.constant 32 : i32
    %dma_start3A_327 = tpu.memref_slice %arg4[%dma_start3A_326, %multiple_of3A_261] : memref<64x1000000xf32, #tpu.memory_space<hbm>> -> memref<32x128xf32, #tpu.memory_space<hbm>>
    tpu.enqueue_dma source(%dma_start3A_327 : memref<32x128xf32, #tpu.memory_space<hbm>>) target(%dma_start3A_325 : memref<32x128xf32, #tpu.memory_space<vmem>>) target_semaphore(%arg20 : memref<!tpu.dma_semaphore, #tpu.memory_space<semaphore_mem>>)
    %dma_start3A_328 = arith.constant 2 : i32
    %dma_start3A_329 = arith.constant 32 : i32
    %dma_start3A_330 = arith.constant 0 : i32
    %dma_start3A_331 = tpu.memref_slice %arg14[%dma_start3A_328, %dma_start3A_329, %dma_start3A_330] : memref<4x64x128xf32, #tpu.memory_space<vmem>> -> memref<1x32x128xf32, #tpu.memory_space<vmem>>
    %dma_start3A_332 = tpu.memref_squeeze %dma_start3A_331 : memref<1x32x128xf32, #tpu.memory_space<vmem>> -> memref<32x128xf32, #tpu.memory_space<vmem>>
    %dma_start3A_333 = arith.constant 32 : i32
    %dma_start3A_334 = tpu.memref_slice %arg5[%dma_start3A_333, %multiple_of3A_288] : memref<64x1000000xf32, #tpu.memory_space<hbm>> -> memref<32x128xf32, #tpu.memory_space<hbm>>
    %dma_start3A_335 = arith.constant 32 : i32
    %dma_start3A_336 = arith.constant 0 : i32
    %dma_start3A_337 = tpu.memref_slice %arg14[%dma_start3A_328, %dma_start3A_335, %dma_start3A_336] : memref<4x64x128xf32, #tpu.memory_space<vmem>> -> memref<1x32x128xf32, #tpu.memory_space<vmem>>
    %dma_start3A_338 = tpu.memref_squeeze %dma_start3A_337 : memref<1x32x128xf32, #tpu.memory_space<vmem>> -> memref<32x128xf32, #tpu.memory_space<vmem>>
    %dma_start3A_339 = arith.constant 32 : i32
    %dma_start3A_340 = tpu.memref_slice %arg5[%dma_start3A_339, %multiple_of3A_288] : memref<64x1000000xf32, #tpu.memory_space<hbm>> -> memref<32x128xf32, #tpu.memory_space<hbm>>
    tpu.enqueue_dma source(%dma_start3A_340 : memref<32x128xf32, #tpu.memory_space<hbm>>) target(%dma_start3A_338 : memref<32x128xf32, #tpu.memory_space<vmem>>) target_semaphore(%arg20 : memref<!tpu.dma_semaphore, #tpu.memory_space<semaphore_mem>>)
    %get3A_341 = arith.constant 3 : i32
    %get3A_342 = arith.index_cast %get3A_341 : i32 to index
    %get3A_343 = memref.load %arg11[%get3A_342] : memref<512xi32, #tpu.memory_space<smem>>
    %get3A_344 = arith.constant 3 : i32
    %get3A_345 = arith.index_cast %get3A_344 : i32 to index
    %get3A_346 = memref.load %arg12[%get3A_345] : memref<512xi32, #tpu.memory_space<smem>>
    %jit3A_347 = arith.constant 128 : i32
    %div3A_348 = arith.divsi %get3A_343, %jit3A_347 : i32
    %sign3A_349 = arith.constant 0 : i32
    %sign3A_350 = arith.cmpi sgt, %get3A_343, %sign3A_349 : i32
    %sign3A_351 = arith.extui %sign3A_350 : i1 to i32
    %sign3A_352 = arith.constant 0 : i32
    %sign3A_353 = arith.cmpi slt, %get3A_343, %sign3A_352 : i32
    %sign3A_354 = arith.extui %sign3A_353 : i1 to i32
    %sign3A_355 = arith.subi %sign3A_351, %sign3A_354 : i32
    %sign3A_356 = arith.constant 0 : i32
    %sign3A_357 = arith.cmpi sgt, %jit3A_347, %sign3A_356 : i32
    %sign3A_358 = arith.extui %sign3A_357 : i1 to i32
    %sign3A_359 = arith.constant 0 : i32
    %sign3A_360 = arith.cmpi slt, %jit3A_347, %sign3A_359 : i32
    %sign3A_361 = arith.extui %sign3A_360 : i1 to i32
    %sign3A_362 = arith.subi %sign3A_358, %sign3A_361 : i32
    %ne3A_363 = arith.cmpi ne, %sign3A_355, %sign3A_362 : i32
    %rem3A_364 = arith.remsi %get3A_343, %jit3A_347 : i32
    %ne3A_365 = arith.constant 0 : i32
    %ne3A_366 = arith.cmpi ne, %rem3A_364, %ne3A_365 : i32
    %and3A_367 = arith.andi %ne3A_363, %ne3A_366 : i1
    %sub3A_368 = arith.constant 1 : i32
    %sub3A_369 = arith.subi %div3A_348, %sub3A_368 : i32
    %select_n3A_370 = arith.select %and3A_367, %sub3A_369, %div3A_348 : i32
    %mul3A_371 = arith.constant 128 : i32
    %mul3A_372 = arith.muli %select_n3A_370, %mul3A_371 : i32
    %multiple_of3A_373 = tpu.assume_multiple %mul3A_372, 128 : i32
    %jit3A_374 = arith.constant 128 : i32
    %div3A_375 = arith.divsi %get3A_346, %jit3A_374 : i32
    %sign3A_376 = arith.constant 0 : i32
    %sign3A_377 = arith.cmpi sgt, %get3A_346, %sign3A_376 : i32
    %sign3A_378 = arith.extui %sign3A_377 : i1 to i32
    %sign3A_379 = arith.constant 0 : i32
    %sign3A_380 = arith.cmpi slt, %get3A_346, %sign3A_379 : i32
    %sign3A_381 = arith.extui %sign3A_380 : i1 to i32
    %sign3A_382 = arith.subi %sign3A_378, %sign3A_381 : i32
    %sign3A_383 = arith.constant 0 : i32
    %sign3A_384 = arith.cmpi sgt, %jit3A_374, %sign3A_383 : i32
    %sign3A_385 = arith.extui %sign3A_384 : i1 to i32
    %sign3A_386 = arith.constant 0 : i32
    %sign3A_387 = arith.cmpi slt, %jit3A_374, %sign3A_386 : i32
    %sign3A_388 = arith.extui %sign3A_387 : i1 to i32
    %sign3A_389 = arith.subi %sign3A_385, %sign3A_388 : i32
    %ne3A_390 = arith.cmpi ne, %sign3A_382, %sign3A_389 : i32
    %rem3A_391 = arith.remsi %get3A_346, %jit3A_374 : i32
    %ne3A_392 = arith.constant 0 : i32
    %ne3A_393 = arith.cmpi ne, %rem3A_391, %ne3A_392 : i32
    %and3A_394 = arith.andi %ne3A_390, %ne3A_393 : i1
    %sub3A_395 = arith.constant 1 : i32
    %sub3A_396 = arith.subi %div3A_375, %sub3A_395 : i32
    %select_n3A_397 = arith.select %and3A_394, %sub3A_396, %div3A_375 : i32
    %mul3A_398 = arith.constant 128 : i32
    %mul3A_399 = arith.muli %select_n3A_397, %mul3A_398 : i32
    %multiple_of3A_400 = tpu.assume_multiple %mul3A_399, 128 : i32
    %dma_start3A_401 = arith.constant 3 : i32
    %dma_start3A_402 = arith.constant 0 : i32
    %dma_start3A_403 = arith.constant 0 : i32
    %dma_start3A_404 = tpu.memref_slice %arg13[%dma_start3A_401, %dma_start3A_402, %dma_start3A_403] : memref<4x64x128xf32, #tpu.memory_space<vmem>> -> memref<1x32x128xf32, #tpu.memory_space<vmem>>
    %dma_start3A_405 = tpu.memref_squeeze %dma_start3A_404 : memref<1x32x128xf32, #tpu.memory_space<vmem>> -> memref<32x128xf32, #tpu.memory_space<vmem>>
    %dma_start3A_406 = arith.constant 0 : i32
    %dma_start3A_407 = tpu.memref_slice %arg4[%dma_start3A_406, %multiple_of3A_373] : memref<64x1000000xf32, #tpu.memory_space<hbm>> -> memref<32x128xf32, #tpu.memory_space<hbm>>
    %dma_start3A_408 = arith.constant 0 : i32
    %dma_start3A_409 = arith.constant 0 : i32
    %dma_start3A_410 = tpu.memref_slice %arg13[%dma_start3A_401, %dma_start3A_408, %dma_start3A_409] : memref<4x64x128xf32, #tpu.memory_space<vmem>> -> memref<1x32x128xf32, #tpu.memory_space<vmem>>
    %dma_start3A_411 = tpu.memref_squeeze %dma_start3A_410 : memref<1x32x128xf32, #tpu.memory_space<vmem>> -> memref<32x128xf32, #tpu.memory_space<vmem>>
    %dma_start3A_412 = arith.constant 0 : i32
    %dma_start3A_413 = tpu.memref_slice %arg4[%dma_start3A_412, %multiple_of3A_373] : memref<64x1000000xf32, #tpu.memory_space<hbm>> -> memref<32x128xf32, #tpu.memory_space<hbm>>
    tpu.enqueue_dma source(%dma_start3A_413 : memref<32x128xf32, #tpu.memory_space<hbm>>) target(%dma_start3A_411 : memref<32x128xf32, #tpu.memory_space<vmem>>) target_semaphore(%arg21 : memref<!tpu.dma_semaphore, #tpu.memory_space<semaphore_mem>>)
    %dma_start3A_414 = arith.constant 3 : i32
    %dma_start3A_415 = arith.constant 0 : i32
    %dma_start3A_416 = arith.constant 0 : i32
    %dma_start3A_417 = tpu.memref_slice %arg14[%dma_start3A_414, %dma_start3A_415, %dma_start3A_416] : memref<4x64x128xf32, #tpu.memory_space<vmem>> -> memref<1x32x128xf32, #tpu.memory_space<vmem>>
    %dma_start3A_418 = tpu.memref_squeeze %dma_start3A_417 : memref<1x32x128xf32, #tpu.memory_space<vmem>> -> memref<32x128xf32, #tpu.memory_space<vmem>>
    %dma_start3A_419 = arith.constant 0 : i32
    %dma_start3A_420 = tpu.memref_slice %arg5[%dma_start3A_419, %multiple_of3A_400] : memref<64x1000000xf32, #tpu.memory_space<hbm>> -> memref<32x128xf32, #tpu.memory_space<hbm>>
    %dma_start3A_421 = arith.constant 0 : i32
    %dma_start3A_422 = arith.constant 0 : i32
    %dma_start3A_423 = tpu.memref_slice %arg14[%dma_start3A_414, %dma_start3A_421, %dma_start3A_422] : memref<4x64x128xf32, #tpu.memory_space<vmem>> -> memref<1x32x128xf32, #tpu.memory_space<vmem>>
    %dma_start3A_424 = tpu.memref_squeeze %dma_start3A_423 : memref<1x32x128xf32, #tpu.memory_space<vmem>> -> memref<32x128xf32, #tpu.memory_space<vmem>>
    %dma_start3A_425 = arith.constant 0 : i32
    %dma_start3A_426 = tpu.memref_slice %arg5[%dma_start3A_425, %multiple_of3A_400] : memref<64x1000000xf32, #tpu.memory_space<hbm>> -> memref<32x128xf32, #tpu.memory_space<hbm>>
    tpu.enqueue_dma source(%dma_start3A_426 : memref<32x128xf32, #tpu.memory_space<hbm>>) target(%dma_start3A_424 : memref<32x128xf32, #tpu.memory_space<vmem>>) target_semaphore(%arg21 : memref<!tpu.dma_semaphore, #tpu.memory_space<semaphore_mem>>)
    %dma_start3A_427 = arith.constant 3 : i32
    %dma_start3A_428 = arith.constant 32 : i32
    %dma_start3A_429 = arith.constant 0 : i32
    %dma_start3A_430 = tpu.memref_slice %arg13[%dma_start3A_427, %dma_start3A_428, %dma_start3A_429] : memref<4x64x128xf32, #tpu.memory_space<vmem>> -> memref<1x32x128xf32, #tpu.memory_space<vmem>>
    %dma_start3A_431 = tpu.memref_squeeze %dma_start3A_430 : memref<1x32x128xf32, #tpu.memory_space<vmem>> -> memref<32x128xf32, #tpu.memory_space<vmem>>
    %dma_start3A_432 = arith.constant 32 : i32
    %dma_start3A_433 = tpu.memref_slice %arg4[%dma_start3A_432, %multiple_of3A_373] : memref<64x1000000xf32, #tpu.memory_space<hbm>> -> memref<32x128xf32, #tpu.memory_space<hbm>>
    %dma_start3A_434 = arith.constant 32 : i32
    %dma_start3A_435 = arith.constant 0 : i32
    %dma_start3A_436 = tpu.memref_slice %arg13[%dma_start3A_427, %dma_start3A_434, %dma_start3A_435] : memref<4x64x128xf32, #tpu.memory_space<vmem>> -> memref<1x32x128xf32, #tpu.memory_space<vmem>>
    %dma_start3A_437 = tpu.memref_squeeze %dma_start3A_436 : memref<1x32x128xf32, #tpu.memory_space<vmem>> -> memref<32x128xf32, #tpu.memory_space<vmem>>
    %dma_start3A_438 = arith.constant 32 : i32
    %dma_start3A_439 = tpu.memref_slice %arg4[%dma_start3A_438, %multiple_of3A_373] : memref<64x1000000xf32, #tpu.memory_space<hbm>> -> memref<32x128xf32, #tpu.memory_space<hbm>>
    tpu.enqueue_dma source(%dma_start3A_439 : memref<32x128xf32, #tpu.memory_space<hbm>>) target(%dma_start3A_437 : memref<32x128xf32, #tpu.memory_space<vmem>>) target_semaphore(%arg21 : memref<!tpu.dma_semaphore, #tpu.memory_space<semaphore_mem>>)
    %dma_start3A_440 = arith.constant 3 : i32
    %dma_start3A_441 = arith.constant 32 : i32
    %dma_start3A_442 = arith.constant 0 : i32
    %dma_start3A_443 = tpu.memref_slice %arg14[%dma_start3A_440, %dma_start3A_441, %dma_start3A_442] : memref<4x64x128xf32, #tpu.memory_space<vmem>> -> memref<1x32x128xf32, #tpu.memory_space<vmem>>
    %dma_start3A_444 = tpu.memref_squeeze %dma_start3A_443 : memref<1x32x128xf32, #tpu.memory_space<vmem>> -> memref<32x128xf32, #tpu.memory_space<vmem>>
    %dma_start3A_445 = arith.constant 32 : i32
    %dma_start3A_446 = tpu.memref_slice %arg5[%dma_start3A_445, %multiple_of3A_400] : memref<64x1000000xf32, #tpu.memory_space<hbm>> -> memref<32x128xf32, #tpu.memory_space<hbm>>
    %dma_start3A_447 = arith.constant 32 : i32
    %dma_start3A_448 = arith.constant 0 : i32
    %dma_start3A_449 = tpu.memref_slice %arg14[%dma_start3A_440, %dma_start3A_447, %dma_start3A_448] : memref<4x64x128xf32, #tpu.memory_space<vmem>> -> memref<1x32x128xf32, #tpu.memory_space<vmem>>
    %dma_start3A_450 = tpu.memref_squeeze %dma_start3A_449 : memref<1x32x128xf32, #tpu.memory_space<vmem>> -> memref<32x128xf32, #tpu.memory_space<vmem>>
    %dma_start3A_451 = arith.constant 32 : i32
    %dma_start3A_452 = tpu.memref_slice %arg5[%dma_start3A_451, %multiple_of3A_400] : memref<64x1000000xf32, #tpu.memory_space<hbm>> -> memref<32x128xf32, #tpu.memory_space<hbm>>
    tpu.enqueue_dma source(%dma_start3A_452 : memref<32x128xf32, #tpu.memory_space<hbm>>) target(%dma_start3A_450 : memref<32x128xf32, #tpu.memory_space<vmem>>) target_semaphore(%arg21 : memref<!tpu.dma_semaphore, #tpu.memory_space<semaphore_mem>>)
    %broadcast_in_dim3A = arith.constant 0.000000e+00 : f32
    %broadcast_in_dim3A_453 = vector.broadcast %broadcast_in_dim3A : f32 to vector<16xf32>
    %scan3A_454 = arith.constant 0 : i32
    %scan3A_455 = arith.constant 128 : i32
    %scan3A_456 = arith.addi %scan3A_454, %scan3A_455 : i32
    %scan3A_457 = arith.constant 1 : i32
    %scan3A_458 = scf.for %scan3A_460 = %scan3A_454 to %scan3A_456 step %scan3A_457 iter_args(%scan3A_461 = %broadcast_in_dim3A_453) -> (vector<16xf32>)  : i32 {
      %mul3A_462 = arith.constant 4 : i32
      %mul3A_463 = arith.muli %scan3A_460, %mul3A_462 : i32
      %add3A_464 = arith.constant 0 : i32
      %add3A_465 = arith.addi %mul3A_463, %add3A_464 : i32
      %dma_wait3A = arith.constant 0 : i32
      %dma_wait3A_466 = arith.constant 0 : i32
      %dma_wait3A_467 = arith.constant 0 : i32
      %dma_wait3A_468 = tpu.memref_slice %arg13[%dma_wait3A, %dma_wait3A_466, %dma_wait3A_467] : memref<4x64x128xf32, #tpu.memory_space<vmem>> -> memref<1x64x128xf32, #tpu.memory_space<vmem>>
      %dma_wait3A_469 = tpu.memref_squeeze %dma_wait3A_468 : memref<1x64x128xf32, #tpu.memory_space<vmem>> -> memref<64x128xf32, #tpu.memory_space<vmem>>
      %dma_wait3A_470 = arith.constant 0 : i32
      %dma_wait3A_471 = arith.constant 0 : i32
      %dma_wait3A_472 = tpu.memref_slice %arg4[%dma_wait3A_470, %dma_wait3A_471] : memref<64x1000000xf32, #tpu.memory_space<hbm>> -> memref<64x128xf32, #tpu.memory_space<hbm>>
      %dma_wait3A_473 = arith.constant 0 : i32
      %dma_wait3A_474 = arith.constant 0 : i32
      %dma_wait3A_475 = tpu.memref_slice %arg13[%dma_wait3A, %dma_wait3A_473, %dma_wait3A_474] : memref<4x64x128xf32, #tpu.memory_space<vmem>> -> memref<1x64x128xf32, #tpu.memory_space<vmem>>
      %dma_wait3A_476 = tpu.memref_squeeze %dma_wait3A_475 : memref<1x64x128xf32, #tpu.memory_space<vmem>> -> memref<64x128xf32, #tpu.memory_space<vmem>>
      %dma_wait3A_477 = arith.constant 0 : i32
      %dma_wait3A_478 = arith.constant 0 : i32
      %dma_wait3A_479 = tpu.memref_slice %arg4[%dma_wait3A_477, %dma_wait3A_478] : memref<64x1000000xf32, #tpu.memory_space<hbm>> -> memref<64x128xf32, #tpu.memory_space<hbm>>
      tpu.wait_dma2 semaphore(%arg18 : memref<!tpu.dma_semaphore, #tpu.memory_space<semaphore_mem>>) src(%dma_wait3A_479 : memref<64x128xf32, #tpu.memory_space<hbm>>) dst(%dma_wait3A_476 : memref<64x128xf32, #tpu.memory_space<vmem>>)
      %dma_wait3A_480 = arith.constant 0 : i32
      %dma_wait3A_481 = arith.constant 0 : i32
      %dma_wait3A_482 = arith.constant 0 : i32
      %dma_wait3A_483 = tpu.memref_slice %arg14[%dma_wait3A_480, %dma_wait3A_481, %dma_wait3A_482] : memref<4x64x128xf32, #tpu.memory_space<vmem>> -> memref<1x64x128xf32, #tpu.memory_space<vmem>>
      %dma_wait3A_484 = tpu.memref_squeeze %dma_wait3A_483 : memref<1x64x128xf32, #tpu.memory_space<vmem>> -> memref<64x128xf32, #tpu.memory_space<vmem>>
      %dma_wait3A_485 = arith.constant 0 : i32
      %dma_wait3A_486 = arith.constant 0 : i32
      %dma_wait3A_487 = tpu.memref_slice %arg5[%dma_wait3A_485, %dma_wait3A_486] : memref<64x1000000xf32, #tpu.memory_space<hbm>> -> memref<64x128xf32, #tpu.memory_space<hbm>>
      %dma_wait3A_488 = arith.constant 0 : i32
      %dma_wait3A_489 = arith.constant 0 : i32
      %dma_wait3A_490 = tpu.memref_slice %arg14[%dma_wait3A_480, %dma_wait3A_488, %dma_wait3A_489] : memref<4x64x128xf32, #tpu.memory_space<vmem>> -> memref<1x64x128xf32, #tpu.memory_space<vmem>>
      %dma_wait3A_491 = tpu.memref_squeeze %dma_wait3A_490 : memref<1x64x128xf32, #tpu.memory_space<vmem>> -> memref<64x128xf32, #tpu.memory_space<vmem>>
      %dma_wait3A_492 = arith.constant 0 : i32
      %dma_wait3A_493 = arith.constant 0 : i32
      %dma_wait3A_494 = tpu.memref_slice %arg5[%dma_wait3A_492, %dma_wait3A_493] : memref<64x1000000xf32, #tpu.memory_space<hbm>> -> memref<64x128xf32, #tpu.memory_space<hbm>>
      tpu.wait_dma2 semaphore(%arg18 : memref<!tpu.dma_semaphore, #tpu.memory_space<semaphore_mem>>) src(%dma_wait3A_494 : memref<64x128xf32, #tpu.memory_space<hbm>>) dst(%dma_wait3A_491 : memref<64x128xf32, #tpu.memory_space<vmem>>)
      %get3A_495 = arith.index_cast %add3A_465 : i32 to index
      %get3A_496 = memref.load %arg11[%get3A_495] : memref<512xi32, #tpu.memory_space<smem>>
      %jit3A_497 = arith.constant 128 : i32
      %eq3A = arith.constant 0 : i32
      %eq3A_498 = arith.cmpi eq, %jit3A_497, %eq3A : i32
      %jit3A_499 = arith.constant 1 : i32
      %select_n3A_500 = arith.select %eq3A_498, %jit3A_499, %jit3A_497 : i32
      %rem3A_501 = arith.remsi %get3A_496, %select_n3A_500 : i32
      %ne3A_502 = arith.constant 0 : i32
      %ne3A_503 = arith.cmpi ne, %rem3A_501, %ne3A_502 : i32
      %lt3A = arith.constant 0 : i32
      %lt3A_504 = arith.cmpi slt, %rem3A_501, %lt3A : i32
      %lt3A_505 = arith.constant 0 : i32
      %lt3A_506 = arith.cmpi slt, %select_n3A_500, %lt3A_505 : i32
      %ne3A_507 = arith.xori %lt3A_504, %lt3A_506 : i1
      %and3A_508 = arith.andi %ne3A_507, %ne3A_503 : i1
      %add3A_509 = arith.addi %rem3A_501, %select_n3A_500 : i32
      %select_n3A_510 = arith.select %and3A_508, %add3A_509, %rem3A_501 : i32
      %broadcast_in_dim3A_511 = vector.broadcast %select_n3A_510 : i32 to vector<16xi32>
      %get3A_512 = arith.index_cast %add3A_465 : i32 to index
      %get3A_513 = memref.load %arg12[%get3A_512] : memref<512xi32, #tpu.memory_space<smem>>
      %jit3A_514 = arith.constant 128 : i32
      %eq3A_515 = arith.constant 0 : i32
      %eq3A_516 = arith.cmpi eq, %jit3A_514, %eq3A_515 : i32
      %jit3A_517 = arith.constant 1 : i32
      %select_n3A_518 = arith.select %eq3A_516, %jit3A_517, %jit3A_514 : i32
      %rem3A_519 = arith.remsi %get3A_513, %select_n3A_518 : i32
      %ne3A_520 = arith.constant 0 : i32
      %ne3A_521 = arith.cmpi ne, %rem3A_519, %ne3A_520 : i32
      %lt3A_522 = arith.constant 0 : i32
      %lt3A_523 = arith.cmpi slt, %rem3A_519, %lt3A_522 : i32
      %lt3A_524 = arith.constant 0 : i32
      %lt3A_525 = arith.cmpi slt, %select_n3A_518, %lt3A_524 : i32
      %ne3A_526 = arith.xori %lt3A_523, %lt3A_525 : i1
      %and3A_527 = arith.andi %ne3A_526, %ne3A_521 : i1
      %add3A_528 = arith.addi %rem3A_519, %select_n3A_518 : i32
      %select_n3A_529 = arith.select %and3A_527, %add3A_528, %rem3A_519 : i32
      %broadcast_in_dim3A_530 = vector.broadcast %select_n3A_529 : i32 to vector<16xi32>
      %broadcast_in_dim3A_531 = arith.constant 0.000000e+00 : f32
      %broadcast_in_dim3A_532 = vector.broadcast %broadcast_in_dim3A_531 : f32 to vector<16xf32>
      %add3A_533 = arith.constant 0 : i32
      %add3A_534 = vector.broadcast %add3A_533 : i32 to vector<16xi32>
      %add3A_535 = arith.addi %iota3A, %add3A_534 : vector<16xi32>
      %gather3A = arith.constant 0 : i32
      %gather3A_536 = arith.constant 0 : i32
      %gather3A_537 = arith.constant 0 : i32
      %gather3A_538 = tpu.memref_slice %arg13[%gather3A, %gather3A_536, %gather3A_537] : memref<4x64x128xf32, #tpu.memory_space<vmem>> -> memref<1x64x128xf32, #tpu.memory_space<vmem>>
      %gather3A_539 = tpu.memref_squeeze %gather3A_538 : memref<1x64x128xf32, #tpu.memory_space<vmem>> -> memref<64x128xf32, #tpu.memory_space<vmem>>
      %gather3A_540 = tpu.vector_load_idx %gather3A_539[%add3A_535, %broadcast_in_dim3A_511] : memref<64x128xf32, #tpu.memory_space<vmem>>[vector<16xi32>, vector<16xi32>], vector<16xf32>,
      %gather3A_541 = arith.constant 0 : i32
      %gather3A_542 = arith.constant 0 : i32
      %gather3A_543 = arith.constant 0 : i32
      %gather3A_544 = tpu.memref_slice %arg14[%gather3A_541, %gather3A_542, %gather3A_543] : memref<4x64x128xf32, #tpu.memory_space<vmem>> -> memref<1x64x128xf32, #tpu.memory_space<vmem>>
      %gather3A_545 = tpu.memref_squeeze %gather3A_544 : memref<1x64x128xf32, #tpu.memory_space<vmem>> -> memref<64x128xf32, #tpu.memory_space<vmem>>
      %gather3A_546 = tpu.vector_load_idx %gather3A_545[%add3A_535, %broadcast_in_dim3A_530] : memref<64x128xf32, #tpu.memory_space<vmem>>[vector<16xi32>, vector<16xi32>], vector<16xf32>,
      %mul3A_547 = arith.mulf %gather3A_540, %gather3A_546 : vector<16xf32>
      %mul3A_548 = arith.mulf %mul3A_547, %get3A_3 : vector<16xf32>
      %add3A_549 = arith.addf %broadcast_in_dim3A_532, %mul3A_548 : vector<16xf32>
      %add3A_550 = arith.constant 16 : i32
      %add3A_551 = vector.broadcast %add3A_550 : i32 to vector<16xi32>
      %add3A_552 = arith.addi %iota3A, %add3A_551 : vector<16xi32>
      %gather3A_553 = arith.constant 0 : i32
      %gather3A_554 = arith.constant 0 : i32
      %gather3A_555 = arith.constant 0 : i32
      %gather3A_556 = tpu.memref_slice %arg13[%gather3A_553, %gather3A_554, %gather3A_555] : memref<4x64x128xf32, #tpu.memory_space<vmem>> -> memref<1x64x128xf32, #tpu.memory_space<vmem>>
      %gather3A_557 = tpu.memref_squeeze %gather3A_556 : memref<1x64x128xf32, #tpu.memory_space<vmem>> -> memref<64x128xf32, #tpu.memory_space<vmem>>
      %gather3A_558 = tpu.vector_load_idx %gather3A_557[%add3A_552, %broadcast_in_dim3A_511] : memref<64x128xf32, #tpu.memory_space<vmem>>[vector<16xi32>, vector<16xi32>], vector<16xf32>,
      %gather3A_559 = arith.constant 0 : i32
      %gather3A_560 = arith.constant 0 : i32
      %gather3A_561 = arith.constant 0 : i32
      %gather3A_562 = tpu.memref_slice %arg14[%gather3A_559, %gather3A_560, %gather3A_561] : memref<4x64x128xf32, #tpu.memory_space<vmem>> -> memref<1x64x128xf32, #tpu.memory_space<vmem>>
      %gather3A_563 = tpu.memref_squeeze %gather3A_562 : memref<1x64x128xf32, #tpu.memory_space<vmem>> -> memref<64x128xf32, #tpu.memory_space<vmem>>
      %gather3A_564 = tpu.vector_load_idx %gather3A_563[%add3A_552, %broadcast_in_dim3A_530] : memref<64x128xf32, #tpu.memory_space<vmem>>[vector<16xi32>, vector<16xi32>], vector<16xf32>,
      %mul3A_565 = arith.mulf %gather3A_558, %gather3A_564 : vector<16xf32>
      %mul3A_566 = arith.mulf %mul3A_565, %get3A_5 : vector<16xf32>
      %add3A_567 = arith.addf %add3A_549, %mul3A_566 : vector<16xf32>
      %add3A_568 = arith.constant 32 : i32
      %add3A_569 = vector.broadcast %add3A_568 : i32 to vector<16xi32>
      %add3A_570 = arith.addi %iota3A, %add3A_569 : vector<16xi32>
      %gather3A_571 = arith.constant 0 : i32
      %gather3A_572 = arith.constant 0 : i32
      %gather3A_573 = arith.constant 0 : i32
      %gather3A_574 = tpu.memref_slice %arg13[%gather3A_571, %gather3A_572, %gather3A_573] : memref<4x64x128xf32, #tpu.memory_space<vmem>> -> memref<1x64x128xf32, #tpu.memory_space<vmem>>
      %gather3A_575 = tpu.memref_squeeze %gather3A_574 : memref<1x64x128xf32, #tpu.memory_space<vmem>> -> memref<64x128xf32, #tpu.memory_space<vmem>>
      %gather3A_576 = tpu.vector_load_idx %gather3A_575[%add3A_570, %broadcast_in_dim3A_511] : memref<64x128xf32, #tpu.memory_space<vmem>>[vector<16xi32>, vector<16xi32>], vector<16xf32>,
      %gather3A_577 = arith.constant 0 : i32
      %gather3A_578 = arith.constant 0 : i32
      %gather3A_579 = arith.constant 0 : i32
      %gather3A_580 = tpu.memref_slice %arg14[%gather3A_577, %gather3A_578, %gather3A_579] : memref<4x64x128xf32, #tpu.memory_space<vmem>> -> memref<1x64x128xf32, #tpu.memory_space<vmem>>
      %gather3A_581 = tpu.memref_squeeze %gather3A_580 : memref<1x64x128xf32, #tpu.memory_space<vmem>> -> memref<64x128xf32, #tpu.memory_space<vmem>>
      %gather3A_582 = tpu.vector_load_idx %gather3A_581[%add3A_570, %broadcast_in_dim3A_530] : memref<64x128xf32, #tpu.memory_space<vmem>>[vector<16xi32>, vector<16xi32>], vector<16xf32>,
      %mul3A_583 = arith.mulf %gather3A_576, %gather3A_582 : vector<16xf32>
      %mul3A_584 = arith.mulf %mul3A_583, %get3A_7 : vector<16xf32>
      %add3A_585 = arith.addf %add3A_567, %mul3A_584 : vector<16xf32>
      %add3A_586 = arith.constant 48 : i32
      %add3A_587 = vector.broadcast %add3A_586 : i32 to vector<16xi32>
      %add3A_588 = arith.addi %iota3A, %add3A_587 : vector<16xi32>
      %gather3A_589 = arith.constant 0 : i32
      %gather3A_590 = arith.constant 0 : i32
      %gather3A_591 = arith.constant 0 : i32
      %gather3A_592 = tpu.memref_slice %arg13[%gather3A_589, %gather3A_590, %gather3A_591] : memref<4x64x128xf32, #tpu.memory_space<vmem>> -> memref<1x64x128xf32, #tpu.memory_space<vmem>>
      %gather3A_593 = tpu.memref_squeeze %gather3A_592 : memref<1x64x128xf32, #tpu.memory_space<vmem>> -> memref<64x128xf32, #tpu.memory_space<vmem>>
      %gather3A_594 = tpu.vector_load_idx %gather3A_593[%add3A_588, %broadcast_in_dim3A_511] : memref<64x128xf32, #tpu.memory_space<vmem>>[vector<16xi32>, vector<16xi32>], vector<16xf32>,
      %gather3A_595 = arith.constant 0 : i32
      %gather3A_596 = arith.constant 0 : i32
      %gather3A_597 = arith.constant 0 : i32
      %gather3A_598 = tpu.memref_slice %arg14[%gather3A_595, %gather3A_596, %gather3A_597] : memref<4x64x128xf32, #tpu.memory_space<vmem>> -> memref<1x64x128xf32, #tpu.memory_space<vmem>>
      %gather3A_599 = tpu.memref_squeeze %gather3A_598 : memref<1x64x128xf32, #tpu.memory_space<vmem>> -> memref<64x128xf32, #tpu.memory_space<vmem>>
      %gather3A_600 = tpu.vector_load_idx %gather3A_599[%add3A_588, %broadcast_in_dim3A_530] : memref<64x128xf32, #tpu.memory_space<vmem>>[vector<16xi32>, vector<16xi32>], vector<16xf32>,
      %mul3A_601 = arith.mulf %gather3A_594, %gather3A_600 : vector<16xf32>
      %mul3A_602 = arith.mulf %mul3A_601, %get3A_9 : vector<16xf32>
      %add3A_603 = arith.addf %add3A_585, %mul3A_602 : vector<16xf32>
      %reduce_sum3A = arith.constant true
      %reduce_sum3A_604 = vector.broadcast %reduce_sum3A : i1 to vector<16xi1>
      %reduce_sum3A_605 = tpu.scan <sum>, %add3A_603 masked %reduce_sum3A_604 : vector<16xf32>, vector<16xi1> -> vector<16xf32>
      %reduce_sum3A_606 = vector.extract %reduce_sum3A_605[15] : f32 from vector<16xf32>
      %add3A_607 = arith.constant 4 : i32
      %add3A_608 = arith.addi %add3A_465, %add3A_607 : i32
      %lt3A_609 = arith.constant 512 : i32
      %lt3A_610 = arith.cmpi slt, %add3A_608, %lt3A_609 : i32
      %convert_element_type3A = arith.extui %lt3A_610 : i1 to i32
      %cond3A = arith.constant 0 : i32
      %cond3A_611 = arith.cmpi ne, %convert_element_type3A, %cond3A : i32
      scf.if %cond3A_611 {
        %add3A_1331 = arith.constant 4 : i32
        %add3A_1332 = arith.addi %add3A_465, %add3A_1331 : i32
        %get3A_1333 = arith.index_cast %add3A_1332 : i32 to index
        %get3A_1334 = memref.load %arg11[%get3A_1333] : memref<512xi32, #tpu.memory_space<smem>>
        %get3A_1335 = arith.index_cast %add3A_1332 : i32 to index
        %get3A_1336 = memref.load %arg12[%get3A_1335] : memref<512xi32, #tpu.memory_space<smem>>
        %jit3A_1337 = arith.constant 128 : i32
        %div3A_1338 = arith.divsi %get3A_1334, %jit3A_1337 : i32
        %sign3A_1339 = arith.constant 0 : i32
        %sign3A_1340 = arith.cmpi sgt, %get3A_1334, %sign3A_1339 : i32
        %sign3A_1341 = arith.extui %sign3A_1340 : i1 to i32
        %sign3A_1342 = arith.constant 0 : i32
        %sign3A_1343 = arith.cmpi slt, %get3A_1334, %sign3A_1342 : i32
        %sign3A_1344 = arith.extui %sign3A_1343 : i1 to i32
        %sign3A_1345 = arith.subi %sign3A_1341, %sign3A_1344 : i32
        %sign3A_1346 = arith.constant 0 : i32
        %sign3A_1347 = arith.cmpi sgt, %jit3A_1337, %sign3A_1346 : i32
        %sign3A_1348 = arith.extui %sign3A_1347 : i1 to i32
        %sign3A_1349 = arith.constant 0 : i32
        %sign3A_1350 = arith.cmpi slt, %jit3A_1337, %sign3A_1349 : i32
        %sign3A_1351 = arith.extui %sign3A_1350 : i1 to i32
        %sign3A_1352 = arith.subi %sign3A_1348, %sign3A_1351 : i32
        %ne3A_1353 = arith.cmpi ne, %sign3A_1345, %sign3A_1352 : i32
        %rem3A_1354 = arith.remsi %get3A_1334, %jit3A_1337 : i32
        %ne3A_1355 = arith.constant 0 : i32
        %ne3A_1356 = arith.cmpi ne, %rem3A_1354, %ne3A_1355 : i32
        %and3A_1357 = arith.andi %ne3A_1353, %ne3A_1356 : i1
        %sub3A_1358 = arith.constant 1 : i32
        %sub3A_1359 = arith.subi %div3A_1338, %sub3A_1358 : i32
        %select_n3A_1360 = arith.select %and3A_1357, %sub3A_1359, %div3A_1338 : i32
        %mul3A_1361 = arith.constant 128 : i32
        %mul3A_1362 = arith.muli %select_n3A_1360, %mul3A_1361 : i32
        %multiple_of3A_1363 = tpu.assume_multiple %mul3A_1362, 128 : i32
        %jit3A_1364 = arith.constant 128 : i32
        %div3A_1365 = arith.divsi %get3A_1336, %jit3A_1364 : i32
        %sign3A_1366 = arith.constant 0 : i32
        %sign3A_1367 = arith.cmpi sgt, %get3A_1336, %sign3A_1366 : i32
        %sign3A_1368 = arith.extui %sign3A_1367 : i1 to i32
        %sign3A_1369 = arith.constant 0 : i32
        %sign3A_1370 = arith.cmpi slt, %get3A_1336, %sign3A_1369 : i32
        %sign3A_1371 = arith.extui %sign3A_1370 : i1 to i32
        %sign3A_1372 = arith.subi %sign3A_1368, %sign3A_1371 : i32
        %sign3A_1373 = arith.constant 0 : i32
        %sign3A_1374 = arith.cmpi sgt, %jit3A_1364, %sign3A_1373 : i32
        %sign3A_1375 = arith.extui %sign3A_1374 : i1 to i32
        %sign3A_1376 = arith.constant 0 : i32
        %sign3A_1377 = arith.cmpi slt, %jit3A_1364, %sign3A_1376 : i32
        %sign3A_1378 = arith.extui %sign3A_1377 : i1 to i32
        %sign3A_1379 = arith.subi %sign3A_1375, %sign3A_1378 : i32
        %ne3A_1380 = arith.cmpi ne, %sign3A_1372, %sign3A_1379 : i32
        %rem3A_1381 = arith.remsi %get3A_1336, %jit3A_1364 : i32
        %ne3A_1382 = arith.constant 0 : i32
        %ne3A_1383 = arith.cmpi ne, %rem3A_1381, %ne3A_1382 : i32
        %and3A_1384 = arith.andi %ne3A_1380, %ne3A_1383 : i1
        %sub3A_1385 = arith.constant 1 : i32
        %sub3A_1386 = arith.subi %div3A_1365, %sub3A_1385 : i32
        %select_n3A_1387 = arith.select %and3A_1384, %sub3A_1386, %div3A_1365 : i32
        %mul3A_1388 = arith.constant 128 : i32
        %mul3A_1389 = arith.muli %select_n3A_1387, %mul3A_1388 : i32
        %multiple_of3A_1390 = tpu.assume_multiple %mul3A_1389, 128 : i32
        %dma_start3A_1391 = arith.constant 0 : i32
        %dma_start3A_1392 = arith.constant 0 : i32
        %dma_start3A_1393 = arith.constant 0 : i32
        %dma_start3A_1394 = tpu.memref_slice %arg13[%dma_start3A_1391, %dma_start3A_1392, %dma_start3A_1393] : memref<4x64x128xf32, #tpu.memory_space<vmem>> -> memref<1x32x128xf32, #tpu.memory_space<vmem>>
        %dma_start3A_1395 = tpu.memref_squeeze %dma_start3A_1394 : memref<1x32x128xf32, #tpu.memory_space<vmem>> -> memref<32x128xf32, #tpu.memory_space<vmem>>
        %dma_start3A_1396 = arith.constant 0 : i32
        %dma_start3A_1397 = tpu.memref_slice %arg4[%dma_start3A_1396, %multiple_of3A_1363] : memref<64x1000000xf32, #tpu.memory_space<hbm>> -> memref<32x128xf32, #tpu.memory_space<hbm>>
        %dma_start3A_1398 = arith.constant 0 : i32
        %dma_start3A_1399 = arith.constant 0 : i32
        %dma_start3A_1400 = tpu.memref_slice %arg13[%dma_start3A_1391, %dma_start3A_1398, %dma_start3A_1399] : memref<4x64x128xf32, #tpu.memory_space<vmem>> -> memref<1x32x128xf32, #tpu.memory_space<vmem>>
        %dma_start3A_1401 = tpu.memref_squeeze %dma_start3A_1400 : memref<1x32x128xf32, #tpu.memory_space<vmem>> -> memref<32x128xf32, #tpu.memory_space<vmem>>
        %dma_start3A_1402 = arith.constant 0 : i32
        %dma_start3A_1403 = tpu.memref_slice %arg4[%dma_start3A_1402, %multiple_of3A_1363] : memref<64x1000000xf32, #tpu.memory_space<hbm>> -> memref<32x128xf32, #tpu.memory_space<hbm>>
        tpu.enqueue_dma source(%dma_start3A_1403 : memref<32x128xf32, #tpu.memory_space<hbm>>) target(%dma_start3A_1401 : memref<32x128xf32, #tpu.memory_space<vmem>>) target_semaphore(%arg18 : memref<!tpu.dma_semaphore, #tpu.memory_space<semaphore_mem>>)
        %dma_start3A_1404 = arith.constant 0 : i32
        %dma_start3A_1405 = arith.constant 0 : i32
        %dma_start3A_1406 = arith.constant 0 : i32
        %dma_start3A_1407 = tpu.memref_slice %arg14[%dma_start3A_1404, %dma_start3A_1405, %dma_start3A_1406] : memref<4x64x128xf32, #tpu.memory_space<vmem>> -> memref<1x32x128xf32, #tpu.memory_space<vmem>>
        %dma_start3A_1408 = tpu.memref_squeeze %dma_start3A_1407 : memref<1x32x128xf32, #tpu.memory_space<vmem>> -> memref<32x128xf32, #tpu.memory_space<vmem>>
        %dma_start3A_1409 = arith.constant 0 : i32
        %dma_start3A_1410 = tpu.memref_slice %arg5[%dma_start3A_1409, %multiple_of3A_1390] : memref<64x1000000xf32, #tpu.memory_space<hbm>> -> memref<32x128xf32, #tpu.memory_space<hbm>>
        %dma_start3A_1411 = arith.constant 0 : i32
        %dma_start3A_1412 = arith.constant 0 : i32
        %dma_start3A_1413 = tpu.memref_slice %arg14[%dma_start3A_1404, %dma_start3A_1411, %dma_start3A_1412] : memref<4x64x128xf32, #tpu.memory_space<vmem>> -> memref<1x32x128xf32, #tpu.memory_space<vmem>>
        %dma_start3A_1414 = tpu.memref_squeeze %dma_start3A_1413 : memref<1x32x128xf32, #tpu.memory_space<vmem>> -> memref<32x128xf32, #tpu.memory_space<vmem>>
        %dma_start3A_1415 = arith.constant 0 : i32
        %dma_start3A_1416 = tpu.memref_slice %arg5[%dma_start3A_1415, %multiple_of3A_1390] : memref<64x1000000xf32, #tpu.memory_space<hbm>> -> memref<32x128xf32, #tpu.memory_space<hbm>>
        tpu.enqueue_dma source(%dma_start3A_1416 : memref<32x128xf32, #tpu.memory_space<hbm>>) target(%dma_start3A_1414 : memref<32x128xf32, #tpu.memory_space<vmem>>) target_semaphore(%arg18 : memref<!tpu.dma_semaphore, #tpu.memory_space<semaphore_mem>>)
        %dma_start3A_1417 = arith.constant 0 : i32
        %dma_start3A_1418 = arith.constant 32 : i32
        %dma_start3A_1419 = arith.constant 0 : i32
        %dma_start3A_1420 = tpu.memref_slice %arg13[%dma_start3A_1417, %dma_start3A_1418, %dma_start3A_1419] : memref<4x64x128xf32, #tpu.memory_space<vmem>> -> memref<1x32x128xf32, #tpu.memory_space<vmem>>
        %dma_start3A_1421 = tpu.memref_squeeze %dma_start3A_1420 : memref<1x32x128xf32, #tpu.memory_space<vmem>> -> memref<32x128xf32, #tpu.memory_space<vmem>>
        %dma_start3A_1422 = arith.constant 32 : i32
        %dma_start3A_1423 = tpu.memref_slice %arg4[%dma_start3A_1422, %multiple_of3A_1363] : memref<64x1000000xf32, #tpu.memory_space<hbm>> -> memref<32x128xf32, #tpu.memory_space<hbm>>
        %dma_start3A_1424 = arith.constant 32 : i32
        %dma_start3A_1425 = arith.constant 0 : i32
        %dma_start3A_1426 = tpu.memref_slice %arg13[%dma_start3A_1417, %dma_start3A_1424, %dma_start3A_1425] : memref<4x64x128xf32, #tpu.memory_space<vmem>> -> memref<1x32x128xf32, #tpu.memory_space<vmem>>
        %dma_start3A_1427 = tpu.memref_squeeze %dma_start3A_1426 : memref<1x32x128xf32, #tpu.memory_space<vmem>> -> memref<32x128xf32, #tpu.memory_space<vmem>>
        %dma_start3A_1428 = arith.constant 32 : i32
        %dma_start3A_1429 = tpu.memref_slice %arg4[%dma_start3A_1428, %multiple_of3A_1363] : memref<64x1000000xf32, #tpu.memory_space<hbm>> -> memref<32x128xf32, #tpu.memory_space<hbm>>
        tpu.enqueue_dma source(%dma_start3A_1429 : memref<32x128xf32, #tpu.memory_space<hbm>>) target(%dma_start3A_1427 : memref<32x128xf32, #tpu.memory_space<vmem>>) target_semaphore(%arg18 : memref<!tpu.dma_semaphore, #tpu.memory_space<semaphore_mem>>)
        %dma_start3A_1430 = arith.constant 0 : i32
        %dma_start3A_1431 = arith.constant 32 : i32
        %dma_start3A_1432 = arith.constant 0 : i32
        %dma_start3A_1433 = tpu.memref_slice %arg14[%dma_start3A_1430, %dma_start3A_1431, %dma_start3A_1432] : memref<4x64x128xf32, #tpu.memory_space<vmem>> -> memref<1x32x128xf32, #tpu.memory_space<vmem>>
        %dma_start3A_1434 = tpu.memref_squeeze %dma_start3A_1433 : memref<1x32x128xf32, #tpu.memory_space<vmem>> -> memref<32x128xf32, #tpu.memory_space<vmem>>
        %dma_start3A_1435 = arith.constant 32 : i32
        %dma_start3A_1436 = tpu.memref_slice %arg5[%dma_start3A_1435, %multiple_of3A_1390] : memref<64x1000000xf32, #tpu.memory_space<hbm>> -> memref<32x128xf32, #tpu.memory_space<hbm>>
        %dma_start3A_1437 = arith.constant 32 : i32
        %dma_start3A_1438 = arith.constant 0 : i32
        %dma_start3A_1439 = tpu.memref_slice %arg14[%dma_start3A_1430, %dma_start3A_1437, %dma_start3A_1438] : memref<4x64x128xf32, #tpu.memory_space<vmem>> -> memref<1x32x128xf32, #tpu.memory_space<vmem>>
        %dma_start3A_1440 = tpu.memref_squeeze %dma_start3A_1439 : memref<1x32x128xf32, #tpu.memory_space<vmem>> -> memref<32x128xf32, #tpu.memory_space<vmem>>
        %dma_start3A_1441 = arith.constant 32 : i32
        %dma_start3A_1442 = tpu.memref_slice %arg5[%dma_start3A_1441, %multiple_of3A_1390] : memref<64x1000000xf32, #tpu.memory_space<hbm>> -> memref<32x128xf32, #tpu.memory_space<hbm>>
        tpu.enqueue_dma source(%dma_start3A_1442 : memref<32x128xf32, #tpu.memory_space<hbm>>) target(%dma_start3A_1440 : memref<32x128xf32, #tpu.memory_space<vmem>>) target_semaphore(%arg18 : memref<!tpu.dma_semaphore, #tpu.memory_space<semaphore_mem>>)
      } else {
      }
      %jit3A_612 = arith.constant 16 : i32
      %eq3A_613 = arith.constant 0 : i32
      %eq3A_614 = arith.cmpi eq, %jit3A_612, %eq3A_613 : i32
      %jit3A_615 = arith.constant 1 : i32
      %select_n3A_616 = arith.select %eq3A_614, %jit3A_615, %jit3A_612 : i32
      %rem3A_617 = arith.remsi %add3A_465, %select_n3A_616 : i32
      %ne3A_618 = arith.constant 0 : i32
      %ne3A_619 = arith.cmpi ne, %rem3A_617, %ne3A_618 : i32
      %lt3A_620 = arith.constant 0 : i32
      %lt3A_621 = arith.cmpi slt, %rem3A_617, %lt3A_620 : i32
      %lt3A_622 = arith.constant 0 : i32
      %lt3A_623 = arith.cmpi slt, %select_n3A_616, %lt3A_622 : i32
      %ne3A_624 = arith.xori %lt3A_621, %lt3A_623 : i1
      %and3A_625 = arith.andi %ne3A_624, %ne3A_619 : i1
      %add3A_626 = arith.addi %rem3A_617, %select_n3A_616 : i32
      %select_n3A_627 = arith.select %and3A_625, %add3A_626, %rem3A_617 : i32
      %eq3A_628 = vector.broadcast %select_n3A_627 : i32 to vector<16xi32>
      %eq3A_629 = arith.cmpi eq, %iota3A, %eq3A_628 : vector<16xi32>
      %broadcast_in_dim3A_630 = vector.broadcast %reduce_sum3A_606 : f32 to vector<16xf32>
      %select_n3A_631 = arith.select %eq3A_629, %broadcast_in_dim3A_630, %scan3A_461 : vector<16xi1>, vector<16xf32>
      %jit3A_632 = arith.constant 16 : i32
      %eq3A_633 = arith.constant 0 : i32
      %eq3A_634 = arith.cmpi eq, %jit3A_632, %eq3A_633 : i32
      %jit3A_635 = arith.constant 1 : i32
      %select_n3A_636 = arith.select %eq3A_634, %jit3A_635, %jit3A_632 : i32
      %rem3A_637 = arith.remsi %add3A_465, %select_n3A_636 : i32
      %ne3A_638 = arith.constant 0 : i32
      %ne3A_639 = arith.cmpi ne, %rem3A_637, %ne3A_638 : i32
      %lt3A_640 = arith.constant 0 : i32
      %lt3A_641 = arith.cmpi slt, %rem3A_637, %lt3A_640 : i32
      %lt3A_642 = arith.constant 0 : i32
      %lt3A_643 = arith.cmpi slt, %select_n3A_636, %lt3A_642 : i32
      %ne3A_644 = arith.xori %lt3A_641, %lt3A_643 : i1
      %and3A_645 = arith.andi %ne3A_644, %ne3A_639 : i1
      %add3A_646 = arith.addi %rem3A_637, %select_n3A_636 : i32
      %select_n3A_647 = arith.select %and3A_645, %add3A_646, %rem3A_637 : i32
      %eq3A_648 = arith.constant 15 : i32
      %eq3A_649 = arith.cmpi eq, %select_n3A_647, %eq3A_648 : i32
      %convert_element_type3A_650 = arith.extui %eq3A_649 : i1 to i32
      %cond3A_651 = arith.constant 0 : i32
      %cond3A_652 = arith.cmpi ne, %convert_element_type3A_650, %cond3A_651 : i32
      scf.if %cond3A_652 {
        %get3A_1331 = arith.constant 0 : index
        %get3A_1332 = tpu.vector_load %arg16[%get3A_1331] {strides = array<i32>} : memref<16xf32, #tpu.memory_space<vmem>>, vector<16xf32>,
        %add3A_1333 = arith.addf %select_n3A_631, %get3A_1332 : vector<16xf32>
        %jit3A_1334 = arith.constant 16 : i32
        %div3A_1335 = arith.divsi %add3A_465, %jit3A_1334 : i32
        %sign3A_1336 = arith.constant 0 : i32
        %sign3A_1337 = arith.cmpi sgt, %add3A_465, %sign3A_1336 : i32
        %sign3A_1338 = arith.extui %sign3A_1337 : i1 to i32
        %sign3A_1339 = arith.constant 0 : i32
        %sign3A_1340 = arith.cmpi slt, %add3A_465, %sign3A_1339 : i32
        %sign3A_1341 = arith.extui %sign3A_1340 : i1 to i32
        %sign3A_1342 = arith.subi %sign3A_1338, %sign3A_1341 : i32
        %sign3A_1343 = arith.constant 0 : i32
        %sign3A_1344 = arith.cmpi sgt, %jit3A_1334, %sign3A_1343 : i32
        %sign3A_1345 = arith.extui %sign3A_1344 : i1 to i32
        %sign3A_1346 = arith.constant 0 : i32
        %sign3A_1347 = arith.cmpi slt, %jit3A_1334, %sign3A_1346 : i32
        %sign3A_1348 = arith.extui %sign3A_1347 : i1 to i32
        %sign3A_1349 = arith.subi %sign3A_1345, %sign3A_1348 : i32
        %ne3A_1350 = arith.cmpi ne, %sign3A_1342, %sign3A_1349 : i32
        %rem3A_1351 = arith.remsi %add3A_465, %jit3A_1334 : i32
        %ne3A_1352 = arith.constant 0 : i32
        %ne3A_1353 = arith.cmpi ne, %rem3A_1351, %ne3A_1352 : i32
        %and3A_1354 = arith.andi %ne3A_1350, %ne3A_1353 : i1
        %sub3A_1355 = arith.constant 1 : i32
        %sub3A_1356 = arith.subi %div3A_1335, %sub3A_1355 : i32
        %select_n3A_1357 = arith.select %and3A_1354, %sub3A_1356, %div3A_1335 : i32
        %mul3A_1358 = arith.constant 16 : i32
        %mul3A_1359 = arith.muli %select_n3A_1357, %mul3A_1358 : i32
        %swap3A = arith.index_cast %mul3A_1359 : i32 to index
        %swap3A_1360 = tpu.vector_load %arg17[%swap3A] {strides = array<i32>} : memref<512xf32, #tpu.memory_space<vmem>>, vector<16xf32>,
        tpu.vector_store %arg17[%swap3A], %add3A_1333 {strides = array<i32>} : memref<512xf32, #tpu.memory_space<vmem>>, vector<16xf32>,
      } else {
      }
      %jit3A_653 = arith.constant 16 : i32
      %eq3A_654 = arith.constant 0 : i32
      %eq3A_655 = arith.cmpi eq, %jit3A_653, %eq3A_654 : i32
      %jit3A_656 = arith.constant 1 : i32
      %select_n3A_657 = arith.select %eq3A_655, %jit3A_656, %jit3A_653 : i32
      %rem3A_658 = arith.remsi %add3A_465, %select_n3A_657 : i32
      %ne3A_659 = arith.constant 0 : i32
      %ne3A_660 = arith.cmpi ne, %rem3A_658, %ne3A_659 : i32
      %lt3A_661 = arith.constant 0 : i32
      %lt3A_662 = arith.cmpi slt, %rem3A_658, %lt3A_661 : i32
      %lt3A_663 = arith.constant 0 : i32
      %lt3A_664 = arith.cmpi slt, %select_n3A_657, %lt3A_663 : i32
      %ne3A_665 = arith.xori %lt3A_662, %lt3A_664 : i1
      %and3A_666 = arith.andi %ne3A_665, %ne3A_660 : i1
      %add3A_667 = arith.addi %rem3A_658, %select_n3A_657 : i32
      %select_n3A_668 = arith.select %and3A_666, %add3A_667, %rem3A_658 : i32
      %eq3A_669 = arith.constant 15 : i32
      %eq3A_670 = arith.cmpi eq, %select_n3A_668, %eq3A_669 : i32
      %broadcast_in_dim3A_671 = arith.constant 0.000000e+00 : f32
      %broadcast_in_dim3A_672 = vector.broadcast %broadcast_in_dim3A_671 : f32 to vector<16xf32>
      %select_n3A_673 = arith.select %eq3A_670, %broadcast_in_dim3A_672, %select_n3A_631 : vector<16xf32>
      %mul3A_674 = arith.constant 4 : i32
      %mul3A_675 = arith.muli %scan3A_460, %mul3A_674 : i32
      %add3A_676 = arith.constant 1 : i32
      %add3A_677 = arith.addi %mul3A_675, %add3A_676 : i32
      %dma_wait3A_678 = arith.constant 1 : i32
      %dma_wait3A_679 = arith.constant 0 : i32
      %dma_wait3A_680 = arith.constant 0 : i32
      %dma_wait3A_681 = tpu.memref_slice %arg13[%dma_wait3A_678, %dma_wait3A_679, %dma_wait3A_680] : memref<4x64x128xf32, #tpu.memory_space<vmem>> -> memref<1x64x128xf32, #tpu.memory_space<vmem>>
      %dma_wait3A_682 = tpu.memref_squeeze %dma_wait3A_681 : memref<1x64x128xf32, #tpu.memory_space<vmem>> -> memref<64x128xf32, #tpu.memory_space<vmem>>
      %dma_wait3A_683 = arith.constant 0 : i32
      %dma_wait3A_684 = arith.constant 0 : i32
      %dma_wait3A_685 = tpu.memref_slice %arg4[%dma_wait3A_683, %dma_wait3A_684] : memref<64x1000000xf32, #tpu.memory_space<hbm>> -> memref<64x128xf32, #tpu.memory_space<hbm>>
      %dma_wait3A_686 = arith.constant 0 : i32
      %dma_wait3A_687 = arith.constant 0 : i32
      %dma_wait3A_688 = tpu.memref_slice %arg13[%dma_wait3A_678, %dma_wait3A_686, %dma_wait3A_687] : memref<4x64x128xf32, #tpu.memory_space<vmem>> -> memref<1x64x128xf32, #tpu.memory_space<vmem>>
      %dma_wait3A_689 = tpu.memref_squeeze %dma_wait3A_688 : memref<1x64x128xf32, #tpu.memory_space<vmem>> -> memref<64x128xf32, #tpu.memory_space<vmem>>
      %dma_wait3A_690 = arith.constant 0 : i32
      %dma_wait3A_691 = arith.constant 0 : i32
      %dma_wait3A_692 = tpu.memref_slice %arg4[%dma_wait3A_690, %dma_wait3A_691] : memref<64x1000000xf32, #tpu.memory_space<hbm>> -> memref<64x128xf32, #tpu.memory_space<hbm>>
      tpu.wait_dma2 semaphore(%arg19 : memref<!tpu.dma_semaphore, #tpu.memory_space<semaphore_mem>>) src(%dma_wait3A_692 : memref<64x128xf32, #tpu.memory_space<hbm>>) dst(%dma_wait3A_689 : memref<64x128xf32, #tpu.memory_space<vmem>>)
      %dma_wait3A_693 = arith.constant 1 : i32
      %dma_wait3A_694 = arith.constant 0 : i32
      %dma_wait3A_695 = arith.constant 0 : i32
      %dma_wait3A_696 = tpu.memref_slice %arg14[%dma_wait3A_693, %dma_wait3A_694, %dma_wait3A_695] : memref<4x64x128xf32, #tpu.memory_space<vmem>> -> memref<1x64x128xf32, #tpu.memory_space<vmem>>
      %dma_wait3A_697 = tpu.memref_squeeze %dma_wait3A_696 : memref<1x64x128xf32, #tpu.memory_space<vmem>> -> memref<64x128xf32, #tpu.memory_space<vmem>>
      %dma_wait3A_698 = arith.constant 0 : i32
      %dma_wait3A_699 = arith.constant 0 : i32
      %dma_wait3A_700 = tpu.memref_slice %arg5[%dma_wait3A_698, %dma_wait3A_699] : memref<64x1000000xf32, #tpu.memory_space<hbm>> -> memref<64x128xf32, #tpu.memory_space<hbm>>
      %dma_wait3A_701 = arith.constant 0 : i32
      %dma_wait3A_702 = arith.constant 0 : i32
      %dma_wait3A_703 = tpu.memref_slice %arg14[%dma_wait3A_693, %dma_wait3A_701, %dma_wait3A_702] : memref<4x64x128xf32, #tpu.memory_space<vmem>> -> memref<1x64x128xf32, #tpu.memory_space<vmem>>
      %dma_wait3A_704 = tpu.memref_squeeze %dma_wait3A_703 : memref<1x64x128xf32, #tpu.memory_space<vmem>> -> memref<64x128xf32, #tpu.memory_space<vmem>>
      %dma_wait3A_705 = arith.constant 0 : i32
      %dma_wait3A_706 = arith.constant 0 : i32
      %dma_wait3A_707 = tpu.memref_slice %arg5[%dma_wait3A_705, %dma_wait3A_706] : memref<64x1000000xf32, #tpu.memory_space<hbm>> -> memref<64x128xf32, #tpu.memory_space<hbm>>
      tpu.wait_dma2 semaphore(%arg19 : memref<!tpu.dma_semaphore, #tpu.memory_space<semaphore_mem>>) src(%dma_wait3A_707 : memref<64x128xf32, #tpu.memory_space<hbm>>) dst(%dma_wait3A_704 : memref<64x128xf32, #tpu.memory_space<vmem>>)
      %get3A_708 = arith.index_cast %add3A_677 : i32 to index
      %get3A_709 = memref.load %arg11[%get3A_708] : memref<512xi32, #tpu.memory_space<smem>>
      %jit3A_710 = arith.constant 128 : i32
      %eq3A_711 = arith.constant 0 : i32
      %eq3A_712 = arith.cmpi eq, %jit3A_710, %eq3A_711 : i32
      %jit3A_713 = arith.constant 1 : i32
      %select_n3A_714 = arith.select %eq3A_712, %jit3A_713, %jit3A_710 : i32
      %rem3A_715 = arith.remsi %get3A_709, %select_n3A_714 : i32
      %ne3A_716 = arith.constant 0 : i32
      %ne3A_717 = arith.cmpi ne, %rem3A_715, %ne3A_716 : i32
      %lt3A_718 = arith.constant 0 : i32
      %lt3A_719 = arith.cmpi slt, %rem3A_715, %lt3A_718 : i32
      %lt3A_720 = arith.constant 0 : i32
      %lt3A_721 = arith.cmpi slt, %select_n3A_714, %lt3A_720 : i32
      %ne3A_722 = arith.xori %lt3A_719, %lt3A_721 : i1
      %and3A_723 = arith.andi %ne3A_722, %ne3A_717 : i1
      %add3A_724 = arith.addi %rem3A_715, %select_n3A_714 : i32
      %select_n3A_725 = arith.select %and3A_723, %add3A_724, %rem3A_715 : i32
      %broadcast_in_dim3A_726 = vector.broadcast %select_n3A_725 : i32 to vector<16xi32>
      %get3A_727 = arith.index_cast %add3A_677 : i32 to index
      %get3A_728 = memref.load %arg12[%get3A_727] : memref<512xi32, #tpu.memory_space<smem>>
      %jit3A_729 = arith.constant 128 : i32
      %eq3A_730 = arith.constant 0 : i32
      %eq3A_731 = arith.cmpi eq, %jit3A_729, %eq3A_730 : i32
      %jit3A_732 = arith.constant 1 : i32
      %select_n3A_733 = arith.select %eq3A_731, %jit3A_732, %jit3A_729 : i32
      %rem3A_734 = arith.remsi %get3A_728, %select_n3A_733 : i32
      %ne3A_735 = arith.constant 0 : i32
      %ne3A_736 = arith.cmpi ne, %rem3A_734, %ne3A_735 : i32
      %lt3A_737 = arith.constant 0 : i32
      %lt3A_738 = arith.cmpi slt, %rem3A_734, %lt3A_737 : i32
      %lt3A_739 = arith.constant 0 : i32
      %lt3A_740 = arith.cmpi slt, %select_n3A_733, %lt3A_739 : i32
      %ne3A_741 = arith.xori %lt3A_738, %lt3A_740 : i1
      %and3A_742 = arith.andi %ne3A_741, %ne3A_736 : i1
      %add3A_743 = arith.addi %rem3A_734, %select_n3A_733 : i32
      %select_n3A_744 = arith.select %and3A_742, %add3A_743, %rem3A_734 : i32
      %broadcast_in_dim3A_745 = vector.broadcast %select_n3A_744 : i32 to vector<16xi32>
      %broadcast_in_dim3A_746 = arith.constant 0.000000e+00 : f32
      %broadcast_in_dim3A_747 = vector.broadcast %broadcast_in_dim3A_746 : f32 to vector<16xf32>
      %add3A_748 = arith.constant 0 : i32
      %add3A_749 = vector.broadcast %add3A_748 : i32 to vector<16xi32>
      %add3A_750 = arith.addi %iota3A, %add3A_749 : vector<16xi32>
      %gather3A_751 = arith.constant 1 : i32
      %gather3A_752 = arith.constant 0 : i32
      %gather3A_753 = arith.constant 0 : i32
      %gather3A_754 = tpu.memref_slice %arg13[%gather3A_751, %gather3A_752, %gather3A_753] : memref<4x64x128xf32, #tpu.memory_space<vmem>> -> memref<1x64x128xf32, #tpu.memory_space<vmem>>
      %gather3A_755 = tpu.memref_squeeze %gather3A_754 : memref<1x64x128xf32, #tpu.memory_space<vmem>> -> memref<64x128xf32, #tpu.memory_space<vmem>>
      %gather3A_756 = tpu.vector_load_idx %gather3A_755[%add3A_750, %broadcast_in_dim3A_726] : memref<64x128xf32, #tpu.memory_space<vmem>>[vector<16xi32>, vector<16xi32>], vector<16xf32>,
      %gather3A_757 = arith.constant 1 : i32
      %gather3A_758 = arith.constant 0 : i32
      %gather3A_759 = arith.constant 0 : i32
      %gather3A_760 = tpu.memref_slice %arg14[%gather3A_757, %gather3A_758, %gather3A_759] : memref<4x64x128xf32, #tpu.memory_space<vmem>> -> memref<1x64x128xf32, #tpu.memory_space<vmem>>
      %gather3A_761 = tpu.memref_squeeze %gather3A_760 : memref<1x64x128xf32, #tpu.memory_space<vmem>> -> memref<64x128xf32, #tpu.memory_space<vmem>>
      %gather3A_762 = tpu.vector_load_idx %gather3A_761[%add3A_750, %broadcast_in_dim3A_745] : memref<64x128xf32, #tpu.memory_space<vmem>>[vector<16xi32>, vector<16xi32>], vector<16xf32>,
      %mul3A_763 = arith.mulf %gather3A_756, %gather3A_762 : vector<16xf32>
      %mul3A_764 = arith.mulf %mul3A_763, %get3A_3 : vector<16xf32>
      %add3A_765 = arith.addf %broadcast_in_dim3A_747, %mul3A_764 : vector<16xf32>
      %add3A_766 = arith.constant 16 : i32
      %add3A_767 = vector.broadcast %add3A_766 : i32 to vector<16xi32>
      %add3A_768 = arith.addi %iota3A, %add3A_767 : vector<16xi32>
      %gather3A_769 = arith.constant 1 : i32
      %gather3A_770 = arith.constant 0 : i32
      %gather3A_771 = arith.constant 0 : i32
      %gather3A_772 = tpu.memref_slice %arg13[%gather3A_769, %gather3A_770, %gather3A_771] : memref<4x64x128xf32, #tpu.memory_space<vmem>> -> memref<1x64x128xf32, #tpu.memory_space<vmem>>
      %gather3A_773 = tpu.memref_squeeze %gather3A_772 : memref<1x64x128xf32, #tpu.memory_space<vmem>> -> memref<64x128xf32, #tpu.memory_space<vmem>>
      %gather3A_774 = tpu.vector_load_idx %gather3A_773[%add3A_768, %broadcast_in_dim3A_726] : memref<64x128xf32, #tpu.memory_space<vmem>>[vector<16xi32>, vector<16xi32>], vector<16xf32>,
      %gather3A_775 = arith.constant 1 : i32
      %gather3A_776 = arith.constant 0 : i32
      %gather3A_777 = arith.constant 0 : i32
      %gather3A_778 = tpu.memref_slice %arg14[%gather3A_775, %gather3A_776, %gather3A_777] : memref<4x64x128xf32, #tpu.memory_space<vmem>> -> memref<1x64x128xf32, #tpu.memory_space<vmem>>
      %gather3A_779 = tpu.memref_squeeze %gather3A_778 : memref<1x64x128xf32, #tpu.memory_space<vmem>> -> memref<64x128xf32, #tpu.memory_space<vmem>>
      %gather3A_780 = tpu.vector_load_idx %gather3A_779[%add3A_768, %broadcast_in_dim3A_745] : memref<64x128xf32, #tpu.memory_space<vmem>>[vector<16xi32>, vector<16xi32>], vector<16xf32>,
      %mul3A_781 = arith.mulf %gather3A_774, %gather3A_780 : vector<16xf32>
      %mul3A_782 = arith.mulf %mul3A_781, %get3A_5 : vector<16xf32>
      %add3A_783 = arith.addf %add3A_765, %mul3A_782 : vector<16xf32>
      %add3A_784 = arith.constant 32 : i32
      %add3A_785 = vector.broadcast %add3A_784 : i32 to vector<16xi32>
      %add3A_786 = arith.addi %iota3A, %add3A_785 : vector<16xi32>
      %gather3A_787 = arith.constant 1 : i32
      %gather3A_788 = arith.constant 0 : i32
      %gather3A_789 = arith.constant 0 : i32
      %gather3A_790 = tpu.memref_slice %arg13[%gather3A_787, %gather3A_788, %gather3A_789] : memref<4x64x128xf32, #tpu.memory_space<vmem>> -> memref<1x64x128xf32, #tpu.memory_space<vmem>>
      %gather3A_791 = tpu.memref_squeeze %gather3A_790 : memref<1x64x128xf32, #tpu.memory_space<vmem>> -> memref<64x128xf32, #tpu.memory_space<vmem>>
      %gather3A_792 = tpu.vector_load_idx %gather3A_791[%add3A_786, %broadcast_in_dim3A_726] : memref<64x128xf32, #tpu.memory_space<vmem>>[vector<16xi32>, vector<16xi32>], vector<16xf32>,
      %gather3A_793 = arith.constant 1 : i32
      %gather3A_794 = arith.constant 0 : i32
      %gather3A_795 = arith.constant 0 : i32
      %gather3A_796 = tpu.memref_slice %arg14[%gather3A_793, %gather3A_794, %gather3A_795] : memref<4x64x128xf32, #tpu.memory_space<vmem>> -> memref<1x64x128xf32, #tpu.memory_space<vmem>>
      %gather3A_797 = tpu.memref_squeeze %gather3A_796 : memref<1x64x128xf32, #tpu.memory_space<vmem>> -> memref<64x128xf32, #tpu.memory_space<vmem>>
      %gather3A_798 = tpu.vector_load_idx %gather3A_797[%add3A_786, %broadcast_in_dim3A_745] : memref<64x128xf32, #tpu.memory_space<vmem>>[vector<16xi32>, vector<16xi32>], vector<16xf32>,
      %mul3A_799 = arith.mulf %gather3A_792, %gather3A_798 : vector<16xf32>
      %mul3A_800 = arith.mulf %mul3A_799, %get3A_7 : vector<16xf32>
      %add3A_801 = arith.addf %add3A_783, %mul3A_800 : vector<16xf32>
      %add3A_802 = arith.constant 48 : i32
      %add3A_803 = vector.broadcast %add3A_802 : i32 to vector<16xi32>
      %add3A_804 = arith.addi %iota3A, %add3A_803 : vector<16xi32>
      %gather3A_805 = arith.constant 1 : i32
      %gather3A_806 = arith.constant 0 : i32
      %gather3A_807 = arith.constant 0 : i32
      %gather3A_808 = tpu.memref_slice %arg13[%gather3A_805, %gather3A_806, %gather3A_807] : memref<4x64x128xf32, #tpu.memory_space<vmem>> -> memref<1x64x128xf32, #tpu.memory_space<vmem>>
      %gather3A_809 = tpu.memref_squeeze %gather3A_808 : memref<1x64x128xf32, #tpu.memory_space<vmem>> -> memref<64x128xf32, #tpu.memory_space<vmem>>
      %gather3A_810 = tpu.vector_load_idx %gather3A_809[%add3A_804, %broadcast_in_dim3A_726] : memref<64x128xf32, #tpu.memory_space<vmem>>[vector<16xi32>, vector<16xi32>], vector<16xf32>,
      %gather3A_811 = arith.constant 1 : i32
      %gather3A_812 = arith.constant 0 : i32
      %gather3A_813 = arith.constant 0 : i32
      %gather3A_814 = tpu.memref_slice %arg14[%gather3A_811, %gather3A_812, %gather3A_813] : memref<4x64x128xf32, #tpu.memory_space<vmem>> -> memref<1x64x128xf32, #tpu.memory_space<vmem>>
      %gather3A_815 = tpu.memref_squeeze %gather3A_814 : memref<1x64x128xf32, #tpu.memory_space<vmem>> -> memref<64x128xf32, #tpu.memory_space<vmem>>
      %gather3A_816 = tpu.vector_load_idx %gather3A_815[%add3A_804, %broadcast_in_dim3A_745] : memref<64x128xf32, #tpu.memory_space<vmem>>[vector<16xi32>, vector<16xi32>], vector<16xf32>,
      %mul3A_817 = arith.mulf %gather3A_810, %gather3A_816 : vector<16xf32>
      %mul3A_818 = arith.mulf %mul3A_817, %get3A_9 : vector<16xf32>
      %add3A_819 = arith.addf %add3A_801, %mul3A_818 : vector<16xf32>
      %reduce_sum3A_820 = arith.constant true
      %reduce_sum3A_821 = vector.broadcast %reduce_sum3A_820 : i1 to vector<16xi1>
      %reduce_sum3A_822 = tpu.scan <sum>, %add3A_819 masked %reduce_sum3A_821 : vector<16xf32>, vector<16xi1> -> vector<16xf32>
      %reduce_sum3A_823 = vector.extract %reduce_sum3A_822[15] : f32 from vector<16xf32>
      %add3A_824 = arith.constant 4 : i32
      %add3A_825 = arith.addi %add3A_677, %add3A_824 : i32
      %lt3A_826 = arith.constant 512 : i32
      %lt3A_827 = arith.cmpi slt, %add3A_825, %lt3A_826 : i32
      %convert_element_type3A_828 = arith.extui %lt3A_827 : i1 to i32
      %cond3A_829 = arith.constant 0 : i32
      %cond3A_830 = arith.cmpi ne, %convert_element_type3A_828, %cond3A_829 : i32
      scf.if %cond3A_830 {
        %add3A_1331 = arith.constant 4 : i32
        %add3A_1332 = arith.addi %add3A_677, %add3A_1331 : i32
        %get3A_1333 = arith.index_cast %add3A_1332 : i32 to index
        %get3A_1334 = memref.load %arg11[%get3A_1333] : memref<512xi32, #tpu.memory_space<smem>>
        %get3A_1335 = arith.index_cast %add3A_1332 : i32 to index
        %get3A_1336 = memref.load %arg12[%get3A_1335] : memref<512xi32, #tpu.memory_space<smem>>
        %jit3A_1337 = arith.constant 128 : i32
        %div3A_1338 = arith.divsi %get3A_1334, %jit3A_1337 : i32
        %sign3A_1339 = arith.constant 0 : i32
        %sign3A_1340 = arith.cmpi sgt, %get3A_1334, %sign3A_1339 : i32
        %sign3A_1341 = arith.extui %sign3A_1340 : i1 to i32
        %sign3A_1342 = arith.constant 0 : i32
        %sign3A_1343 = arith.cmpi slt, %get3A_1334, %sign3A_1342 : i32
        %sign3A_1344 = arith.extui %sign3A_1343 : i1 to i32
        %sign3A_1345 = arith.subi %sign3A_1341, %sign3A_1344 : i32
        %sign3A_1346 = arith.constant 0 : i32
        %sign3A_1347 = arith.cmpi sgt, %jit3A_1337, %sign3A_1346 : i32
        %sign3A_1348 = arith.extui %sign3A_1347 : i1 to i32
        %sign3A_1349 = arith.constant 0 : i32
        %sign3A_1350 = arith.cmpi slt, %jit3A_1337, %sign3A_1349 : i32
        %sign3A_1351 = arith.extui %sign3A_1350 : i1 to i32
        %sign3A_1352 = arith.subi %sign3A_1348, %sign3A_1351 : i32
        %ne3A_1353 = arith.cmpi ne, %sign3A_1345, %sign3A_1352 : i32
        %rem3A_1354 = arith.remsi %get3A_1334, %jit3A_1337 : i32
        %ne3A_1355 = arith.constant 0 : i32
        %ne3A_1356 = arith.cmpi ne, %rem3A_1354, %ne3A_1355 : i32
        %and3A_1357 = arith.andi %ne3A_1353, %ne3A_1356 : i1
        %sub3A_1358 = arith.constant 1 : i32
        %sub3A_1359 = arith.subi %div3A_1338, %sub3A_1358 : i32
        %select_n3A_1360 = arith.select %and3A_1357, %sub3A_1359, %div3A_1338 : i32
        %mul3A_1361 = arith.constant 128 : i32
        %mul3A_1362 = arith.muli %select_n3A_1360, %mul3A_1361 : i32
        %multiple_of3A_1363 = tpu.assume_multiple %mul3A_1362, 128 : i32
        %jit3A_1364 = arith.constant 128 : i32
        %div3A_1365 = arith.divsi %get3A_1336, %jit3A_1364 : i32
        %sign3A_1366 = arith.constant 0 : i32
        %sign3A_1367 = arith.cmpi sgt, %get3A_1336, %sign3A_1366 : i32
        %sign3A_1368 = arith.extui %sign3A_1367 : i1 to i32
        %sign3A_1369 = arith.constant 0 : i32
        %sign3A_1370 = arith.cmpi slt, %get3A_1336, %sign3A_1369 : i32
        %sign3A_1371 = arith.extui %sign3A_1370 : i1 to i32
        %sign3A_1372 = arith.subi %sign3A_1368, %sign3A_1371 : i32
        %sign3A_1373 = arith.constant 0 : i32
        %sign3A_1374 = arith.cmpi sgt, %jit3A_1364, %sign3A_1373 : i32
        %sign3A_1375 = arith.extui %sign3A_1374 : i1 to i32
        %sign3A_1376 = arith.constant 0 : i32
        %sign3A_1377 = arith.cmpi slt, %jit3A_1364, %sign3A_1376 : i32
        %sign3A_1378 = arith.extui %sign3A_1377 : i1 to i32
        %sign3A_1379 = arith.subi %sign3A_1375, %sign3A_1378 : i32
        %ne3A_1380 = arith.cmpi ne, %sign3A_1372, %sign3A_1379 : i32
        %rem3A_1381 = arith.remsi %get3A_1336, %jit3A_1364 : i32
        %ne3A_1382 = arith.constant 0 : i32
        %ne3A_1383 = arith.cmpi ne, %rem3A_1381, %ne3A_1382 : i32
        %and3A_1384 = arith.andi %ne3A_1380, %ne3A_1383 : i1
        %sub3A_1385 = arith.constant 1 : i32
        %sub3A_1386 = arith.subi %div3A_1365, %sub3A_1385 : i32
        %select_n3A_1387 = arith.select %and3A_1384, %sub3A_1386, %div3A_1365 : i32
        %mul3A_1388 = arith.constant 128 : i32
        %mul3A_1389 = arith.muli %select_n3A_1387, %mul3A_1388 : i32
        %multiple_of3A_1390 = tpu.assume_multiple %mul3A_1389, 128 : i32
        %dma_start3A_1391 = arith.constant 1 : i32
        %dma_start3A_1392 = arith.constant 0 : i32
        %dma_start3A_1393 = arith.constant 0 : i32
        %dma_start3A_1394 = tpu.memref_slice %arg13[%dma_start3A_1391, %dma_start3A_1392, %dma_start3A_1393] : memref<4x64x128xf32, #tpu.memory_space<vmem>> -> memref<1x32x128xf32, #tpu.memory_space<vmem>>
        %dma_start3A_1395 = tpu.memref_squeeze %dma_start3A_1394 : memref<1x32x128xf32, #tpu.memory_space<vmem>> -> memref<32x128xf32, #tpu.memory_space<vmem>>
        %dma_start3A_1396 = arith.constant 0 : i32
        %dma_start3A_1397 = tpu.memref_slice %arg4[%dma_start3A_1396, %multiple_of3A_1363] : memref<64x1000000xf32, #tpu.memory_space<hbm>> -> memref<32x128xf32, #tpu.memory_space<hbm>>
        %dma_start3A_1398 = arith.constant 0 : i32
        %dma_start3A_1399 = arith.constant 0 : i32
        %dma_start3A_1400 = tpu.memref_slice %arg13[%dma_start3A_1391, %dma_start3A_1398, %dma_start3A_1399] : memref<4x64x128xf32, #tpu.memory_space<vmem>> -> memref<1x32x128xf32, #tpu.memory_space<vmem>>
        %dma_start3A_1401 = tpu.memref_squeeze %dma_start3A_1400 : memref<1x32x128xf32, #tpu.memory_space<vmem>> -> memref<32x128xf32, #tpu.memory_space<vmem>>
        %dma_start3A_1402 = arith.constant 0 : i32
        %dma_start3A_1403 = tpu.memref_slice %arg4[%dma_start3A_1402, %multiple_of3A_1363] : memref<64x1000000xf32, #tpu.memory_space<hbm>> -> memref<32x128xf32, #tpu.memory_space<hbm>>
        tpu.enqueue_dma source(%dma_start3A_1403 : memref<32x128xf32, #tpu.memory_space<hbm>>) target(%dma_start3A_1401 : memref<32x128xf32, #tpu.memory_space<vmem>>) target_semaphore(%arg19 : memref<!tpu.dma_semaphore, #tpu.memory_space<semaphore_mem>>)
        %dma_start3A_1404 = arith.constant 1 : i32
        %dma_start3A_1405 = arith.constant 0 : i32
        %dma_start3A_1406 = arith.constant 0 : i32
        %dma_start3A_1407 = tpu.memref_slice %arg14[%dma_start3A_1404, %dma_start3A_1405, %dma_start3A_1406] : memref<4x64x128xf32, #tpu.memory_space<vmem>> -> memref<1x32x128xf32, #tpu.memory_space<vmem>>
        %dma_start3A_1408 = tpu.memref_squeeze %dma_start3A_1407 : memref<1x32x128xf32, #tpu.memory_space<vmem>> -> memref<32x128xf32, #tpu.memory_space<vmem>>
        %dma_start3A_1409 = arith.constant 0 : i32
        %dma_start3A_1410 = tpu.memref_slice %arg5[%dma_start3A_1409, %multiple_of3A_1390] : memref<64x1000000xf32, #tpu.memory_space<hbm>> -> memref<32x128xf32, #tpu.memory_space<hbm>>
        %dma_start3A_1411 = arith.constant 0 : i32
        %dma_start3A_1412 = arith.constant 0 : i32
        %dma_start3A_1413 = tpu.memref_slice %arg14[%dma_start3A_1404, %dma_start3A_1411, %dma_start3A_1412] : memref<4x64x128xf32, #tpu.memory_space<vmem>> -> memref<1x32x128xf32, #tpu.memory_space<vmem>>
        %dma_start3A_1414 = tpu.memref_squeeze %dma_start3A_1413 : memref<1x32x128xf32, #tpu.memory_space<vmem>> -> memref<32x128xf32, #tpu.memory_space<vmem>>
        %dma_start3A_1415 = arith.constant 0 : i32
        %dma_start3A_1416 = tpu.memref_slice %arg5[%dma_start3A_1415, %multiple_of3A_1390] : memref<64x1000000xf32, #tpu.memory_space<hbm>> -> memref<32x128xf32, #tpu.memory_space<hbm>>
        tpu.enqueue_dma source(%dma_start3A_1416 : memref<32x128xf32, #tpu.memory_space<hbm>>) target(%dma_start3A_1414 : memref<32x128xf32, #tpu.memory_space<vmem>>) target_semaphore(%arg19 : memref<!tpu.dma_semaphore, #tpu.memory_space<semaphore_mem>>)
        %dma_start3A_1417 = arith.constant 1 : i32
        %dma_start3A_1418 = arith.constant 32 : i32
        %dma_start3A_1419 = arith.constant 0 : i32
        %dma_start3A_1420 = tpu.memref_slice %arg13[%dma_start3A_1417, %dma_start3A_1418, %dma_start3A_1419] : memref<4x64x128xf32, #tpu.memory_space<vmem>> -> memref<1x32x128xf32, #tpu.memory_space<vmem>>
        %dma_start3A_1421 = tpu.memref_squeeze %dma_start3A_1420 : memref<1x32x128xf32, #tpu.memory_space<vmem>> -> memref<32x128xf32, #tpu.memory_space<vmem>>
        %dma_start3A_1422 = arith.constant 32 : i32
        %dma_start3A_1423 = tpu.memref_slice %arg4[%dma_start3A_1422, %multiple_of3A_1363] : memref<64x1000000xf32, #tpu.memory_space<hbm>> -> memref<32x128xf32, #tpu.memory_space<hbm>>
        %dma_start3A_1424 = arith.constant 32 : i32
        %dma_start3A_1425 = arith.constant 0 : i32
        %dma_start3A_1426 = tpu.memref_slice %arg13[%dma_start3A_1417, %dma_start3A_1424, %dma_start3A_1425] : memref<4x64x128xf32, #tpu.memory_space<vmem>> -> memref<1x32x128xf32, #tpu.memory_space<vmem>>
        %dma_start3A_1427 = tpu.memref_squeeze %dma_start3A_1426 : memref<1x32x128xf32, #tpu.memory_space<vmem>> -> memref<32x128xf32, #tpu.memory_space<vmem>>
        %dma_start3A_1428 = arith.constant 32 : i32
        %dma_start3A_1429 = tpu.memref_slice %arg4[%dma_start3A_1428, %multiple_of3A_1363] : memref<64x1000000xf32, #tpu.memory_space<hbm>> -> memref<32x128xf32, #tpu.memory_space<hbm>>
        tpu.enqueue_dma source(%dma_start3A_1429 : memref<32x128xf32, #tpu.memory_space<hbm>>) target(%dma_start3A_1427 : memref<32x128xf32, #tpu.memory_space<vmem>>) target_semaphore(%arg19 : memref<!tpu.dma_semaphore, #tpu.memory_space<semaphore_mem>>)
        %dma_start3A_1430 = arith.constant 1 : i32
        %dma_start3A_1431 = arith.constant 32 : i32
        %dma_start3A_1432 = arith.constant 0 : i32
        %dma_start3A_1433 = tpu.memref_slice %arg14[%dma_start3A_1430, %dma_start3A_1431, %dma_start3A_1432] : memref<4x64x128xf32, #tpu.memory_space<vmem>> -> memref<1x32x128xf32, #tpu.memory_space<vmem>>
        %dma_start3A_1434 = tpu.memref_squeeze %dma_start3A_1433 : memref<1x32x128xf32, #tpu.memory_space<vmem>> -> memref<32x128xf32, #tpu.memory_space<vmem>>
        %dma_start3A_1435 = arith.constant 32 : i32
        %dma_start3A_1436 = tpu.memref_slice %arg5[%dma_start3A_1435, %multiple_of3A_1390] : memref<64x1000000xf32, #tpu.memory_space<hbm>> -> memref<32x128xf32, #tpu.memory_space<hbm>>
        %dma_start3A_1437 = arith.constant 32 : i32
        %dma_start3A_1438 = arith.constant 0 : i32
        %dma_start3A_1439 = tpu.memref_slice %arg14[%dma_start3A_1430, %dma_start3A_1437, %dma_start3A_1438] : memref<4x64x128xf32, #tpu.memory_space<vmem>> -> memref<1x32x128xf32, #tpu.memory_space<vmem>>
        %dma_start3A_1440 = tpu.memref_squeeze %dma_start3A_1439 : memref<1x32x128xf32, #tpu.memory_space<vmem>> -> memref<32x128xf32, #tpu.memory_space<vmem>>
        %dma_start3A_1441 = arith.constant 32 : i32
        %dma_start3A_1442 = tpu.memref_slice %arg5[%dma_start3A_1441, %multiple_of3A_1390] : memref<64x1000000xf32, #tpu.memory_space<hbm>> -> memref<32x128xf32, #tpu.memory_space<hbm>>
        tpu.enqueue_dma source(%dma_start3A_1442 : memref<32x128xf32, #tpu.memory_space<hbm>>) target(%dma_start3A_1440 : memref<32x128xf32, #tpu.memory_space<vmem>>) target_semaphore(%arg19 : memref<!tpu.dma_semaphore, #tpu.memory_space<semaphore_mem>>)
      } else {
      }
      %jit3A_831 = arith.constant 16 : i32
      %eq3A_832 = arith.constant 0 : i32
      %eq3A_833 = arith.cmpi eq, %jit3A_831, %eq3A_832 : i32
      %jit3A_834 = arith.constant 1 : i32
      %select_n3A_835 = arith.select %eq3A_833, %jit3A_834, %jit3A_831 : i32
      %rem3A_836 = arith.remsi %add3A_677, %select_n3A_835 : i32
      %ne3A_837 = arith.constant 0 : i32
      %ne3A_838 = arith.cmpi ne, %rem3A_836, %ne3A_837 : i32
      %lt3A_839 = arith.constant 0 : i32
      %lt3A_840 = arith.cmpi slt, %rem3A_836, %lt3A_839 : i32
      %lt3A_841 = arith.constant 0 : i32
      %lt3A_842 = arith.cmpi slt, %select_n3A_835, %lt3A_841 : i32
      %ne3A_843 = arith.xori %lt3A_840, %lt3A_842 : i1
      %and3A_844 = arith.andi %ne3A_843, %ne3A_838 : i1
      %add3A_845 = arith.addi %rem3A_836, %select_n3A_835 : i32
      %select_n3A_846 = arith.select %and3A_844, %add3A_845, %rem3A_836 : i32
      %eq3A_847 = vector.broadcast %select_n3A_846 : i32 to vector<16xi32>
      %eq3A_848 = arith.cmpi eq, %iota3A, %eq3A_847 : vector<16xi32>
      %broadcast_in_dim3A_849 = vector.broadcast %reduce_sum3A_823 : f32 to vector<16xf32>
      %select_n3A_850 = arith.select %eq3A_848, %broadcast_in_dim3A_849, %select_n3A_673 : vector<16xi1>, vector<16xf32>
      %jit3A_851 = arith.constant 16 : i32
      %eq3A_852 = arith.constant 0 : i32
      %eq3A_853 = arith.cmpi eq, %jit3A_851, %eq3A_852 : i32
      %jit3A_854 = arith.constant 1 : i32
      %select_n3A_855 = arith.select %eq3A_853, %jit3A_854, %jit3A_851 : i32
      %rem3A_856 = arith.remsi %add3A_677, %select_n3A_855 : i32
      %ne3A_857 = arith.constant 0 : i32
      %ne3A_858 = arith.cmpi ne, %rem3A_856, %ne3A_857 : i32
      %lt3A_859 = arith.constant 0 : i32
      %lt3A_860 = arith.cmpi slt, %rem3A_856, %lt3A_859 : i32
      %lt3A_861 = arith.constant 0 : i32
      %lt3A_862 = arith.cmpi slt, %select_n3A_855, %lt3A_861 : i32
      %ne3A_863 = arith.xori %lt3A_860, %lt3A_862 : i1
      %and3A_864 = arith.andi %ne3A_863, %ne3A_858 : i1
      %add3A_865 = arith.addi %rem3A_856, %select_n3A_855 : i32
      %select_n3A_866 = arith.select %and3A_864, %add3A_865, %rem3A_856 : i32
      %eq3A_867 = arith.constant 15 : i32
      %eq3A_868 = arith.cmpi eq, %select_n3A_866, %eq3A_867 : i32
      %convert_element_type3A_869 = arith.extui %eq3A_868 : i1 to i32
      %cond3A_870 = arith.constant 0 : i32
      %cond3A_871 = arith.cmpi ne, %convert_element_type3A_869, %cond3A_870 : i32
      scf.if %cond3A_871 {
        %get3A_1331 = arith.constant 0 : index
        %get3A_1332 = tpu.vector_load %arg16[%get3A_1331] {strides = array<i32>} : memref<16xf32, #tpu.memory_space<vmem>>, vector<16xf32>,
        %add3A_1333 = arith.addf %select_n3A_850, %get3A_1332 : vector<16xf32>
        %jit3A_1334 = arith.constant 16 : i32
        %div3A_1335 = arith.divsi %add3A_677, %jit3A_1334 : i32
        %sign3A_1336 = arith.constant 0 : i32
        %sign3A_1337 = arith.cmpi sgt, %add3A_677, %sign3A_1336 : i32
        %sign3A_1338 = arith.extui %sign3A_1337 : i1 to i32
        %sign3A_1339 = arith.constant 0 : i32
        %sign3A_1340 = arith.cmpi slt, %add3A_677, %sign3A_1339 : i32
        %sign3A_1341 = arith.extui %sign3A_1340 : i1 to i32
        %sign3A_1342 = arith.subi %sign3A_1338, %sign3A_1341 : i32
        %sign3A_1343 = arith.constant 0 : i32
        %sign3A_1344 = arith.cmpi sgt, %jit3A_1334, %sign3A_1343 : i32
        %sign3A_1345 = arith.extui %sign3A_1344 : i1 to i32
        %sign3A_1346 = arith.constant 0 : i32
        %sign3A_1347 = arith.cmpi slt, %jit3A_1334, %sign3A_1346 : i32
        %sign3A_1348 = arith.extui %sign3A_1347 : i1 to i32
        %sign3A_1349 = arith.subi %sign3A_1345, %sign3A_1348 : i32
        %ne3A_1350 = arith.cmpi ne, %sign3A_1342, %sign3A_1349 : i32
        %rem3A_1351 = arith.remsi %add3A_677, %jit3A_1334 : i32
        %ne3A_1352 = arith.constant 0 : i32
        %ne3A_1353 = arith.cmpi ne, %rem3A_1351, %ne3A_1352 : i32
        %and3A_1354 = arith.andi %ne3A_1350, %ne3A_1353 : i1
        %sub3A_1355 = arith.constant 1 : i32
        %sub3A_1356 = arith.subi %div3A_1335, %sub3A_1355 : i32
        %select_n3A_1357 = arith.select %and3A_1354, %sub3A_1356, %div3A_1335 : i32
        %mul3A_1358 = arith.constant 16 : i32
        %mul3A_1359 = arith.muli %select_n3A_1357, %mul3A_1358 : i32
        %swap3A = arith.index_cast %mul3A_1359 : i32 to index
        %swap3A_1360 = tpu.vector_load %arg17[%swap3A] {strides = array<i32>} : memref<512xf32, #tpu.memory_space<vmem>>, vector<16xf32>,
        tpu.vector_store %arg17[%swap3A], %add3A_1333 {strides = array<i32>} : memref<512xf32, #tpu.memory_space<vmem>>, vector<16xf32>,
      } else {
      }
      %jit3A_872 = arith.constant 16 : i32
      %eq3A_873 = arith.constant 0 : i32
      %eq3A_874 = arith.cmpi eq, %jit3A_872, %eq3A_873 : i32
      %jit3A_875 = arith.constant 1 : i32
      %select_n3A_876 = arith.select %eq3A_874, %jit3A_875, %jit3A_872 : i32
      %rem3A_877 = arith.remsi %add3A_677, %select_n3A_876 : i32
      %ne3A_878 = arith.constant 0 : i32
      %ne3A_879 = arith.cmpi ne, %rem3A_877, %ne3A_878 : i32
      %lt3A_880 = arith.constant 0 : i32
      %lt3A_881 = arith.cmpi slt, %rem3A_877, %lt3A_880 : i32
      %lt3A_882 = arith.constant 0 : i32
      %lt3A_883 = arith.cmpi slt, %select_n3A_876, %lt3A_882 : i32
      %ne3A_884 = arith.xori %lt3A_881, %lt3A_883 : i1
      %and3A_885 = arith.andi %ne3A_884, %ne3A_879 : i1
      %add3A_886 = arith.addi %rem3A_877, %select_n3A_876 : i32
      %select_n3A_887 = arith.select %and3A_885, %add3A_886, %rem3A_877 : i32
      %eq3A_888 = arith.constant 15 : i32
      %eq3A_889 = arith.cmpi eq, %select_n3A_887, %eq3A_888 : i32
      %broadcast_in_dim3A_890 = arith.constant 0.000000e+00 : f32
      %broadcast_in_dim3A_891 = vector.broadcast %broadcast_in_dim3A_890 : f32 to vector<16xf32>
      %select_n3A_892 = arith.select %eq3A_889, %broadcast_in_dim3A_891, %select_n3A_850 : vector<16xf32>
      %mul3A_893 = arith.constant 4 : i32
      %mul3A_894 = arith.muli %scan3A_460, %mul3A_893 : i32
      %add3A_895 = arith.constant 2 : i32
      %add3A_896 = arith.addi %mul3A_894, %add3A_895 : i32
      %dma_wait3A_897 = arith.constant 2 : i32
      %dma_wait3A_898 = arith.constant 0 : i32
      %dma_wait3A_899 = arith.constant 0 : i32
      %dma_wait3A_900 = tpu.memref_slice %arg13[%dma_wait3A_897, %dma_wait3A_898, %dma_wait3A_899] : memref<4x64x128xf32, #tpu.memory_space<vmem>> -> memref<1x64x128xf32, #tpu.memory_space<vmem>>
      %dma_wait3A_901 = tpu.memref_squeeze %dma_wait3A_900 : memref<1x64x128xf32, #tpu.memory_space<vmem>> -> memref<64x128xf32, #tpu.memory_space<vmem>>
      %dma_wait3A_902 = arith.constant 0 : i32
      %dma_wait3A_903 = arith.constant 0 : i32
      %dma_wait3A_904 = tpu.memref_slice %arg4[%dma_wait3A_902, %dma_wait3A_903] : memref<64x1000000xf32, #tpu.memory_space<hbm>> -> memref<64x128xf32, #tpu.memory_space<hbm>>
      %dma_wait3A_905 = arith.constant 0 : i32
      %dma_wait3A_906 = arith.constant 0 : i32
      %dma_wait3A_907 = tpu.memref_slice %arg13[%dma_wait3A_897, %dma_wait3A_905, %dma_wait3A_906] : memref<4x64x128xf32, #tpu.memory_space<vmem>> -> memref<1x64x128xf32, #tpu.memory_space<vmem>>
      %dma_wait3A_908 = tpu.memref_squeeze %dma_wait3A_907 : memref<1x64x128xf32, #tpu.memory_space<vmem>> -> memref<64x128xf32, #tpu.memory_space<vmem>>
      %dma_wait3A_909 = arith.constant 0 : i32
      %dma_wait3A_910 = arith.constant 0 : i32
      %dma_wait3A_911 = tpu.memref_slice %arg4[%dma_wait3A_909, %dma_wait3A_910] : memref<64x1000000xf32, #tpu.memory_space<hbm>> -> memref<64x128xf32, #tpu.memory_space<hbm>>
      tpu.wait_dma2 semaphore(%arg20 : memref<!tpu.dma_semaphore, #tpu.memory_space<semaphore_mem>>) src(%dma_wait3A_911 : memref<64x128xf32, #tpu.memory_space<hbm>>) dst(%dma_wait3A_908 : memref<64x128xf32, #tpu.memory_space<vmem>>)
      %dma_wait3A_912 = arith.constant 2 : i32
      %dma_wait3A_913 = arith.constant 0 : i32
      %dma_wait3A_914 = arith.constant 0 : i32
      %dma_wait3A_915 = tpu.memref_slice %arg14[%dma_wait3A_912, %dma_wait3A_913, %dma_wait3A_914] : memref<4x64x128xf32, #tpu.memory_space<vmem>> -> memref<1x64x128xf32, #tpu.memory_space<vmem>>
      %dma_wait3A_916 = tpu.memref_squeeze %dma_wait3A_915 : memref<1x64x128xf32, #tpu.memory_space<vmem>> -> memref<64x128xf32, #tpu.memory_space<vmem>>
      %dma_wait3A_917 = arith.constant 0 : i32
      %dma_wait3A_918 = arith.constant 0 : i32
      %dma_wait3A_919 = tpu.memref_slice %arg5[%dma_wait3A_917, %dma_wait3A_918] : memref<64x1000000xf32, #tpu.memory_space<hbm>> -> memref<64x128xf32, #tpu.memory_space<hbm>>
      %dma_wait3A_920 = arith.constant 0 : i32
      %dma_wait3A_921 = arith.constant 0 : i32
      %dma_wait3A_922 = tpu.memref_slice %arg14[%dma_wait3A_912, %dma_wait3A_920, %dma_wait3A_921] : memref<4x64x128xf32, #tpu.memory_space<vmem>> -> memref<1x64x128xf32, #tpu.memory_space<vmem>>
      %dma_wait3A_923 = tpu.memref_squeeze %dma_wait3A_922 : memref<1x64x128xf32, #tpu.memory_space<vmem>> -> memref<64x128xf32, #tpu.memory_space<vmem>>
      %dma_wait3A_924 = arith.constant 0 : i32
      %dma_wait3A_925 = arith.constant 0 : i32
      %dma_wait3A_926 = tpu.memref_slice %arg5[%dma_wait3A_924, %dma_wait3A_925] : memref<64x1000000xf32, #tpu.memory_space<hbm>> -> memref<64x128xf32, #tpu.memory_space<hbm>>
      tpu.wait_dma2 semaphore(%arg20 : memref<!tpu.dma_semaphore, #tpu.memory_space<semaphore_mem>>) src(%dma_wait3A_926 : memref<64x128xf32, #tpu.memory_space<hbm>>) dst(%dma_wait3A_923 : memref<64x128xf32, #tpu.memory_space<vmem>>)
      %get3A_927 = arith.index_cast %add3A_896 : i32 to index
      %get3A_928 = memref.load %arg11[%get3A_927] : memref<512xi32, #tpu.memory_space<smem>>
      %jit3A_929 = arith.constant 128 : i32
      %eq3A_930 = arith.constant 0 : i32
      %eq3A_931 = arith.cmpi eq, %jit3A_929, %eq3A_930 : i32
      %jit3A_932 = arith.constant 1 : i32
      %select_n3A_933 = arith.select %eq3A_931, %jit3A_932, %jit3A_929 : i32
      %rem3A_934 = arith.remsi %get3A_928, %select_n3A_933 : i32
      %ne3A_935 = arith.constant 0 : i32
      %ne3A_936 = arith.cmpi ne, %rem3A_934, %ne3A_935 : i32
      %lt3A_937 = arith.constant 0 : i32
      %lt3A_938 = arith.cmpi slt, %rem3A_934, %lt3A_937 : i32
      %lt3A_939 = arith.constant 0 : i32
      %lt3A_940 = arith.cmpi slt, %select_n3A_933, %lt3A_939 : i32
      %ne3A_941 = arith.xori %lt3A_938, %lt3A_940 : i1
      %and3A_942 = arith.andi %ne3A_941, %ne3A_936 : i1
      %add3A_943 = arith.addi %rem3A_934, %select_n3A_933 : i32
      %select_n3A_944 = arith.select %and3A_942, %add3A_943, %rem3A_934 : i32
      %broadcast_in_dim3A_945 = vector.broadcast %select_n3A_944 : i32 to vector<16xi32>
      %get3A_946 = arith.index_cast %add3A_896 : i32 to index
      %get3A_947 = memref.load %arg12[%get3A_946] : memref<512xi32, #tpu.memory_space<smem>>
      %jit3A_948 = arith.constant 128 : i32
      %eq3A_949 = arith.constant 0 : i32
      %eq3A_950 = arith.cmpi eq, %jit3A_948, %eq3A_949 : i32
      %jit3A_951 = arith.constant 1 : i32
      %select_n3A_952 = arith.select %eq3A_950, %jit3A_951, %jit3A_948 : i32
      %rem3A_953 = arith.remsi %get3A_947, %select_n3A_952 : i32
      %ne3A_954 = arith.constant 0 : i32
      %ne3A_955 = arith.cmpi ne, %rem3A_953, %ne3A_954 : i32
      %lt3A_956 = arith.constant 0 : i32
      %lt3A_957 = arith.cmpi slt, %rem3A_953, %lt3A_956 : i32
      %lt3A_958 = arith.constant 0 : i32
      %lt3A_959 = arith.cmpi slt, %select_n3A_952, %lt3A_958 : i32
      %ne3A_960 = arith.xori %lt3A_957, %lt3A_959 : i1
      %and3A_961 = arith.andi %ne3A_960, %ne3A_955 : i1
      %add3A_962 = arith.addi %rem3A_953, %select_n3A_952 : i32
      %select_n3A_963 = arith.select %and3A_961, %add3A_962, %rem3A_953 : i32
      %broadcast_in_dim3A_964 = vector.broadcast %select_n3A_963 : i32 to vector<16xi32>
      %broadcast_in_dim3A_965 = arith.constant 0.000000e+00 : f32
      %broadcast_in_dim3A_966 = vector.broadcast %broadcast_in_dim3A_965 : f32 to vector<16xf32>
      %add3A_967 = arith.constant 0 : i32
      %add3A_968 = vector.broadcast %add3A_967 : i32 to vector<16xi32>
      %add3A_969 = arith.addi %iota3A, %add3A_968 : vector<16xi32>
      %gather3A_970 = arith.constant 2 : i32
      %gather3A_971 = arith.constant 0 : i32
      %gather3A_972 = arith.constant 0 : i32
      %gather3A_973 = tpu.memref_slice %arg13[%gather3A_970, %gather3A_971, %gather3A_972] : memref<4x64x128xf32, #tpu.memory_space<vmem>> -> memref<1x64x128xf32, #tpu.memory_space<vmem>>
      %gather3A_974 = tpu.memref_squeeze %gather3A_973 : memref<1x64x128xf32, #tpu.memory_space<vmem>> -> memref<64x128xf32, #tpu.memory_space<vmem>>
      %gather3A_975 = tpu.vector_load_idx %gather3A_974[%add3A_969, %broadcast_in_dim3A_945] : memref<64x128xf32, #tpu.memory_space<vmem>>[vector<16xi32>, vector<16xi32>], vector<16xf32>,
      %gather3A_976 = arith.constant 2 : i32
      %gather3A_977 = arith.constant 0 : i32
      %gather3A_978 = arith.constant 0 : i32
      %gather3A_979 = tpu.memref_slice %arg14[%gather3A_976, %gather3A_977, %gather3A_978] : memref<4x64x128xf32, #tpu.memory_space<vmem>> -> memref<1x64x128xf32, #tpu.memory_space<vmem>>
      %gather3A_980 = tpu.memref_squeeze %gather3A_979 : memref<1x64x128xf32, #tpu.memory_space<vmem>> -> memref<64x128xf32, #tpu.memory_space<vmem>>
      %gather3A_981 = tpu.vector_load_idx %gather3A_980[%add3A_969, %broadcast_in_dim3A_964] : memref<64x128xf32, #tpu.memory_space<vmem>>[vector<16xi32>, vector<16xi32>], vector<16xf32>,
      %mul3A_982 = arith.mulf %gather3A_975, %gather3A_981 : vector<16xf32>
      %mul3A_983 = arith.mulf %mul3A_982, %get3A_3 : vector<16xf32>
      %add3A_984 = arith.addf %broadcast_in_dim3A_966, %mul3A_983 : vector<16xf32>
      %add3A_985 = arith.constant 16 : i32
      %add3A_986 = vector.broadcast %add3A_985 : i32 to vector<16xi32>
      %add3A_987 = arith.addi %iota3A, %add3A_986 : vector<16xi32>
      %gather3A_988 = arith.constant 2 : i32
      %gather3A_989 = arith.constant 0 : i32
      %gather3A_990 = arith.constant 0 : i32
      %gather3A_991 = tpu.memref_slice %arg13[%gather3A_988, %gather3A_989, %gather3A_990] : memref<4x64x128xf32, #tpu.memory_space<vmem>> -> memref<1x64x128xf32, #tpu.memory_space<vmem>>
      %gather3A_992 = tpu.memref_squeeze %gather3A_991 : memref<1x64x128xf32, #tpu.memory_space<vmem>> -> memref<64x128xf32, #tpu.memory_space<vmem>>
      %gather3A_993 = tpu.vector_load_idx %gather3A_992[%add3A_987, %broadcast_in_dim3A_945] : memref<64x128xf32, #tpu.memory_space<vmem>>[vector<16xi32>, vector<16xi32>], vector<16xf32>,
      %gather3A_994 = arith.constant 2 : i32
      %gather3A_995 = arith.constant 0 : i32
      %gather3A_996 = arith.constant 0 : i32
      %gather3A_997 = tpu.memref_slice %arg14[%gather3A_994, %gather3A_995, %gather3A_996] : memref<4x64x128xf32, #tpu.memory_space<vmem>> -> memref<1x64x128xf32, #tpu.memory_space<vmem>>
      %gather3A_998 = tpu.memref_squeeze %gather3A_997 : memref<1x64x128xf32, #tpu.memory_space<vmem>> -> memref<64x128xf32, #tpu.memory_space<vmem>>
      %gather3A_999 = tpu.vector_load_idx %gather3A_998[%add3A_987, %broadcast_in_dim3A_964] : memref<64x128xf32, #tpu.memory_space<vmem>>[vector<16xi32>, vector<16xi32>], vector<16xf32>,
      %mul3A_1000 = arith.mulf %gather3A_993, %gather3A_999 : vector<16xf32>
      %mul3A_1001 = arith.mulf %mul3A_1000, %get3A_5 : vector<16xf32>
      %add3A_1002 = arith.addf %add3A_984, %mul3A_1001 : vector<16xf32>
      %add3A_1003 = arith.constant 32 : i32
      %add3A_1004 = vector.broadcast %add3A_1003 : i32 to vector<16xi32>
      %add3A_1005 = arith.addi %iota3A, %add3A_1004 : vector<16xi32>
      %gather3A_1006 = arith.constant 2 : i32
      %gather3A_1007 = arith.constant 0 : i32
      %gather3A_1008 = arith.constant 0 : i32
      %gather3A_1009 = tpu.memref_slice %arg13[%gather3A_1006, %gather3A_1007, %gather3A_1008] : memref<4x64x128xf32, #tpu.memory_space<vmem>> -> memref<1x64x128xf32, #tpu.memory_space<vmem>>
      %gather3A_1010 = tpu.memref_squeeze %gather3A_1009 : memref<1x64x128xf32, #tpu.memory_space<vmem>> -> memref<64x128xf32, #tpu.memory_space<vmem>>
      %gather3A_1011 = tpu.vector_load_idx %gather3A_1010[%add3A_1005, %broadcast_in_dim3A_945] : memref<64x128xf32, #tpu.memory_space<vmem>>[vector<16xi32>, vector<16xi32>], vector<16xf32>,
      %gather3A_1012 = arith.constant 2 : i32
      %gather3A_1013 = arith.constant 0 : i32
      %gather3A_1014 = arith.constant 0 : i32
      %gather3A_1015 = tpu.memref_slice %arg14[%gather3A_1012, %gather3A_1013, %gather3A_1014] : memref<4x64x128xf32, #tpu.memory_space<vmem>> -> memref<1x64x128xf32, #tpu.memory_space<vmem>>
      %gather3A_1016 = tpu.memref_squeeze %gather3A_1015 : memref<1x64x128xf32, #tpu.memory_space<vmem>> -> memref<64x128xf32, #tpu.memory_space<vmem>>
      %gather3A_1017 = tpu.vector_load_idx %gather3A_1016[%add3A_1005, %broadcast_in_dim3A_964] : memref<64x128xf32, #tpu.memory_space<vmem>>[vector<16xi32>, vector<16xi32>], vector<16xf32>,
      %mul3A_1018 = arith.mulf %gather3A_1011, %gather3A_1017 : vector<16xf32>
      %mul3A_1019 = arith.mulf %mul3A_1018, %get3A_7 : vector<16xf32>
      %add3A_1020 = arith.addf %add3A_1002, %mul3A_1019 : vector<16xf32>
      %add3A_1021 = arith.constant 48 : i32
      %add3A_1022 = vector.broadcast %add3A_1021 : i32 to vector<16xi32>
      %add3A_1023 = arith.addi %iota3A, %add3A_1022 : vector<16xi32>
      %gather3A_1024 = arith.constant 2 : i32
      %gather3A_1025 = arith.constant 0 : i32
      %gather3A_1026 = arith.constant 0 : i32
      %gather3A_1027 = tpu.memref_slice %arg13[%gather3A_1024, %gather3A_1025, %gather3A_1026] : memref<4x64x128xf32, #tpu.memory_space<vmem>> -> memref<1x64x128xf32, #tpu.memory_space<vmem>>
      %gather3A_1028 = tpu.memref_squeeze %gather3A_1027 : memref<1x64x128xf32, #tpu.memory_space<vmem>> -> memref<64x128xf32, #tpu.memory_space<vmem>>
      %gather3A_1029 = tpu.vector_load_idx %gather3A_1028[%add3A_1023, %broadcast_in_dim3A_945] : memref<64x128xf32, #tpu.memory_space<vmem>>[vector<16xi32>, vector<16xi32>], vector<16xf32>,
      %gather3A_1030 = arith.constant 2 : i32
      %gather3A_1031 = arith.constant 0 : i32
      %gather3A_1032 = arith.constant 0 : i32
      %gather3A_1033 = tpu.memref_slice %arg14[%gather3A_1030, %gather3A_1031, %gather3A_1032] : memref<4x64x128xf32, #tpu.memory_space<vmem>> -> memref<1x64x128xf32, #tpu.memory_space<vmem>>
      %gather3A_1034 = tpu.memref_squeeze %gather3A_1033 : memref<1x64x128xf32, #tpu.memory_space<vmem>> -> memref<64x128xf32, #tpu.memory_space<vmem>>
      %gather3A_1035 = tpu.vector_load_idx %gather3A_1034[%add3A_1023, %broadcast_in_dim3A_964] : memref<64x128xf32, #tpu.memory_space<vmem>>[vector<16xi32>, vector<16xi32>], vector<16xf32>,
      %mul3A_1036 = arith.mulf %gather3A_1029, %gather3A_1035 : vector<16xf32>
      %mul3A_1037 = arith.mulf %mul3A_1036, %get3A_9 : vector<16xf32>
      %add3A_1038 = arith.addf %add3A_1020, %mul3A_1037 : vector<16xf32>
      %reduce_sum3A_1039 = arith.constant true
      %reduce_sum3A_1040 = vector.broadcast %reduce_sum3A_1039 : i1 to vector<16xi1>
      %reduce_sum3A_1041 = tpu.scan <sum>, %add3A_1038 masked %reduce_sum3A_1040 : vector<16xf32>, vector<16xi1> -> vector<16xf32>
      %reduce_sum3A_1042 = vector.extract %reduce_sum3A_1041[15] : f32 from vector<16xf32>
      %add3A_1043 = arith.constant 4 : i32
      %add3A_1044 = arith.addi %add3A_896, %add3A_1043 : i32
      %lt3A_1045 = arith.constant 512 : i32
      %lt3A_1046 = arith.cmpi slt, %add3A_1044, %lt3A_1045 : i32
      %convert_element_type3A_1047 = arith.extui %lt3A_1046 : i1 to i32
      %cond3A_1048 = arith.constant 0 : i32
      %cond3A_1049 = arith.cmpi ne, %convert_element_type3A_1047, %cond3A_1048 : i32
      scf.if %cond3A_1049 {
        %add3A_1331 = arith.constant 4 : i32
        %add3A_1332 = arith.addi %add3A_896, %add3A_1331 : i32
        %get3A_1333 = arith.index_cast %add3A_1332 : i32 to index
        %get3A_1334 = memref.load %arg11[%get3A_1333] : memref<512xi32, #tpu.memory_space<smem>>
        %get3A_1335 = arith.index_cast %add3A_1332 : i32 to index
        %get3A_1336 = memref.load %arg12[%get3A_1335] : memref<512xi32, #tpu.memory_space<smem>>
        %jit3A_1337 = arith.constant 128 : i32
        %div3A_1338 = arith.divsi %get3A_1334, %jit3A_1337 : i32
        %sign3A_1339 = arith.constant 0 : i32
        %sign3A_1340 = arith.cmpi sgt, %get3A_1334, %sign3A_1339 : i32
        %sign3A_1341 = arith.extui %sign3A_1340 : i1 to i32
        %sign3A_1342 = arith.constant 0 : i32
        %sign3A_1343 = arith.cmpi slt, %get3A_1334, %sign3A_1342 : i32
        %sign3A_1344 = arith.extui %sign3A_1343 : i1 to i32
        %sign3A_1345 = arith.subi %sign3A_1341, %sign3A_1344 : i32
        %sign3A_1346 = arith.constant 0 : i32
        %sign3A_1347 = arith.cmpi sgt, %jit3A_1337, %sign3A_1346 : i32
        %sign3A_1348 = arith.extui %sign3A_1347 : i1 to i32
        %sign3A_1349 = arith.constant 0 : i32
        %sign3A_1350 = arith.cmpi slt, %jit3A_1337, %sign3A_1349 : i32
        %sign3A_1351 = arith.extui %sign3A_1350 : i1 to i32
        %sign3A_1352 = arith.subi %sign3A_1348, %sign3A_1351 : i32
        %ne3A_1353 = arith.cmpi ne, %sign3A_1345, %sign3A_1352 : i32
        %rem3A_1354 = arith.remsi %get3A_1334, %jit3A_1337 : i32
        %ne3A_1355 = arith.constant 0 : i32
        %ne3A_1356 = arith.cmpi ne, %rem3A_1354, %ne3A_1355 : i32
        %and3A_1357 = arith.andi %ne3A_1353, %ne3A_1356 : i1
        %sub3A_1358 = arith.constant 1 : i32
        %sub3A_1359 = arith.subi %div3A_1338, %sub3A_1358 : i32
        %select_n3A_1360 = arith.select %and3A_1357, %sub3A_1359, %div3A_1338 : i32
        %mul3A_1361 = arith.constant 128 : i32
        %mul3A_1362 = arith.muli %select_n3A_1360, %mul3A_1361 : i32
        %multiple_of3A_1363 = tpu.assume_multiple %mul3A_1362, 128 : i32
        %jit3A_1364 = arith.constant 128 : i32
        %div3A_1365 = arith.divsi %get3A_1336, %jit3A_1364 : i32
        %sign3A_1366 = arith.constant 0 : i32
        %sign3A_1367 = arith.cmpi sgt, %get3A_1336, %sign3A_1366 : i32
        %sign3A_1368 = arith.extui %sign3A_1367 : i1 to i32
        %sign3A_1369 = arith.constant 0 : i32
        %sign3A_1370 = arith.cmpi slt, %get3A_1336, %sign3A_1369 : i32
        %sign3A_1371 = arith.extui %sign3A_1370 : i1 to i32
        %sign3A_1372 = arith.subi %sign3A_1368, %sign3A_1371 : i32
        %sign3A_1373 = arith.constant 0 : i32
        %sign3A_1374 = arith.cmpi sgt, %jit3A_1364, %sign3A_1373 : i32
        %sign3A_1375 = arith.extui %sign3A_1374 : i1 to i32
        %sign3A_1376 = arith.constant 0 : i32
        %sign3A_1377 = arith.cmpi slt, %jit3A_1364, %sign3A_1376 : i32
        %sign3A_1378 = arith.extui %sign3A_1377 : i1 to i32
        %sign3A_1379 = arith.subi %sign3A_1375, %sign3A_1378 : i32
        %ne3A_1380 = arith.cmpi ne, %sign3A_1372, %sign3A_1379 : i32
        %rem3A_1381 = arith.remsi %get3A_1336, %jit3A_1364 : i32
        %ne3A_1382 = arith.constant 0 : i32
        %ne3A_1383 = arith.cmpi ne, %rem3A_1381, %ne3A_1382 : i32
        %and3A_1384 = arith.andi %ne3A_1380, %ne3A_1383 : i1
        %sub3A_1385 = arith.constant 1 : i32
        %sub3A_1386 = arith.subi %div3A_1365, %sub3A_1385 : i32
        %select_n3A_1387 = arith.select %and3A_1384, %sub3A_1386, %div3A_1365 : i32
        %mul3A_1388 = arith.constant 128 : i32
        %mul3A_1389 = arith.muli %select_n3A_1387, %mul3A_1388 : i32
        %multiple_of3A_1390 = tpu.assume_multiple %mul3A_1389, 128 : i32
        %dma_start3A_1391 = arith.constant 2 : i32
        %dma_start3A_1392 = arith.constant 0 : i32
        %dma_start3A_1393 = arith.constant 0 : i32
        %dma_start3A_1394 = tpu.memref_slice %arg13[%dma_start3A_1391, %dma_start3A_1392, %dma_start3A_1393] : memref<4x64x128xf32, #tpu.memory_space<vmem>> -> memref<1x32x128xf32, #tpu.memory_space<vmem>>
        %dma_start3A_1395 = tpu.memref_squeeze %dma_start3A_1394 : memref<1x32x128xf32, #tpu.memory_space<vmem>> -> memref<32x128xf32, #tpu.memory_space<vmem>>
        %dma_start3A_1396 = arith.constant 0 : i32
        %dma_start3A_1397 = tpu.memref_slice %arg4[%dma_start3A_1396, %multiple_of3A_1363] : memref<64x1000000xf32, #tpu.memory_space<hbm>> -> memref<32x128xf32, #tpu.memory_space<hbm>>
        %dma_start3A_1398 = arith.constant 0 : i32
        %dma_start3A_1399 = arith.constant 0 : i32
        %dma_start3A_1400 = tpu.memref_slice %arg13[%dma_start3A_1391, %dma_start3A_1398, %dma_start3A_1399] : memref<4x64x128xf32, #tpu.memory_space<vmem>> -> memref<1x32x128xf32, #tpu.memory_space<vmem>>
        %dma_start3A_1401 = tpu.memref_squeeze %dma_start3A_1400 : memref<1x32x128xf32, #tpu.memory_space<vmem>> -> memref<32x128xf32, #tpu.memory_space<vmem>>
        %dma_start3A_1402 = arith.constant 0 : i32
        %dma_start3A_1403 = tpu.memref_slice %arg4[%dma_start3A_1402, %multiple_of3A_1363] : memref<64x1000000xf32, #tpu.memory_space<hbm>> -> memref<32x128xf32, #tpu.memory_space<hbm>>
        tpu.enqueue_dma source(%dma_start3A_1403 : memref<32x128xf32, #tpu.memory_space<hbm>>) target(%dma_start3A_1401 : memref<32x128xf32, #tpu.memory_space<vmem>>) target_semaphore(%arg20 : memref<!tpu.dma_semaphore, #tpu.memory_space<semaphore_mem>>)
        %dma_start3A_1404 = arith.constant 2 : i32
        %dma_start3A_1405 = arith.constant 0 : i32
        %dma_start3A_1406 = arith.constant 0 : i32
        %dma_start3A_1407 = tpu.memref_slice %arg14[%dma_start3A_1404, %dma_start3A_1405, %dma_start3A_1406] : memref<4x64x128xf32, #tpu.memory_space<vmem>> -> memref<1x32x128xf32, #tpu.memory_space<vmem>>
        %dma_start3A_1408 = tpu.memref_squeeze %dma_start3A_1407 : memref<1x32x128xf32, #tpu.memory_space<vmem>> -> memref<32x128xf32, #tpu.memory_space<vmem>>
        %dma_start3A_1409 = arith.constant 0 : i32
        %dma_start3A_1410 = tpu.memref_slice %arg5[%dma_start3A_1409, %multiple_of3A_1390] : memref<64x1000000xf32, #tpu.memory_space<hbm>> -> memref<32x128xf32, #tpu.memory_space<hbm>>
        %dma_start3A_1411 = arith.constant 0 : i32
        %dma_start3A_1412 = arith.constant 0 : i32
        %dma_start3A_1413 = tpu.memref_slice %arg14[%dma_start3A_1404, %dma_start3A_1411, %dma_start3A_1412] : memref<4x64x128xf32, #tpu.memory_space<vmem>> -> memref<1x32x128xf32, #tpu.memory_space<vmem>>
        %dma_start3A_1414 = tpu.memref_squeeze %dma_start3A_1413 : memref<1x32x128xf32, #tpu.memory_space<vmem>> -> memref<32x128xf32, #tpu.memory_space<vmem>>
        %dma_start3A_1415 = arith.constant 0 : i32
        %dma_start3A_1416 = tpu.memref_slice %arg5[%dma_start3A_1415, %multiple_of3A_1390] : memref<64x1000000xf32, #tpu.memory_space<hbm>> -> memref<32x128xf32, #tpu.memory_space<hbm>>
        tpu.enqueue_dma source(%dma_start3A_1416 : memref<32x128xf32, #tpu.memory_space<hbm>>) target(%dma_start3A_1414 : memref<32x128xf32, #tpu.memory_space<vmem>>) target_semaphore(%arg20 : memref<!tpu.dma_semaphore, #tpu.memory_space<semaphore_mem>>)
        %dma_start3A_1417 = arith.constant 2 : i32
        %dma_start3A_1418 = arith.constant 32 : i32
        %dma_start3A_1419 = arith.constant 0 : i32
        %dma_start3A_1420 = tpu.memref_slice %arg13[%dma_start3A_1417, %dma_start3A_1418, %dma_start3A_1419] : memref<4x64x128xf32, #tpu.memory_space<vmem>> -> memref<1x32x128xf32, #tpu.memory_space<vmem>>
        %dma_start3A_1421 = tpu.memref_squeeze %dma_start3A_1420 : memref<1x32x128xf32, #tpu.memory_space<vmem>> -> memref<32x128xf32, #tpu.memory_space<vmem>>
        %dma_start3A_1422 = arith.constant 32 : i32
        %dma_start3A_1423 = tpu.memref_slice %arg4[%dma_start3A_1422, %multiple_of3A_1363] : memref<64x1000000xf32, #tpu.memory_space<hbm>> -> memref<32x128xf32, #tpu.memory_space<hbm>>
        %dma_start3A_1424 = arith.constant 32 : i32
        %dma_start3A_1425 = arith.constant 0 : i32
        %dma_start3A_1426 = tpu.memref_slice %arg13[%dma_start3A_1417, %dma_start3A_1424, %dma_start3A_1425] : memref<4x64x128xf32, #tpu.memory_space<vmem>> -> memref<1x32x128xf32, #tpu.memory_space<vmem>>
        %dma_start3A_1427 = tpu.memref_squeeze %dma_start3A_1426 : memref<1x32x128xf32, #tpu.memory_space<vmem>> -> memref<32x128xf32, #tpu.memory_space<vmem>>
        %dma_start3A_1428 = arith.constant 32 : i32
        %dma_start3A_1429 = tpu.memref_slice %arg4[%dma_start3A_1428, %multiple_of3A_1363] : memref<64x1000000xf32, #tpu.memory_space<hbm>> -> memref<32x128xf32, #tpu.memory_space<hbm>>
        tpu.enqueue_dma source(%dma_start3A_1429 : memref<32x128xf32, #tpu.memory_space<hbm>>) target(%dma_start3A_1427 : memref<32x128xf32, #tpu.memory_space<vmem>>) target_semaphore(%arg20 : memref<!tpu.dma_semaphore, #tpu.memory_space<semaphore_mem>>)
        %dma_start3A_1430 = arith.constant 2 : i32
        %dma_start3A_1431 = arith.constant 32 : i32
        %dma_start3A_1432 = arith.constant 0 : i32
        %dma_start3A_1433 = tpu.memref_slice %arg14[%dma_start3A_1430, %dma_start3A_1431, %dma_start3A_1432] : memref<4x64x128xf32, #tpu.memory_space<vmem>> -> memref<1x32x128xf32, #tpu.memory_space<vmem>>
        %dma_start3A_1434 = tpu.memref_squeeze %dma_start3A_1433 : memref<1x32x128xf32, #tpu.memory_space<vmem>> -> memref<32x128xf32, #tpu.memory_space<vmem>>
        %dma_start3A_1435 = arith.constant 32 : i32
        %dma_start3A_1436 = tpu.memref_slice %arg5[%dma_start3A_1435, %multiple_of3A_1390] : memref<64x1000000xf32, #tpu.memory_space<hbm>> -> memref<32x128xf32, #tpu.memory_space<hbm>>
        %dma_start3A_1437 = arith.constant 32 : i32
        %dma_start3A_1438 = arith.constant 0 : i32
        %dma_start3A_1439 = tpu.memref_slice %arg14[%dma_start3A_1430, %dma_start3A_1437, %dma_start3A_1438] : memref<4x64x128xf32, #tpu.memory_space<vmem>> -> memref<1x32x128xf32, #tpu.memory_space<vmem>>
        %dma_start3A_1440 = tpu.memref_squeeze %dma_start3A_1439 : memref<1x32x128xf32, #tpu.memory_space<vmem>> -> memref<32x128xf32, #tpu.memory_space<vmem>>
        %dma_start3A_1441 = arith.constant 32 : i32
        %dma_start3A_1442 = tpu.memref_slice %arg5[%dma_start3A_1441, %multiple_of3A_1390] : memref<64x1000000xf32, #tpu.memory_space<hbm>> -> memref<32x128xf32, #tpu.memory_space<hbm>>
        tpu.enqueue_dma source(%dma_start3A_1442 : memref<32x128xf32, #tpu.memory_space<hbm>>) target(%dma_start3A_1440 : memref<32x128xf32, #tpu.memory_space<vmem>>) target_semaphore(%arg20 : memref<!tpu.dma_semaphore, #tpu.memory_space<semaphore_mem>>)
      } else {
      }
      %jit3A_1050 = arith.constant 16 : i32
      %eq3A_1051 = arith.constant 0 : i32
      %eq3A_1052 = arith.cmpi eq, %jit3A_1050, %eq3A_1051 : i32
      %jit3A_1053 = arith.constant 1 : i32
      %select_n3A_1054 = arith.select %eq3A_1052, %jit3A_1053, %jit3A_1050 : i32
      %rem3A_1055 = arith.remsi %add3A_896, %select_n3A_1054 : i32
      %ne3A_1056 = arith.constant 0 : i32
      %ne3A_1057 = arith.cmpi ne, %rem3A_1055, %ne3A_1056 : i32
      %lt3A_1058 = arith.constant 0 : i32
      %lt3A_1059 = arith.cmpi slt, %rem3A_1055, %lt3A_1058 : i32
      %lt3A_1060 = arith.constant 0 : i32
      %lt3A_1061 = arith.cmpi slt, %select_n3A_1054, %lt3A_1060 : i32
      %ne3A_1062 = arith.xori %lt3A_1059, %lt3A_1061 : i1
      %and3A_1063 = arith.andi %ne3A_1062, %ne3A_1057 : i1
      %add3A_1064 = arith.addi %rem3A_1055, %select_n3A_1054 : i32
      %select_n3A_1065 = arith.select %and3A_1063, %add3A_1064, %rem3A_1055 : i32
      %eq3A_1066 = vector.broadcast %select_n3A_1065 : i32 to vector<16xi32>
      %eq3A_1067 = arith.cmpi eq, %iota3A, %eq3A_1066 : vector<16xi32>
      %broadcast_in_dim3A_1068 = vector.broadcast %reduce_sum3A_1042 : f32 to vector<16xf32>
      %select_n3A_1069 = arith.select %eq3A_1067, %broadcast_in_dim3A_1068, %select_n3A_892 : vector<16xi1>, vector<16xf32>
      %jit3A_1070 = arith.constant 16 : i32
      %eq3A_1071 = arith.constant 0 : i32
      %eq3A_1072 = arith.cmpi eq, %jit3A_1070, %eq3A_1071 : i32
      %jit3A_1073 = arith.constant 1 : i32
      %select_n3A_1074 = arith.select %eq3A_1072, %jit3A_1073, %jit3A_1070 : i32
      %rem3A_1075 = arith.remsi %add3A_896, %select_n3A_1074 : i32
      %ne3A_1076 = arith.constant 0 : i32
      %ne3A_1077 = arith.cmpi ne, %rem3A_1075, %ne3A_1076 : i32
      %lt3A_1078 = arith.constant 0 : i32
      %lt3A_1079 = arith.cmpi slt, %rem3A_1075, %lt3A_1078 : i32
      %lt3A_1080 = arith.constant 0 : i32
      %lt3A_1081 = arith.cmpi slt, %select_n3A_1074, %lt3A_1080 : i32
      %ne3A_1082 = arith.xori %lt3A_1079, %lt3A_1081 : i1
      %and3A_1083 = arith.andi %ne3A_1082, %ne3A_1077 : i1
      %add3A_1084 = arith.addi %rem3A_1075, %select_n3A_1074 : i32
      %select_n3A_1085 = arith.select %and3A_1083, %add3A_1084, %rem3A_1075 : i32
      %eq3A_1086 = arith.constant 15 : i32
      %eq3A_1087 = arith.cmpi eq, %select_n3A_1085, %eq3A_1086 : i32
      %convert_element_type3A_1088 = arith.extui %eq3A_1087 : i1 to i32
      %cond3A_1089 = arith.constant 0 : i32
      %cond3A_1090 = arith.cmpi ne, %convert_element_type3A_1088, %cond3A_1089 : i32
      scf.if %cond3A_1090 {
        %get3A_1331 = arith.constant 0 : index
        %get3A_1332 = tpu.vector_load %arg16[%get3A_1331] {strides = array<i32>} : memref<16xf32, #tpu.memory_space<vmem>>, vector<16xf32>,
        %add3A_1333 = arith.addf %select_n3A_1069, %get3A_1332 : vector<16xf32>
        %jit3A_1334 = arith.constant 16 : i32
        %div3A_1335 = arith.divsi %add3A_896, %jit3A_1334 : i32
        %sign3A_1336 = arith.constant 0 : i32
        %sign3A_1337 = arith.cmpi sgt, %add3A_896, %sign3A_1336 : i32
        %sign3A_1338 = arith.extui %sign3A_1337 : i1 to i32
        %sign3A_1339 = arith.constant 0 : i32
        %sign3A_1340 = arith.cmpi slt, %add3A_896, %sign3A_1339 : i32
        %sign3A_1341 = arith.extui %sign3A_1340 : i1 to i32
        %sign3A_1342 = arith.subi %sign3A_1338, %sign3A_1341 : i32
        %sign3A_1343 = arith.constant 0 : i32
        %sign3A_1344 = arith.cmpi sgt, %jit3A_1334, %sign3A_1343 : i32
        %sign3A_1345 = arith.extui %sign3A_1344 : i1 to i32
        %sign3A_1346 = arith.constant 0 : i32
        %sign3A_1347 = arith.cmpi slt, %jit3A_1334, %sign3A_1346 : i32
        %sign3A_1348 = arith.extui %sign3A_1347 : i1 to i32
        %sign3A_1349 = arith.subi %sign3A_1345, %sign3A_1348 : i32
        %ne3A_1350 = arith.cmpi ne, %sign3A_1342, %sign3A_1349 : i32
        %rem3A_1351 = arith.remsi %add3A_896, %jit3A_1334 : i32
        %ne3A_1352 = arith.constant 0 : i32
        %ne3A_1353 = arith.cmpi ne, %rem3A_1351, %ne3A_1352 : i32
        %and3A_1354 = arith.andi %ne3A_1350, %ne3A_1353 : i1
        %sub3A_1355 = arith.constant 1 : i32
        %sub3A_1356 = arith.subi %div3A_1335, %sub3A_1355 : i32
        %select_n3A_1357 = arith.select %and3A_1354, %sub3A_1356, %div3A_1335 : i32
        %mul3A_1358 = arith.constant 16 : i32
        %mul3A_1359 = arith.muli %select_n3A_1357, %mul3A_1358 : i32
        %swap3A = arith.index_cast %mul3A_1359 : i32 to index
        %swap3A_1360 = tpu.vector_load %arg17[%swap3A] {strides = array<i32>} : memref<512xf32, #tpu.memory_space<vmem>>, vector<16xf32>,
        tpu.vector_store %arg17[%swap3A], %add3A_1333 {strides = array<i32>} : memref<512xf32, #tpu.memory_space<vmem>>, vector<16xf32>,
      } else {
      }
      %jit3A_1091 = arith.constant 16 : i32
      %eq3A_1092 = arith.constant 0 : i32
      %eq3A_1093 = arith.cmpi eq, %jit3A_1091, %eq3A_1092 : i32
      %jit3A_1094 = arith.constant 1 : i32
      %select_n3A_1095 = arith.select %eq3A_1093, %jit3A_1094, %jit3A_1091 : i32
      %rem3A_1096 = arith.remsi %add3A_896, %select_n3A_1095 : i32
      %ne3A_1097 = arith.constant 0 : i32
      %ne3A_1098 = arith.cmpi ne, %rem3A_1096, %ne3A_1097 : i32
      %lt3A_1099 = arith.constant 0 : i32
      %lt3A_1100 = arith.cmpi slt, %rem3A_1096, %lt3A_1099 : i32
      %lt3A_1101 = arith.constant 0 : i32
      %lt3A_1102 = arith.cmpi slt, %select_n3A_1095, %lt3A_1101 : i32
      %ne3A_1103 = arith.xori %lt3A_1100, %lt3A_1102 : i1
      %and3A_1104 = arith.andi %ne3A_1103, %ne3A_1098 : i1
      %add3A_1105 = arith.addi %rem3A_1096, %select_n3A_1095 : i32
      %select_n3A_1106 = arith.select %and3A_1104, %add3A_1105, %rem3A_1096 : i32
      %eq3A_1107 = arith.constant 15 : i32
      %eq3A_1108 = arith.cmpi eq, %select_n3A_1106, %eq3A_1107 : i32
      %broadcast_in_dim3A_1109 = arith.constant 0.000000e+00 : f32
      %broadcast_in_dim3A_1110 = vector.broadcast %broadcast_in_dim3A_1109 : f32 to vector<16xf32>
      %select_n3A_1111 = arith.select %eq3A_1108, %broadcast_in_dim3A_1110, %select_n3A_1069 : vector<16xf32>
      %mul3A_1112 = arith.constant 4 : i32
      %mul3A_1113 = arith.muli %scan3A_460, %mul3A_1112 : i32
      %add3A_1114 = arith.constant 3 : i32
      %add3A_1115 = arith.addi %mul3A_1113, %add3A_1114 : i32
      %dma_wait3A_1116 = arith.constant 3 : i32
      %dma_wait3A_1117 = arith.constant 0 : i32
      %dma_wait3A_1118 = arith.constant 0 : i32
      %dma_wait3A_1119 = tpu.memref_slice %arg13[%dma_wait3A_1116, %dma_wait3A_1117, %dma_wait3A_1118] : memref<4x64x128xf32, #tpu.memory_space<vmem>> -> memref<1x64x128xf32, #tpu.memory_space<vmem>>
      %dma_wait3A_1120 = tpu.memref_squeeze %dma_wait3A_1119 : memref<1x64x128xf32, #tpu.memory_space<vmem>> -> memref<64x128xf32, #tpu.memory_space<vmem>>
      %dma_wait3A_1121 = arith.constant 0 : i32
      %dma_wait3A_1122 = arith.constant 0 : i32
      %dma_wait3A_1123 = tpu.memref_slice %arg4[%dma_wait3A_1121, %dma_wait3A_1122] : memref<64x1000000xf32, #tpu.memory_space<hbm>> -> memref<64x128xf32, #tpu.memory_space<hbm>>
      %dma_wait3A_1124 = arith.constant 0 : i32
      %dma_wait3A_1125 = arith.constant 0 : i32
      %dma_wait3A_1126 = tpu.memref_slice %arg13[%dma_wait3A_1116, %dma_wait3A_1124, %dma_wait3A_1125] : memref<4x64x128xf32, #tpu.memory_space<vmem>> -> memref<1x64x128xf32, #tpu.memory_space<vmem>>
      %dma_wait3A_1127 = tpu.memref_squeeze %dma_wait3A_1126 : memref<1x64x128xf32, #tpu.memory_space<vmem>> -> memref<64x128xf32, #tpu.memory_space<vmem>>
      %dma_wait3A_1128 = arith.constant 0 : i32
      %dma_wait3A_1129 = arith.constant 0 : i32
      %dma_wait3A_1130 = tpu.memref_slice %arg4[%dma_wait3A_1128, %dma_wait3A_1129] : memref<64x1000000xf32, #tpu.memory_space<hbm>> -> memref<64x128xf32, #tpu.memory_space<hbm>>
      tpu.wait_dma2 semaphore(%arg21 : memref<!tpu.dma_semaphore, #tpu.memory_space<semaphore_mem>>) src(%dma_wait3A_1130 : memref<64x128xf32, #tpu.memory_space<hbm>>) dst(%dma_wait3A_1127 : memref<64x128xf32, #tpu.memory_space<vmem>>)
      %dma_wait3A_1131 = arith.constant 3 : i32
      %dma_wait3A_1132 = arith.constant 0 : i32
      %dma_wait3A_1133 = arith.constant 0 : i32
      %dma_wait3A_1134 = tpu.memref_slice %arg14[%dma_wait3A_1131, %dma_wait3A_1132, %dma_wait3A_1133] : memref<4x64x128xf32, #tpu.memory_space<vmem>> -> memref<1x64x128xf32, #tpu.memory_space<vmem>>
      %dma_wait3A_1135 = tpu.memref_squeeze %dma_wait3A_1134 : memref<1x64x128xf32, #tpu.memory_space<vmem>> -> memref<64x128xf32, #tpu.memory_space<vmem>>
      %dma_wait3A_1136 = arith.constant 0 : i32
      %dma_wait3A_1137 = arith.constant 0 : i32
      %dma_wait3A_1138 = tpu.memref_slice %arg5[%dma_wait3A_1136, %dma_wait3A_1137] : memref<64x1000000xf32, #tpu.memory_space<hbm>> -> memref<64x128xf32, #tpu.memory_space<hbm>>
      %dma_wait3A_1139 = arith.constant 0 : i32
      %dma_wait3A_1140 = arith.constant 0 : i32
      %dma_wait3A_1141 = tpu.memref_slice %arg14[%dma_wait3A_1131, %dma_wait3A_1139, %dma_wait3A_1140] : memref<4x64x128xf32, #tpu.memory_space<vmem>> -> memref<1x64x128xf32, #tpu.memory_space<vmem>>
      %dma_wait3A_1142 = tpu.memref_squeeze %dma_wait3A_1141 : memref<1x64x128xf32, #tpu.memory_space<vmem>> -> memref<64x128xf32, #tpu.memory_space<vmem>>
      %dma_wait3A_1143 = arith.constant 0 : i32
      %dma_wait3A_1144 = arith.constant 0 : i32
      %dma_wait3A_1145 = tpu.memref_slice %arg5[%dma_wait3A_1143, %dma_wait3A_1144] : memref<64x1000000xf32, #tpu.memory_space<hbm>> -> memref<64x128xf32, #tpu.memory_space<hbm>>
      tpu.wait_dma2 semaphore(%arg21 : memref<!tpu.dma_semaphore, #tpu.memory_space<semaphore_mem>>) src(%dma_wait3A_1145 : memref<64x128xf32, #tpu.memory_space<hbm>>) dst(%dma_wait3A_1142 : memref<64x128xf32, #tpu.memory_space<vmem>>)
      %get3A_1146 = arith.index_cast %add3A_1115 : i32 to index
      %get3A_1147 = memref.load %arg11[%get3A_1146] : memref<512xi32, #tpu.memory_space<smem>>
      %jit3A_1148 = arith.constant 128 : i32
      %eq3A_1149 = arith.constant 0 : i32
      %eq3A_1150 = arith.cmpi eq, %jit3A_1148, %eq3A_1149 : i32
      %jit3A_1151 = arith.constant 1 : i32
      %select_n3A_1152 = arith.select %eq3A_1150, %jit3A_1151, %jit3A_1148 : i32
      %rem3A_1153 = arith.remsi %get3A_1147, %select_n3A_1152 : i32
      %ne3A_1154 = arith.constant 0 : i32
      %ne3A_1155 = arith.cmpi ne, %rem3A_1153, %ne3A_1154 : i32
      %lt3A_1156 = arith.constant 0 : i32
      %lt3A_1157 = arith.cmpi slt, %rem3A_1153, %lt3A_1156 : i32
      %lt3A_1158 = arith.constant 0 : i32
      %lt3A_1159 = arith.cmpi slt, %select_n3A_1152, %lt3A_1158 : i32
      %ne3A_1160 = arith.xori %lt3A_1157, %lt3A_1159 : i1
      %and3A_1161 = arith.andi %ne3A_1160, %ne3A_1155 : i1
      %add3A_1162 = arith.addi %rem3A_1153, %select_n3A_1152 : i32
      %select_n3A_1163 = arith.select %and3A_1161, %add3A_1162, %rem3A_1153 : i32
      %broadcast_in_dim3A_1164 = vector.broadcast %select_n3A_1163 : i32 to vector<16xi32>
      %get3A_1165 = arith.index_cast %add3A_1115 : i32 to index
      %get3A_1166 = memref.load %arg12[%get3A_1165] : memref<512xi32, #tpu.memory_space<smem>>
      %jit3A_1167 = arith.constant 128 : i32
      %eq3A_1168 = arith.constant 0 : i32
      %eq3A_1169 = arith.cmpi eq, %jit3A_1167, %eq3A_1168 : i32
      %jit3A_1170 = arith.constant 1 : i32
      %select_n3A_1171 = arith.select %eq3A_1169, %jit3A_1170, %jit3A_1167 : i32
      %rem3A_1172 = arith.remsi %get3A_1166, %select_n3A_1171 : i32
      %ne3A_1173 = arith.constant 0 : i32
      %ne3A_1174 = arith.cmpi ne, %rem3A_1172, %ne3A_1173 : i32
      %lt3A_1175 = arith.constant 0 : i32
      %lt3A_1176 = arith.cmpi slt, %rem3A_1172, %lt3A_1175 : i32
      %lt3A_1177 = arith.constant 0 : i32
      %lt3A_1178 = arith.cmpi slt, %select_n3A_1171, %lt3A_1177 : i32
      %ne3A_1179 = arith.xori %lt3A_1176, %lt3A_1178 : i1
      %and3A_1180 = arith.andi %ne3A_1179, %ne3A_1174 : i1
      %add3A_1181 = arith.addi %rem3A_1172, %select_n3A_1171 : i32
      %select_n3A_1182 = arith.select %and3A_1180, %add3A_1181, %rem3A_1172 : i32
      %broadcast_in_dim3A_1183 = vector.broadcast %select_n3A_1182 : i32 to vector<16xi32>
      %broadcast_in_dim3A_1184 = arith.constant 0.000000e+00 : f32
      %broadcast_in_dim3A_1185 = vector.broadcast %broadcast_in_dim3A_1184 : f32 to vector<16xf32>
      %add3A_1186 = arith.constant 0 : i32
      %add3A_1187 = vector.broadcast %add3A_1186 : i32 to vector<16xi32>
      %add3A_1188 = arith.addi %iota3A, %add3A_1187 : vector<16xi32>
      %gather3A_1189 = arith.constant 3 : i32
      %gather3A_1190 = arith.constant 0 : i32
      %gather3A_1191 = arith.constant 0 : i32
      %gather3A_1192 = tpu.memref_slice %arg13[%gather3A_1189, %gather3A_1190, %gather3A_1191] : memref<4x64x128xf32, #tpu.memory_space<vmem>> -> memref<1x64x128xf32, #tpu.memory_space<vmem>>
      %gather3A_1193 = tpu.memref_squeeze %gather3A_1192 : memref<1x64x128xf32, #tpu.memory_space<vmem>> -> memref<64x128xf32, #tpu.memory_space<vmem>>
      %gather3A_1194 = tpu.vector_load_idx %gather3A_1193[%add3A_1188, %broadcast_in_dim3A_1164] : memref<64x128xf32, #tpu.memory_space<vmem>>[vector<16xi32>, vector<16xi32>], vector<16xf32>,
      %gather3A_1195 = arith.constant 3 : i32
      %gather3A_1196 = arith.constant 0 : i32
      %gather3A_1197 = arith.constant 0 : i32
      %gather3A_1198 = tpu.memref_slice %arg14[%gather3A_1195, %gather3A_1196, %gather3A_1197] : memref<4x64x128xf32, #tpu.memory_space<vmem>> -> memref<1x64x128xf32, #tpu.memory_space<vmem>>
      %gather3A_1199 = tpu.memref_squeeze %gather3A_1198 : memref<1x64x128xf32, #tpu.memory_space<vmem>> -> memref<64x128xf32, #tpu.memory_space<vmem>>
      %gather3A_1200 = tpu.vector_load_idx %gather3A_1199[%add3A_1188, %broadcast_in_dim3A_1183] : memref<64x128xf32, #tpu.memory_space<vmem>>[vector<16xi32>, vector<16xi32>], vector<16xf32>,
      %mul3A_1201 = arith.mulf %gather3A_1194, %gather3A_1200 : vector<16xf32>
      %mul3A_1202 = arith.mulf %mul3A_1201, %get3A_3 : vector<16xf32>
      %add3A_1203 = arith.addf %broadcast_in_dim3A_1185, %mul3A_1202 : vector<16xf32>
      %add3A_1204 = arith.constant 16 : i32
      %add3A_1205 = vector.broadcast %add3A_1204 : i32 to vector<16xi32>
      %add3A_1206 = arith.addi %iota3A, %add3A_1205 : vector<16xi32>
      %gather3A_1207 = arith.constant 3 : i32
      %gather3A_1208 = arith.constant 0 : i32
      %gather3A_1209 = arith.constant 0 : i32
      %gather3A_1210 = tpu.memref_slice %arg13[%gather3A_1207, %gather3A_1208, %gather3A_1209] : memref<4x64x128xf32, #tpu.memory_space<vmem>> -> memref<1x64x128xf32, #tpu.memory_space<vmem>>
      %gather3A_1211 = tpu.memref_squeeze %gather3A_1210 : memref<1x64x128xf32, #tpu.memory_space<vmem>> -> memref<64x128xf32, #tpu.memory_space<vmem>>
      %gather3A_1212 = tpu.vector_load_idx %gather3A_1211[%add3A_1206, %broadcast_in_dim3A_1164] : memref<64x128xf32, #tpu.memory_space<vmem>>[vector<16xi32>, vector<16xi32>], vector<16xf32>,
      %gather3A_1213 = arith.constant 3 : i32
      %gather3A_1214 = arith.constant 0 : i32
      %gather3A_1215 = arith.constant 0 : i32
      %gather3A_1216 = tpu.memref_slice %arg14[%gather3A_1213, %gather3A_1214, %gather3A_1215] : memref<4x64x128xf32, #tpu.memory_space<vmem>> -> memref<1x64x128xf32, #tpu.memory_space<vmem>>
      %gather3A_1217 = tpu.memref_squeeze %gather3A_1216 : memref<1x64x128xf32, #tpu.memory_space<vmem>> -> memref<64x128xf32, #tpu.memory_space<vmem>>
      %gather3A_1218 = tpu.vector_load_idx %gather3A_1217[%add3A_1206, %broadcast_in_dim3A_1183] : memref<64x128xf32, #tpu.memory_space<vmem>>[vector<16xi32>, vector<16xi32>], vector<16xf32>,
      %mul3A_1219 = arith.mulf %gather3A_1212, %gather3A_1218 : vector<16xf32>
      %mul3A_1220 = arith.mulf %mul3A_1219, %get3A_5 : vector<16xf32>
      %add3A_1221 = arith.addf %add3A_1203, %mul3A_1220 : vector<16xf32>
      %add3A_1222 = arith.constant 32 : i32
      %add3A_1223 = vector.broadcast %add3A_1222 : i32 to vector<16xi32>
      %add3A_1224 = arith.addi %iota3A, %add3A_1223 : vector<16xi32>
      %gather3A_1225 = arith.constant 3 : i32
      %gather3A_1226 = arith.constant 0 : i32
      %gather3A_1227 = arith.constant 0 : i32
      %gather3A_1228 = tpu.memref_slice %arg13[%gather3A_1225, %gather3A_1226, %gather3A_1227] : memref<4x64x128xf32, #tpu.memory_space<vmem>> -> memref<1x64x128xf32, #tpu.memory_space<vmem>>
      %gather3A_1229 = tpu.memref_squeeze %gather3A_1228 : memref<1x64x128xf32, #tpu.memory_space<vmem>> -> memref<64x128xf32, #tpu.memory_space<vmem>>
      %gather3A_1230 = tpu.vector_load_idx %gather3A_1229[%add3A_1224, %broadcast_in_dim3A_1164] : memref<64x128xf32, #tpu.memory_space<vmem>>[vector<16xi32>, vector<16xi32>], vector<16xf32>,
      %gather3A_1231 = arith.constant 3 : i32
      %gather3A_1232 = arith.constant 0 : i32
      %gather3A_1233 = arith.constant 0 : i32
      %gather3A_1234 = tpu.memref_slice %arg14[%gather3A_1231, %gather3A_1232, %gather3A_1233] : memref<4x64x128xf32, #tpu.memory_space<vmem>> -> memref<1x64x128xf32, #tpu.memory_space<vmem>>
      %gather3A_1235 = tpu.memref_squeeze %gather3A_1234 : memref<1x64x128xf32, #tpu.memory_space<vmem>> -> memref<64x128xf32, #tpu.memory_space<vmem>>
      %gather3A_1236 = tpu.vector_load_idx %gather3A_1235[%add3A_1224, %broadcast_in_dim3A_1183] : memref<64x128xf32, #tpu.memory_space<vmem>>[vector<16xi32>, vector<16xi32>], vector<16xf32>,
      %mul3A_1237 = arith.mulf %gather3A_1230, %gather3A_1236 : vector<16xf32>
      %mul3A_1238 = arith.mulf %mul3A_1237, %get3A_7 : vector<16xf32>
      %add3A_1239 = arith.addf %add3A_1221, %mul3A_1238 : vector<16xf32>
      %add3A_1240 = arith.constant 48 : i32
      %add3A_1241 = vector.broadcast %add3A_1240 : i32 to vector<16xi32>
      %add3A_1242 = arith.addi %iota3A, %add3A_1241 : vector<16xi32>
      %gather3A_1243 = arith.constant 3 : i32
      %gather3A_1244 = arith.constant 0 : i32
      %gather3A_1245 = arith.constant 0 : i32
      %gather3A_1246 = tpu.memref_slice %arg13[%gather3A_1243, %gather3A_1244, %gather3A_1245] : memref<4x64x128xf32, #tpu.memory_space<vmem>> -> memref<1x64x128xf32, #tpu.memory_space<vmem>>
      %gather3A_1247 = tpu.memref_squeeze %gather3A_1246 : memref<1x64x128xf32, #tpu.memory_space<vmem>> -> memref<64x128xf32, #tpu.memory_space<vmem>>
      %gather3A_1248 = tpu.vector_load_idx %gather3A_1247[%add3A_1242, %broadcast_in_dim3A_1164] : memref<64x128xf32, #tpu.memory_space<vmem>>[vector<16xi32>, vector<16xi32>], vector<16xf32>,
      %gather3A_1249 = arith.constant 3 : i32
      %gather3A_1250 = arith.constant 0 : i32
      %gather3A_1251 = arith.constant 0 : i32
      %gather3A_1252 = tpu.memref_slice %arg14[%gather3A_1249, %gather3A_1250, %gather3A_1251] : memref<4x64x128xf32, #tpu.memory_space<vmem>> -> memref<1x64x128xf32, #tpu.memory_space<vmem>>
      %gather3A_1253 = tpu.memref_squeeze %gather3A_1252 : memref<1x64x128xf32, #tpu.memory_space<vmem>> -> memref<64x128xf32, #tpu.memory_space<vmem>>
      %gather3A_1254 = tpu.vector_load_idx %gather3A_1253[%add3A_1242, %broadcast_in_dim3A_1183] : memref<64x128xf32, #tpu.memory_space<vmem>>[vector<16xi32>, vector<16xi32>], vector<16xf32>,
      %mul3A_1255 = arith.mulf %gather3A_1248, %gather3A_1254 : vector<16xf32>
      %mul3A_1256 = arith.mulf %mul3A_1255, %get3A_9 : vector<16xf32>
      %add3A_1257 = arith.addf %add3A_1239, %mul3A_1256 : vector<16xf32>
      %reduce_sum3A_1258 = arith.constant true
      %reduce_sum3A_1259 = vector.broadcast %reduce_sum3A_1258 : i1 to vector<16xi1>
      %reduce_sum3A_1260 = tpu.scan <sum>, %add3A_1257 masked %reduce_sum3A_1259 : vector<16xf32>, vector<16xi1> -> vector<16xf32>
      %reduce_sum3A_1261 = vector.extract %reduce_sum3A_1260[15] : f32 from vector<16xf32>
      %add3A_1262 = arith.constant 4 : i32
      %add3A_1263 = arith.addi %add3A_1115, %add3A_1262 : i32
      %lt3A_1264 = arith.constant 512 : i32
      %lt3A_1265 = arith.cmpi slt, %add3A_1263, %lt3A_1264 : i32
      %convert_element_type3A_1266 = arith.extui %lt3A_1265 : i1 to i32
      %cond3A_1267 = arith.constant 0 : i32
      %cond3A_1268 = arith.cmpi ne, %convert_element_type3A_1266, %cond3A_1267 : i32
      scf.if %cond3A_1268 {
        %add3A_1331 = arith.constant 4 : i32
        %add3A_1332 = arith.addi %add3A_1115, %add3A_1331 : i32
        %get3A_1333 = arith.index_cast %add3A_1332 : i32 to index
        %get3A_1334 = memref.load %arg11[%get3A_1333] : memref<512xi32, #tpu.memory_space<smem>>
        %get3A_1335 = arith.index_cast %add3A_1332 : i32 to index
        %get3A_1336 = memref.load %arg12[%get3A_1335] : memref<512xi32, #tpu.memory_space<smem>>
        %jit3A_1337 = arith.constant 128 : i32
        %div3A_1338 = arith.divsi %get3A_1334, %jit3A_1337 : i32
        %sign3A_1339 = arith.constant 0 : i32
        %sign3A_1340 = arith.cmpi sgt, %get3A_1334, %sign3A_1339 : i32
        %sign3A_1341 = arith.extui %sign3A_1340 : i1 to i32
        %sign3A_1342 = arith.constant 0 : i32
        %sign3A_1343 = arith.cmpi slt, %get3A_1334, %sign3A_1342 : i32
        %sign3A_1344 = arith.extui %sign3A_1343 : i1 to i32
        %sign3A_1345 = arith.subi %sign3A_1341, %sign3A_1344 : i32
        %sign3A_1346 = arith.constant 0 : i32
        %sign3A_1347 = arith.cmpi sgt, %jit3A_1337, %sign3A_1346 : i32
        %sign3A_1348 = arith.extui %sign3A_1347 : i1 to i32
        %sign3A_1349 = arith.constant 0 : i32
        %sign3A_1350 = arith.cmpi slt, %jit3A_1337, %sign3A_1349 : i32
        %sign3A_1351 = arith.extui %sign3A_1350 : i1 to i32
        %sign3A_1352 = arith.subi %sign3A_1348, %sign3A_1351 : i32
        %ne3A_1353 = arith.cmpi ne, %sign3A_1345, %sign3A_1352 : i32
        %rem3A_1354 = arith.remsi %get3A_1334, %jit3A_1337 : i32
        %ne3A_1355 = arith.constant 0 : i32
        %ne3A_1356 = arith.cmpi ne, %rem3A_1354, %ne3A_1355 : i32
        %and3A_1357 = arith.andi %ne3A_1353, %ne3A_1356 : i1
        %sub3A_1358 = arith.constant 1 : i32
        %sub3A_1359 = arith.subi %div3A_1338, %sub3A_1358 : i32
        %select_n3A_1360 = arith.select %and3A_1357, %sub3A_1359, %div3A_1338 : i32
        %mul3A_1361 = arith.constant 128 : i32
        %mul3A_1362 = arith.muli %select_n3A_1360, %mul3A_1361 : i32
        %multiple_of3A_1363 = tpu.assume_multiple %mul3A_1362, 128 : i32
        %jit3A_1364 = arith.constant 128 : i32
        %div3A_1365 = arith.divsi %get3A_1336, %jit3A_1364 : i32
        %sign3A_1366 = arith.constant 0 : i32
        %sign3A_1367 = arith.cmpi sgt, %get3A_1336, %sign3A_1366 : i32
        %sign3A_1368 = arith.extui %sign3A_1367 : i1 to i32
        %sign3A_1369 = arith.constant 0 : i32
        %sign3A_1370 = arith.cmpi slt, %get3A_1336, %sign3A_1369 : i32
        %sign3A_1371 = arith.extui %sign3A_1370 : i1 to i32
        %sign3A_1372 = arith.subi %sign3A_1368, %sign3A_1371 : i32
        %sign3A_1373 = arith.constant 0 : i32
        %sign3A_1374 = arith.cmpi sgt, %jit3A_1364, %sign3A_1373 : i32
        %sign3A_1375 = arith.extui %sign3A_1374 : i1 to i32
        %sign3A_1376 = arith.constant 0 : i32
        %sign3A_1377 = arith.cmpi slt, %jit3A_1364, %sign3A_1376 : i32
        %sign3A_1378 = arith.extui %sign3A_1377 : i1 to i32
        %sign3A_1379 = arith.subi %sign3A_1375, %sign3A_1378 : i32
        %ne3A_1380 = arith.cmpi ne, %sign3A_1372, %sign3A_1379 : i32
        %rem3A_1381 = arith.remsi %get3A_1336, %jit3A_1364 : i32
        %ne3A_1382 = arith.constant 0 : i32
        %ne3A_1383 = arith.cmpi ne, %rem3A_1381, %ne3A_1382 : i32
        %and3A_1384 = arith.andi %ne3A_1380, %ne3A_1383 : i1
        %sub3A_1385 = arith.constant 1 : i32
        %sub3A_1386 = arith.subi %div3A_1365, %sub3A_1385 : i32
        %select_n3A_1387 = arith.select %and3A_1384, %sub3A_1386, %div3A_1365 : i32
        %mul3A_1388 = arith.constant 128 : i32
        %mul3A_1389 = arith.muli %select_n3A_1387, %mul3A_1388 : i32
        %multiple_of3A_1390 = tpu.assume_multiple %mul3A_1389, 128 : i32
        %dma_start3A_1391 = arith.constant 3 : i32
        %dma_start3A_1392 = arith.constant 0 : i32
        %dma_start3A_1393 = arith.constant 0 : i32
        %dma_start3A_1394 = tpu.memref_slice %arg13[%dma_start3A_1391, %dma_start3A_1392, %dma_start3A_1393] : memref<4x64x128xf32, #tpu.memory_space<vmem>> -> memref<1x32x128xf32, #tpu.memory_space<vmem>>
        %dma_start3A_1395 = tpu.memref_squeeze %dma_start3A_1394 : memref<1x32x128xf32, #tpu.memory_space<vmem>> -> memref<32x128xf32, #tpu.memory_space<vmem>>
        %dma_start3A_1396 = arith.constant 0 : i32
        %dma_start3A_1397 = tpu.memref_slice %arg4[%dma_start3A_1396, %multiple_of3A_1363] : memref<64x1000000xf32, #tpu.memory_space<hbm>> -> memref<32x128xf32, #tpu.memory_space<hbm>>
        %dma_start3A_1398 = arith.constant 0 : i32
        %dma_start3A_1399 = arith.constant 0 : i32
        %dma_start3A_1400 = tpu.memref_slice %arg13[%dma_start3A_1391, %dma_start3A_1398, %dma_start3A_1399] : memref<4x64x128xf32, #tpu.memory_space<vmem>> -> memref<1x32x128xf32, #tpu.memory_space<vmem>>
        %dma_start3A_1401 = tpu.memref_squeeze %dma_start3A_1400 : memref<1x32x128xf32, #tpu.memory_space<vmem>> -> memref<32x128xf32, #tpu.memory_space<vmem>>
        %dma_start3A_1402 = arith.constant 0 : i32
        %dma_start3A_1403 = tpu.memref_slice %arg4[%dma_start3A_1402, %multiple_of3A_1363] : memref<64x1000000xf32, #tpu.memory_space<hbm>> -> memref<32x128xf32, #tpu.memory_space<hbm>>
        tpu.enqueue_dma source(%dma_start3A_1403 : memref<32x128xf32, #tpu.memory_space<hbm>>) target(%dma_start3A_1401 : memref<32x128xf32, #tpu.memory_space<vmem>>) target_semaphore(%arg21 : memref<!tpu.dma_semaphore, #tpu.memory_space<semaphore_mem>>)
        %dma_start3A_1404 = arith.constant 3 : i32
        %dma_start3A_1405 = arith.constant 0 : i32
        %dma_start3A_1406 = arith.constant 0 : i32
        %dma_start3A_1407 = tpu.memref_slice %arg14[%dma_start3A_1404, %dma_start3A_1405, %dma_start3A_1406] : memref<4x64x128xf32, #tpu.memory_space<vmem>> -> memref<1x32x128xf32, #tpu.memory_space<vmem>>
        %dma_start3A_1408 = tpu.memref_squeeze %dma_start3A_1407 : memref<1x32x128xf32, #tpu.memory_space<vmem>> -> memref<32x128xf32, #tpu.memory_space<vmem>>
        %dma_start3A_1409 = arith.constant 0 : i32
        %dma_start3A_1410 = tpu.memref_slice %arg5[%dma_start3A_1409, %multiple_of3A_1390] : memref<64x1000000xf32, #tpu.memory_space<hbm>> -> memref<32x128xf32, #tpu.memory_space<hbm>>
        %dma_start3A_1411 = arith.constant 0 : i32
        %dma_start3A_1412 = arith.constant 0 : i32
        %dma_start3A_1413 = tpu.memref_slice %arg14[%dma_start3A_1404, %dma_start3A_1411, %dma_start3A_1412] : memref<4x64x128xf32, #tpu.memory_space<vmem>> -> memref<1x32x128xf32, #tpu.memory_space<vmem>>
        %dma_start3A_1414 = tpu.memref_squeeze %dma_start3A_1413 : memref<1x32x128xf32, #tpu.memory_space<vmem>> -> memref<32x128xf32, #tpu.memory_space<vmem>>
        %dma_start3A_1415 = arith.constant 0 : i32
        %dma_start3A_1416 = tpu.memref_slice %arg5[%dma_start3A_1415, %multiple_of3A_1390] : memref<64x1000000xf32, #tpu.memory_space<hbm>> -> memref<32x128xf32, #tpu.memory_space<hbm>>
        tpu.enqueue_dma source(%dma_start3A_1416 : memref<32x128xf32, #tpu.memory_space<hbm>>) target(%dma_start3A_1414 : memref<32x128xf32, #tpu.memory_space<vmem>>) target_semaphore(%arg21 : memref<!tpu.dma_semaphore, #tpu.memory_space<semaphore_mem>>)
        %dma_start3A_1417 = arith.constant 3 : i32
        %dma_start3A_1418 = arith.constant 32 : i32
        %dma_start3A_1419 = arith.constant 0 : i32
        %dma_start3A_1420 = tpu.memref_slice %arg13[%dma_start3A_1417, %dma_start3A_1418, %dma_start3A_1419] : memref<4x64x128xf32, #tpu.memory_space<vmem>> -> memref<1x32x128xf32, #tpu.memory_space<vmem>>
        %dma_start3A_1421 = tpu.memref_squeeze %dma_start3A_1420 : memref<1x32x128xf32, #tpu.memory_space<vmem>> -> memref<32x128xf32, #tpu.memory_space<vmem>>
        %dma_start3A_1422 = arith.constant 32 : i32
        %dma_start3A_1423 = tpu.memref_slice %arg4[%dma_start3A_1422, %multiple_of3A_1363] : memref<64x1000000xf32, #tpu.memory_space<hbm>> -> memref<32x128xf32, #tpu.memory_space<hbm>>
        %dma_start3A_1424 = arith.constant 32 : i32
        %dma_start3A_1425 = arith.constant 0 : i32
        %dma_start3A_1426 = tpu.memref_slice %arg13[%dma_start3A_1417, %dma_start3A_1424, %dma_start3A_1425] : memref<4x64x128xf32, #tpu.memory_space<vmem>> -> memref<1x32x128xf32, #tpu.memory_space<vmem>>
        %dma_start3A_1427 = tpu.memref_squeeze %dma_start3A_1426 : memref<1x32x128xf32, #tpu.memory_space<vmem>> -> memref<32x128xf32, #tpu.memory_space<vmem>>
        %dma_start3A_1428 = arith.constant 32 : i32
        %dma_start3A_1429 = tpu.memref_slice %arg4[%dma_start3A_1428, %multiple_of3A_1363] : memref<64x1000000xf32, #tpu.memory_space<hbm>> -> memref<32x128xf32, #tpu.memory_space<hbm>>
        tpu.enqueue_dma source(%dma_start3A_1429 : memref<32x128xf32, #tpu.memory_space<hbm>>) target(%dma_start3A_1427 : memref<32x128xf32, #tpu.memory_space<vmem>>) target_semaphore(%arg21 : memref<!tpu.dma_semaphore, #tpu.memory_space<semaphore_mem>>)
        %dma_start3A_1430 = arith.constant 3 : i32
        %dma_start3A_1431 = arith.constant 32 : i32
        %dma_start3A_1432 = arith.constant 0 : i32
        %dma_start3A_1433 = tpu.memref_slice %arg14[%dma_start3A_1430, %dma_start3A_1431, %dma_start3A_1432] : memref<4x64x128xf32, #tpu.memory_space<vmem>> -> memref<1x32x128xf32, #tpu.memory_space<vmem>>
        %dma_start3A_1434 = tpu.memref_squeeze %dma_start3A_1433 : memref<1x32x128xf32, #tpu.memory_space<vmem>> -> memref<32x128xf32, #tpu.memory_space<vmem>>
        %dma_start3A_1435 = arith.constant 32 : i32
        %dma_start3A_1436 = tpu.memref_slice %arg5[%dma_start3A_1435, %multiple_of3A_1390] : memref<64x1000000xf32, #tpu.memory_space<hbm>> -> memref<32x128xf32, #tpu.memory_space<hbm>>
        %dma_start3A_1437 = arith.constant 32 : i32
        %dma_start3A_1438 = arith.constant 0 : i32
        %dma_start3A_1439 = tpu.memref_slice %arg14[%dma_start3A_1430, %dma_start3A_1437, %dma_start3A_1438] : memref<4x64x128xf32, #tpu.memory_space<vmem>> -> memref<1x32x128xf32, #tpu.memory_space<vmem>>
        %dma_start3A_1440 = tpu.memref_squeeze %dma_start3A_1439 : memref<1x32x128xf32, #tpu.memory_space<vmem>> -> memref<32x128xf32, #tpu.memory_space<vmem>>
        %dma_start3A_1441 = arith.constant 32 : i32
        %dma_start3A_1442 = tpu.memref_slice %arg5[%dma_start3A_1441, %multiple_of3A_1390] : memref<64x1000000xf32, #tpu.memory_space<hbm>> -> memref<32x128xf32, #tpu.memory_space<hbm>>
        tpu.enqueue_dma source(%dma_start3A_1442 : memref<32x128xf32, #tpu.memory_space<hbm>>) target(%dma_start3A_1440 : memref<32x128xf32, #tpu.memory_space<vmem>>) target_semaphore(%arg21 : memref<!tpu.dma_semaphore, #tpu.memory_space<semaphore_mem>>)
      } else {
      }
      %jit3A_1269 = arith.constant 16 : i32
      %eq3A_1270 = arith.constant 0 : i32
      %eq3A_1271 = arith.cmpi eq, %jit3A_1269, %eq3A_1270 : i32
      %jit3A_1272 = arith.constant 1 : i32
      %select_n3A_1273 = arith.select %eq3A_1271, %jit3A_1272, %jit3A_1269 : i32
      %rem3A_1274 = arith.remsi %add3A_1115, %select_n3A_1273 : i32
      %ne3A_1275 = arith.constant 0 : i32
      %ne3A_1276 = arith.cmpi ne, %rem3A_1274, %ne3A_1275 : i32
      %lt3A_1277 = arith.constant 0 : i32
      %lt3A_1278 = arith.cmpi slt, %rem3A_1274, %lt3A_1277 : i32
      %lt3A_1279 = arith.constant 0 : i32
      %lt3A_1280 = arith.cmpi slt, %select_n3A_1273, %lt3A_1279 : i32
      %ne3A_1281 = arith.xori %lt3A_1278, %lt3A_1280 : i1
      %and3A_1282 = arith.andi %ne3A_1281, %ne3A_1276 : i1
      %add3A_1283 = arith.addi %rem3A_1274, %select_n3A_1273 : i32
      %select_n3A_1284 = arith.select %and3A_1282, %add3A_1283, %rem3A_1274 : i32
      %eq3A_1285 = vector.broadcast %select_n3A_1284 : i32 to vector<16xi32>
      %eq3A_1286 = arith.cmpi eq, %iota3A, %eq3A_1285 : vector<16xi32>
      %broadcast_in_dim3A_1287 = vector.broadcast %reduce_sum3A_1261 : f32 to vector<16xf32>
      %select_n3A_1288 = arith.select %eq3A_1286, %broadcast_in_dim3A_1287, %select_n3A_1111 : vector<16xi1>, vector<16xf32>
      %jit3A_1289 = arith.constant 16 : i32
      %eq3A_1290 = arith.constant 0 : i32
      %eq3A_1291 = arith.cmpi eq, %jit3A_1289, %eq3A_1290 : i32
      %jit3A_1292 = arith.constant 1 : i32
      %select_n3A_1293 = arith.select %eq3A_1291, %jit3A_1292, %jit3A_1289 : i32
      %rem3A_1294 = arith.remsi %add3A_1115, %select_n3A_1293 : i32
      %ne3A_1295 = arith.constant 0 : i32
      %ne3A_1296 = arith.cmpi ne, %rem3A_1294, %ne3A_1295 : i32
      %lt3A_1297 = arith.constant 0 : i32
      %lt3A_1298 = arith.cmpi slt, %rem3A_1294, %lt3A_1297 : i32
      %lt3A_1299 = arith.constant 0 : i32
      %lt3A_1300 = arith.cmpi slt, %select_n3A_1293, %lt3A_1299 : i32
      %ne3A_1301 = arith.xori %lt3A_1298, %lt3A_1300 : i1
      %and3A_1302 = arith.andi %ne3A_1301, %ne3A_1296 : i1
      %add3A_1303 = arith.addi %rem3A_1294, %select_n3A_1293 : i32
      %select_n3A_1304 = arith.select %and3A_1302, %add3A_1303, %rem3A_1294 : i32
      %eq3A_1305 = arith.constant 15 : i32
      %eq3A_1306 = arith.cmpi eq, %select_n3A_1304, %eq3A_1305 : i32
      %convert_element_type3A_1307 = arith.extui %eq3A_1306 : i1 to i32
      %cond3A_1308 = arith.constant 0 : i32
      %cond3A_1309 = arith.cmpi ne, %convert_element_type3A_1307, %cond3A_1308 : i32
      scf.if %cond3A_1309 {
        %get3A_1331 = arith.constant 0 : index
        %get3A_1332 = tpu.vector_load %arg16[%get3A_1331] {strides = array<i32>} : memref<16xf32, #tpu.memory_space<vmem>>, vector<16xf32>,
        %add3A_1333 = arith.addf %select_n3A_1288, %get3A_1332 : vector<16xf32>
        %jit3A_1334 = arith.constant 16 : i32
        %div3A_1335 = arith.divsi %add3A_1115, %jit3A_1334 : i32
        %sign3A_1336 = arith.constant 0 : i32
        %sign3A_1337 = arith.cmpi sgt, %add3A_1115, %sign3A_1336 : i32
        %sign3A_1338 = arith.extui %sign3A_1337 : i1 to i32
        %sign3A_1339 = arith.constant 0 : i32
        %sign3A_1340 = arith.cmpi slt, %add3A_1115, %sign3A_1339 : i32
        %sign3A_1341 = arith.extui %sign3A_1340 : i1 to i32
        %sign3A_1342 = arith.subi %sign3A_1338, %sign3A_1341 : i32
        %sign3A_1343 = arith.constant 0 : i32
        %sign3A_1344 = arith.cmpi sgt, %jit3A_1334, %sign3A_1343 : i32
        %sign3A_1345 = arith.extui %sign3A_1344 : i1 to i32
        %sign3A_1346 = arith.constant 0 : i32
        %sign3A_1347 = arith.cmpi slt, %jit3A_1334, %sign3A_1346 : i32
        %sign3A_1348 = arith.extui %sign3A_1347 : i1 to i32
        %sign3A_1349 = arith.subi %sign3A_1345, %sign3A_1348 : i32
        %ne3A_1350 = arith.cmpi ne, %sign3A_1342, %sign3A_1349 : i32
        %rem3A_1351 = arith.remsi %add3A_1115, %jit3A_1334 : i32
        %ne3A_1352 = arith.constant 0 : i32
        %ne3A_1353 = arith.cmpi ne, %rem3A_1351, %ne3A_1352 : i32
        %and3A_1354 = arith.andi %ne3A_1350, %ne3A_1353 : i1
        %sub3A_1355 = arith.constant 1 : i32
        %sub3A_1356 = arith.subi %div3A_1335, %sub3A_1355 : i32
        %select_n3A_1357 = arith.select %and3A_1354, %sub3A_1356, %div3A_1335 : i32
        %mul3A_1358 = arith.constant 16 : i32
        %mul3A_1359 = arith.muli %select_n3A_1357, %mul3A_1358 : i32
        %swap3A = arith.index_cast %mul3A_1359 : i32 to index
        %swap3A_1360 = tpu.vector_load %arg17[%swap3A] {strides = array<i32>} : memref<512xf32, #tpu.memory_space<vmem>>, vector<16xf32>,
        tpu.vector_store %arg17[%swap3A], %add3A_1333 {strides = array<i32>} : memref<512xf32, #tpu.memory_space<vmem>>, vector<16xf32>,
      } else {
      }
      %jit3A_1310 = arith.constant 16 : i32
      %eq3A_1311 = arith.constant 0 : i32
      %eq3A_1312 = arith.cmpi eq, %jit3A_1310, %eq3A_1311 : i32
      %jit3A_1313 = arith.constant 1 : i32
      %select_n3A_1314 = arith.select %eq3A_1312, %jit3A_1313, %jit3A_1310 : i32
      %rem3A_1315 = arith.remsi %add3A_1115, %select_n3A_1314 : i32
      %ne3A_1316 = arith.constant 0 : i32
      %ne3A_1317 = arith.cmpi ne, %rem3A_1315, %ne3A_1316 : i32
      %lt3A_1318 = arith.constant 0 : i32
      %lt3A_1319 = arith.cmpi slt, %rem3A_1315, %lt3A_1318 : i32
      %lt3A_1320 = arith.constant 0 : i32
      %lt3A_1321 = arith.cmpi slt, %select_n3A_1314, %lt3A_1320 : i32
      %ne3A_1322 = arith.xori %lt3A_1319, %lt3A_1321 : i1
      %and3A_1323 = arith.andi %ne3A_1322, %ne3A_1317 : i1
      %add3A_1324 = arith.addi %rem3A_1315, %select_n3A_1314 : i32
      %select_n3A_1325 = arith.select %and3A_1323, %add3A_1324, %rem3A_1315 : i32
      %eq3A_1326 = arith.constant 15 : i32
      %eq3A_1327 = arith.cmpi eq, %select_n3A_1325, %eq3A_1326 : i32
      %broadcast_in_dim3A_1328 = arith.constant 0.000000e+00 : f32
      %broadcast_in_dim3A_1329 = vector.broadcast %broadcast_in_dim3A_1328 : f32 to vector<16xf32>
      %select_n3A_1330 = arith.select %eq3A_1327, %broadcast_in_dim3A_1329, %select_n3A_1288 : vector<16xf32>
      scf.yield %select_n3A_1330 : vector<16xf32>
    }
    %scan3A_459 = arith.constant 128 : i32
    "tpu.region"() ({
      %run_scoped3A = tpu.sem_alloc : memref<!tpu.dma_semaphore, #tpu.memory_space<semaphore_mem>>
      %dma_start3A_460 = tpu.memref_slice %arg8[%mul3A_2] : memref<16384xf32, #tpu.memory_space<hbm>> -> memref<512xf32, #tpu.memory_space<hbm>>
      %dma_start3A_461 = tpu.memref_slice %arg8[%mul3A_2] : memref<16384xf32, #tpu.memory_space<hbm>> -> memref<512xf32, #tpu.memory_space<hbm>>
      tpu.enqueue_dma source(%arg17 : memref<512xf32, #tpu.memory_space<vmem>>) target(%dma_start3A_461 : memref<512xf32, #tpu.memory_space<hbm>>) target_semaphore(%run_scoped3A : memref<!tpu.dma_semaphore, #tpu.memory_space<semaphore_mem>>)
      %dma_wait3A = tpu.memref_slice %arg8[%mul3A_2] : memref<16384xf32, #tpu.memory_space<hbm>> -> memref<512xf32, #tpu.memory_space<hbm>>
      %dma_wait3A_462 = tpu.memref_slice %arg8[%mul3A_2] : memref<16384xf32, #tpu.memory_space<hbm>> -> memref<512xf32, #tpu.memory_space<hbm>>
      tpu.wait_dma2 semaphore(%run_scoped3A : memref<!tpu.dma_semaphore, #tpu.memory_space<semaphore_mem>>) src(%arg17 : memref<512xf32, #tpu.memory_space<vmem>>) dst(%dma_wait3A_462 : memref<512xf32, #tpu.memory_space<hbm>>)
      tpu.yield
    }) : () -> ()
    return
  }
}

</mosaic_0001>

<sc_bundles>
// kernel: kernel.3.cloned.1.call-start
scs
__scs_entry_jumppad:
0x0: {  	(pc) =	sbr.rel $0x88, $3  }
0x1: {  	(tag) =	ssettag $0x0;
	lr =	simm.s32 $0x1  }
0x2: {  	[smem:$0x3F9B] =	sst lr;
	_ =	strace $0xD0000000  }
0x3: {  	_ = 	snop  }
0x4: {  	_ = 	snop  }
0x5: {  	_ = 	snop  }
0x6: {  	_ = 	snop  }
0x7: {  	_ = 	snop  }
__scs_overlays_trampoline_lowered:
0x8: {  	[smem:$0x3FAA] =	sst s0  }
0x9: {  	[smem:$0x3FAB] =	sst s1  }
0xa: {  	[smem:$0x3FAC] =	sst s2  }
0xb: {  	[smem:$0x3FAD] =	sst s3  }
0xc: {  	[smem:$0x3FAE] =	sst s4  }
0xd: {  	[smem:$0x3FAF] =	sst s5  }
0xe: {  	[smem:$0x3FB0] =	sst s6  }
0xf: {  	[smem:$0x3FB1] =	sst s7  }
0x10: {  	[smem:$0x3FB2] =	sst s8  }
0x11: {  	[smem:$0x3FB3] =	sst s9;
	s0 =	simm.s32 @!p0 $0x0  }
0x12: {  	s1 =	sld [smem:$0x3F99];
	s0 =	simm.s32 @p0 $0x1  }
0x13: {  	[smem:$0x3FB4] =	sst s0;
	s0 =	simm.s32 @!p1 $0x0  }
0x14: {  	s2 =	sld [smem:$0x3F98];
	s0 =	simm.s32 @p1 $0x1  }
0x15: {  	[smem:$0x3FB5] =	sst s0;
	s0 =	simm.s32 @!p2 $0x0  }
0x16: {  	s3 =	sld [smem:$0x3FDB];
	s0 =	simm.s32 @p2 $0x1  }
0x17: {  	s4 =	simm.s32 $0x1BF5;
	[smem:$0x3FB7] =	sst s0  }
0x18: {  	s0 =	sld [smem:$0x3F9A];
	_ =	swait.ge [sflag:s4], $0x0  }
0x19: {  	s7 =	sld [smem:$0x3F9B]  }
0x1a: {  	s8 =	sadd.s32 $0xFFFFE003, lr  }
0x1b: {  	s9 =	sadd.s32 $0xFFFFFEF7, lr;
	s5 =	simm.s32 $0xFFFFFFFF;
	p2 =	slt.u32 s8, $0xFFFFF086  }
0x1c: {  	p1 =	slt.u32 s9, $0xF7A;
	s5 =	simm.s32 @!p2 $0x0  }
0x1d: {  	s5 =	simm.s32 @p1 $0x1;
	p0 =	seq.s32 s7, s2  }
0x1e: {  	s7 =	smul.u32 @!p0 $0xF7A, s2;
	p2 =	seq.s32 @!p0 s5, $0x0  }
0x1f: {  	s9 =	smul.u32 $0xF7A, s1;
	s8 =	simm.s32 @!p0 $0x1BF5;
	p2 =	por !p2, p0  }
0x20: {  	[sflag:s8] =	ssyncset.s32 @!p0 $0xFFFFF086;
	s6 =	sadd.s32 @!p0 s3, s7;
	s7 =	simm.s32 @!p0 $0x108  }
0x21: {  	s3 =	sadd.s32 s3, s9;
	s6 =	sadd.s32 @!p0 $0x88, s6;
	s7 =	simm.s32 @p2 $0x1082  }
0x22: {  	[simem:s7], [sflag:s8] =	dma.local @!p0 [hbm:s6], $0xF7A  }
0x23: {  	s9 =	sor.u32 $0xD0000000, s2;
	s6 =	simm.s32 $0x108;
	_ =	swait.ge @!p0 [sflag:s8], $0x0  }
0x24: {  	s3 =	sadd.s32 $0x88, s3;
	s6 =	simm.s32 @!p1 $0x1082;
	[sflag:s4] =	ssyncset.s32 $0xFFFFF086  }
0x25: {  	[simem:s6], [sflag:s4] =	dma.local [hbm:s3], $0xF7A  }
0x26: {  	[smem:$0x3F9B] =	sst s1;
	(tag) =	ssettag s2;
	_ =	strace s9  }
0x27: {  	s1 =	sld [smem:$0x3FAB]  }
0x28: {  	s2 =	sld [smem:$0x3FAC]  }
0x29: {  	s4 =	sld [smem:$0x3FAE]  }
0x2a: {  	p0 =	seq.s32 s5, $0x0;
	s5 =	sld [smem:$0x3FAF]  }
0x2b: {  	s6 =	sld [smem:$0x3FB0]  }
0x2c: {  	s7 =	sld [smem:$0x3FB1]  }
0x2d: {  	s3 =	simm.s32 $0x108;
	s8 =	sld [smem:$0x3FB2]  }
0x2e: {  	s3 =	simm.s32 @!p0 $0x1082;
	s9 =	sld [smem:$0x3FB3]  }
0x2f: {  	lr =	sadd.s32 s0, s3;
	s0 =	sld [smem:$0x3FAA]  }
0x30: {  	s3 =	sld [smem:$0x3FAD]  }
0x31: {  	[smem:$0x3FB6] =	sst s10  }
0x32: {  	s10 =	sld [smem:$0x3FB4];
	_ =	sdelay $0x3  }
0x33: {  	p0 =	seq.s32 s10, $0x1;
	s10 =	sld [smem:$0x3FB6];
	_ =	sdelay $0x3  }
0x34: {  	[smem:$0x3FB6] =	sst s10  }
0x35: {  	s10 =	sld [smem:$0x3FB5];
	_ =	sdelay $0x3  }
0x36: {  	p1 =	seq.s32 s10, $0x1;
	s10 =	sld [smem:$0x3FB6];
	_ =	sdelay $0x3  }
0x37: {  	[smem:$0x3FB6] =	sst s10  }
0x38: {  	s10 =	sld [smem:$0x3FB7]  }
0x39: {  	_ = 	snop;
	(pc) =	sbr.ind lr, $3  }
0x3a: {  	_ = 	snop  }
0x3b: {  	_ = 	snop  }
0x3c: {  	p2 =	seq.s32 s10, $0x1;
	s10 =	sld [smem:$0x3FB6]  }
0x3d: {  	_ =	shalt  }
0x3e: {  	_ =	shalt  }
0x3f: {  	_ =	shalt  }
0x40: {  	_ =	shalt  }
0x41: {  	_ =	shalt  }
0x42: {  	_ =	shalt  }
0x43: {  	_ =	shalt  }
0x44: {  	_ =	shalt  }
0x45: {  	_ =	shalt  }
0x46: {  	_ =	shalt  }
0x47: {  	_ =	shalt  }
0x48: {  	_ =	shalt  }
0x49: {  	_ =	shalt  }
0x4a: {  	_ =	shalt  }
0x4b: {  	_ =	shalt  }
0x4c: {  	_ =	shalt  }
0x4d: {  	_ =	shalt  }
0x4e: {  	_ =	shalt  }
0x4f: {  	_ =	shalt  }
0x50: {  	_ =	shalt  }
0x51: {  	_ =	shalt  }
0x52: {  	_ =	shalt  }
0x53: {  	_ =	shalt  }
0x54: {  	_ =	shalt  }
0x55: {  	_ =	shalt  }
0x56: {  	_ =	shalt  }
0x57: {  	_ =	shalt  }
0x58: {  	_ =	shalt  }
0x59: {  	_ =	shalt  }
0x5a: {  	_ =	shalt  }
0x5b: {  	_ =	shalt  }
0x5c: {  	_ =	shalt  }
0x5d: {  	_ =	shalt  }
0x5e: {  	_ =	shalt  }
0x5f: {  	_ =	shalt  }
0x60: {  	_ =	shalt  }
0x61: {  	_ =	shalt  }
0x62: {  	_ =	shalt  }
0x63: {  	_ =	shalt  }
0x64: {  	_ =	shalt  }
0x65: {  	_ =	shalt  }
0x66: {  	_ =	shalt  }
0x67: {  	_ =	shalt  }
0x68: {  	_ =	shalt  }
0x69: {  	_ =	shalt  }
0x6a: {  	_ =	shalt  }
0x6b: {  	_ =	shalt  }
0x6c: {  	_ =	shalt  }
0x6d: {  	_ =	shalt  }
0x6e: {  	_ =	shalt  }
0x6f: {  	_ =	shalt  }
0x70: {  	_ =	shalt  }
0x71: {  	_ =	shalt  }
0x72: {  	_ =	shalt  }
0x73: {  	_ =	shalt  }
0x74: {  	_ =	shalt  }
0x75: {  	_ =	shalt  }
0x76: {  	_ =	shalt  }
0x77: {  	_ =	shalt  }
0x78: {  	_ =	shalt  }
0x79: {  	_ =	shalt  }
0x7a: {  	_ =	shalt  }
0x7b: {  	_ =	shalt  }
0x7c: {  	_ =	shalt  }
0x7d: {  	_ =	shalt  }
0x7e: {  	_ =	shalt  }
0x7f: {  	_ =	shalt  }
0x80: {  	_ =	shalt  }
0x81: {  	_ =	shalt  }
0x82: {  	_ =	shalt  }
0x83: {  	_ =	shalt  }
0x84: {  	_ =	shalt  }
0x85: {  	_ =	shalt  }
0x86: {  	_ =	shalt  }
0x87: {  	_ =	shalt  }
.Lfunc_end0:
.L_simem_size_0:
called_computation_lowered:
.L_overlay_start_0:
0x88: {  	s2 =	sld [smem:$0x3FD9]  }
0x89: {  	s3 =	sld [smem:$0x3FFE];
	_ =	sdelay $0x1  }
0x8a: {  	s1 =	srdreg.scid  }
0x8b: {  	s0 =	sand.u32 $0x1, s1  }
0x8c: {  	s17 =	sshll.u32 s0, $0xA;
	s2 =	sadd.s32 s3, s2  }
0x8d: {  	s2 =	sadd.s32 s2, s17  }
0x8e: {  	[smem:$0x3FC2] =	sst s2  }
0x8f: {  	_ = 	snop  }
0x90: {  	s2 =	sld [smem:$0x3FC9]  }
0x91: {  	s18 =	sld [smem:$0x3FC8]  }
0x92: {  	s4 =	sld [smem:$0x3FC7]  }
0x93: {  	s5 =	sld [smem:$0x3FC6]  }
0x94: {  	s6 =	sld [smem:$0x3FC5]  }
0x95: {  	s7 =	sld [smem:$0x3FD0];
	(tm) =	ssettm $0x1  }
0x96: {  	s8 =	sld [smem:$0x3FFB];
	_ =	sdelay $0x3  }
0x97: {  	_ =	strace s8  }
0x98: {  	s8 =	sld [smem:$0x3FFC];
	_ =	sdelay $0x3  }
0x99: {  	_ =	strace s8  }
0x9a: {  	s8 =	sld [smem:$0x3FFD];
	_ =	sdelay $0x3  }
0x9b: {  	_ =	strace s8  }
0x9c: {  	_ =	strace $0x8FFFFFFF  }
0x9d: {  	s19 =	sld [smem:$0x3FDB];
	_ =	sdelay $0x1  }
0x9e: {  	s9 =	simm.s32 $_scs_section_size  }
0x9f: {  	s10 =	simm.s32 $_size__tile_overlayer_lowered;
	s11 =	simm.s32 $_tile_overlayer_lowered  }
0xa0: {  	s22 =	simm.s32 $0x1BFF;
	s21 =	sshll.u32 s11, $0x1;
	s8 =	sadd.s32 s9, s19  }
0xa1: {  	s12 =	simm.s32 $0x0;
	s20 =	sshll.u32 s10, $0x1;
	s10 =	sadd.s32 s21, s8  }
0xa2: {  	[timem:s12], [sflag:s22] =	dma.local [hbm:s10], s20  }
0xa3: {  	_ =	swait.ge [sflag:s22], s20  }
0xa4: {  	s9 =	ssub.s32 $0x0, s20;
	[sflag:s22] =	ssyncset.done $0x0  }
0xa5: {  	[sflag:s22] =	ssyncadd.s32 s9;
	_ =	sdelay $0x1  }
0xa6: {  	s23 =	simm.s32 $0x1B8B  }
0xa7: {  	_ =	swait.ge [sflag:s23], $0x1  }
0xa8: {  	[sflag:s23] =	ssyncset.done $0x0  }
0xa9: {  	s25 =	simm.s32 $0x1B8E;
	s24 =	sld [smem:$0x3FFE];
	[sflag:s23] =	ssyncadd.s32 $0xFFFFFFFF  }
0xaa: {  	s26 =	simm.s32 $execute0_lowered;
	[smem:$0x3FD2] =	sst s25  }
0xab: {  	s10 =	sshll.u32 s26, $0x1;
	_ =	strace $0x80000046;
	[dreg:$0x1] =	wrdreg $0xFFFFFFFF  }
0xac: {  	s28 =	simm.s32 $_size_execute0_lowered;
	s8 =	sadd.s32 s8, s10;
	[dreg:$0x0] =	wrdreg $0x0  }
0xad: {  	s10 =	sshll.u32 s28, $0x1;
	[dreg:$0x2] =	wrdreg s8  }
0xae: {  	[dreg:$0x3] =	wrdreg s10  }
0xaf: {  	[dreg:$0x4] =	wrdreg $0xC0  }
0xb0: {  	_ =	task [dreg:s12], $0x5FFFF  }
0xb1: {  	[dreg:$0x1] =	wrdreg $0xFFFFFFFF  }
0xb2: {  	[dreg:$0x0] =	wrdreg $0x60  }
0xb3: {  	[dreg:$0x2] =	wrdreg s2  }
0xb4: {  	[dreg:$0x3] =	wrdreg s18  }
0xb5: {  	[dreg:$0x4] =	wrdreg s4  }
0xb6: {  	[dreg:$0x5] =	wrdreg s5  }
0xb7: {  	[dreg:$0x6] =	wrdreg s6  }
0xb8: {  	[dreg:$0x7] =	wrdreg s24  }
0xb9: {  	[dreg:$0x8] =	wrdreg s7  }
0xba: {  	[dreg:$0x9] =	wrdreg $0x9  }
0xbb: {  	_ =	task.clear_ibuf [dreg:s12], $0xAFFFF;
	_ =	strace $0x90000046  }
0xbc: {  	s29 =	simm.s32 $0x9;
	_ =	strace $0x80000048  }
0xbd: {  	_ =	swait.ge [sflag:s29], $0x1  }
0xbe: {  	[sflag:s29] =	ssyncadd.s32 $0xFFFFFFFF  }
0xbf: {  	_ =	strace $0x90000048  }
0xc0: {  	_ =	sfence  }
0xc1: {  	s30 =	sld [smem:$0x0];
	_ =	sdelay $0x2  }
0xc2: {  	s31 =	sshll.u32 s1, $0xD;
	s1 =	sshrl.u32 s1, $0x2  }
0xc3: {  	s3 =	sand.u32 $0x4000, s31;
	s1 =	sadd.s32 s1, s30  }
0xc4: {  	s0 =	sor.u32 s3, s0;
	s1 =	sshll.u32 s1, $0x11  }
0xc5: {  	s0 =	sor.u32 s1, s0  }
0xc6: {  	s0 =	sadd.s32 $0x8F2B, s0  }
0xc7: {  	[sflag:s0] =	ssyncadd.remote.s32 $0x1  }
0xc8: {  	_ =	sfence.sel $0xFFFF  }
0xc9: {  	[dreg:$0x0] =	wrdreg $0xFFFFFFFF;
	(pc) =	sbr.abs _section_cstart, $3  }
0xca: {  	[dreg:$0x1] =	wrdreg $0xFFFFFFFF  }
0xcb: {  	_ =	task.clear_ibuf [dreg:s12], $0x2FFFF;
	_ =	strace $0x9FFFFFFF  }
0xcc: {  	(tm) =	ssettm $0x7FFFFFFF  }
0xcd: {  	_ =	shalt  }
tec
execute0_lowered:
.L_overlay_start_1:
0x0: {  	(tag) =	ssettag $0x1  }
0x1: {  	s0 =	rddreg [dreg:$0x0]  }
0x2: {  	s1 =	rddreg [dreg:$0x1]  }
0x3: {  	s2 =	rddreg [dreg:$0x5]  }
0x4: {  	s3 =	rddreg [dreg:$0x6];
	s4 =	srdreg.scid  }
0x5: {  	s8 =	simm.s32 $0x0;
	s6 =	stileid.u32;
	s4 =	sand.u32 $0x1, s4  }
0x6: {  	vm0 =	vmmov $0x1;
	vm1 =	vcmask $0x308;
	vm2 =	vcmask $0x70C;
	s6 =	sshll.u32 s6, $0x7;
	s5 =	ssub.s32 $0x2, s4;
	s4 =	sshll.u32 s4, $0x6  }
0x7: {  	vm3 =	vcmask $0xB10;
	vm4 =	vcmask $0xF14;
	vm5 =	vcmask $0x1318;
	[smem:$0x7FF] =	sst s8;
	s2 =	sadd.s32 $0x400, s2;
	s4 =	sor.u32 s4, s6  }
0x8: {  	vm6 =	vcmask $0x171C;
	vm7 =	vcmask $0x1B20;
	vm8 =	vcmask $0x1F24;
	_ =	strace $0x80000047;
	[dreg:$0xc] =	wrdreg s2;
	s0 =	sadd.s32 s0, s4  }
0x9: {  	vm9 =	vcmask $0x2328;
	vm10 =	vcmask $0x272C;
	v0 =	vlaneseq.u32;
	s7 =	sshrl.u32 s5, $0x1;
	s29 =	sadd.s32 s1, s4;
	[dreg:$0xd] =	wrdreg s0  }
0xa: {  	vm11 =	vcmask $0x2B30;
	vm12 =	vcmask $0x2F34;
	v1 =	vmul.u32 $0x80, v0;
	s28 =	ssub.s32 s5, s7;
	s30 =	sadd.s32 s3, s4;
	[dreg:$0xe] =	wrdreg s29  }
0xb: {  	vm13 =	vcmask $0x3338;
	vm14 =	vcmask $0x373C;
	vm15 =	vmmov $0x7fff;
	[dreg:$0xf] =	wrdreg s30;
	s31 =	smax.u32 s28, $0x1  }
0xc: {  	s2 =	simm.s32 $0x0;
	v2 =	vor.u32 $0x800, v1;
	v3 =	vor.u32 $0x1000, v1;
	v4 =	vor.u32 $0x1800, v1;
	s1 =	simm.s32 $0x5;
	[dreg:$0x10] =	wrdreg s31  }
.LBB2_1:
0xd: {  	[dreg:$0x11] =	wrdreg s2  }
0xe: {  	s0 =	rddreg [dreg:$0xd]  }
0xf: {  	[tilespmem:s8], [sflag:$0x5] =	stream.linear.gather [hbm4b:s0+s8], $0x200, $0x38;
	[tilespmem:$0x10700] =	vst v63  }
0x10: {  	_ =	swait.ge [sflag:s1], $0x200  }
0x11: {  	[sflag:s1] =	ssyncset.done $0x0  }
0x12: {  	s16 =	simm.s32 $0x200;
	s15 =	rddreg [dreg:$0xe];
	[sflag:s1] =	ssyncadd.s32 $0xFFFFFE00  }
0x13: {  	[tilespmem:s16], [sflag:$0x5] =	stream.linear.gather [hbm4b:s15+s8], $0x200, $0x38;
	[tilespmem:$0x10700] =	vst v63  }
0x14: {  	_ =	swait.ge [sflag:s1], $0x200  }
0x15: {  	[sflag:s1] =	ssyncset.done $0x0  }
0x16: {  	[sflag:s1] =	ssyncadd.s32 $0xFFFFFE00  }
0x17: {  	s18 =	simm.s32 $0x10400;
	s17 =	rddreg [dreg:$0x4]  }
0x18: {  	[tilespmem:s18], [sflag:$0x5] =	stream.linear.gather [hbm4b:s17+s8], $0x80, $0x38;
	[tilespmem:$0x10700] =	vst v63  }
0x19: {  	_ =	swait.ge [sflag:s1], $0x80  }
0x1a: {  	[sflag:s1] =	ssyncset.done $0x0  }
0x1b: {  	s20 =	simm.s32 $0x10480;
	s19 =	rddreg [dreg:$0xc];
	[sflag:s1] =	ssyncadd.s32 $0xFFFFFF80  }
0x1c: {  	[tilespmem:s20], [sflag:$0x5] =	stream.linear.gather [hbm4b:s19+s8], $0x80, $0x38;
	[tilespmem:$0x10700] =	vst v63  }
0x1d: {  	_ =	swait.ge [sflag:s1], $0x80  }
0x1e: {  	[sflag:s1] =	ssyncset.done $0x0  }
0x1f: {  	s20 =	simm.s32 $0x0;
	[sflag:s1] =	ssyncadd.s32 $0xFFFFFF80  }
0x20: {  	v5 =	vld [tilespmem:s20+$0x0]  }
0x21: {  	v6 =	vld [tilespmem:s20+$0x200];
	_ =	sdelay $0x3  }
0x22: {  	v7 =	vnsel vm0, $0x0, v5  }
0x23: {  	v8 =	vnsel vm0, $0x0, v6;
	(xrf0) =	vadd.scan.msk.s32 $0xffff, v7  }
0x24: {  	v7 =	vsel vm1, $0x0, v5;
	(xrf0) =	vadd.scan.msk.s32 $0xffff, v8  }
0x25: {  	v8 =	vsel vm1, $0x0, v6;
	(xrf0) =	vadd.scan.msk.s32 $0xffff, v7  }
0x26: {  	v7 =	vsel vm3, $0x0, v5;
	(xrf0) =	vadd.scan.msk.s32 $0xffff, v8  }
0x27: {  	v8 =	vsel vm3, $0x0, v6;
	(xrf0) =	vadd.scan.msk.s32 $0xffff, v7  }
0x28: {  	v7 =	vsel vm4, $0x0, v5;
	(xrf0) =	vadd.scan.msk.s32 $0xffff, v8  }
0x29: {  	v8 =	vsel vm4, $0x0, v6;
	v9, _, _ =	vpop (xrf0);
	(xrf0) =	vadd.scan.msk.s32 $0xffff, v7  }
0x2a: {  	v7 =	vsel vm5, $0x0, v5;
	v10, _, _ =	vpop (xrf0);
	(xrf0) =	vadd.scan.msk.s32 $0xffff, v8  }
0x2b: {  	v8 =	vsel vm6, $0x0, v5;
	v11, _, _ =	vpop (xrf0);
	(xrf0) =	vadd.scan.msk.s32 $0xffff, v7  }
0x2c: {  	v7 =	vsel vm6, $0x0, v6;
	v12, _, _ =	vpop (xrf0);
	(xrf0) =	vadd.scan.msk.s32 $0xffff, v8  }
0x2d: {  	v8 =	vsel vm5, $0x0, v6;
	v13, _, _ =	vpop (xrf0);
	(xrf0) =	vadd.scan.msk.s32 $0xffff, v7;
	v7 =	vsel vm2, $0x0, v5  }
0x2e: {  	v14, _, _ =	vpop (xrf0);
	(xrf0) =	vadd.scan.msk.s32 $0xffff, v8;
	v8 =	vsel vm2, $0x0, v6;
	_ =	sdelay $0x1  }
0x2f: {  	(v2sf) =	vpush v13, $0xF;
	(xrf0) =	vadd.scan.msk.s32 $0xffff, v7;
	v7, _, _ =	vpop (xrf0)  }
0x30: {  	v15 =	vsel vm7, $0x0, v6;
	v13 =	vsel vm7, $0x0, v5;
	(v2sf) =	vpush v9, $0xF;
	(xrf0) =	vadd.scan.msk.s32 $0xffff, v8;
	v8, _, _ =	vpop (xrf0)  }
0x31: {  	(v2sf) =	vpush v10, $0xF;
	v9, _, _ =	vpop (xrf0);
	(xrf0) =	vadd.scan.msk.s32 $0xffff, v13  }
0x32: {  	(v2sf) =	vpush v11, $0xF;
	v13 =	vsel vm8, $0x0, v5;
	v10, _, _ =	vpop (xrf0);
	(xrf0) =	vadd.scan.msk.s32 $0xffff, v15  }
0x33: {  	v11 =	vsel vm8, $0x0, v6;
	(v2sf) =	vpush v12, $0xF;
	v15, _, _ =	vpop (xrf0);
	(xrf0) =	vadd.scan.msk.s32 $0xffff, v13;
	v13 =	vsel vm9, $0x0, v5  }
0x34: {  	(v2sf) =	vpush v14, $0xF;
	v12, _, _ =	vpop (xrf0);
	(xrf0) =	vadd.scan.msk.s32 $0xffff, v11  }
0x35: {  	(v2sf) =	vpush v7, $0xF;
	v11 =	vsel vm9, $0x0, v6;
	v14, _, _ =	vpop (xrf0);
	(xrf0) =	vadd.scan.msk.s32 $0xffff, v13  }
0x36: {  	v7 =	vsel vm10, $0x0, v5;
	v13, _, _ =	vpop (xrf0);
	(xrf0) =	vadd.scan.msk.s32 $0xffff, v11;
	v11 =	vsel vm10, $0x0, v6;
	(v2sf) =	vpush v14, $0xF  }
0x37: {  	v14, _, _ =	vpop (xrf0);
	(xrf0) =	vadd.scan.msk.s32 $0xffff, v7;
	(v2sf) =	vpush v8, $0xF  }
0x38: {  	v7 =	vsel vm11, $0x0, v5;
	v8, _, _ =	vpop (xrf0);
	(xrf0) =	vadd.scan.msk.s32 $0xffff, v11;
	(v2sf) =	vpush v9, $0xF  }
0x39: {  	v9 =	vsel vm11, $0x0, v6;
	v11, _, _ =	vpop (xrf0);
	(xrf0) =	vadd.scan.msk.s32 $0xffff, v7;
	(v2sf) =	vpush v12, $0xF  }
0x3a: {  	v7 =	vsel vm12, $0x0, v5;
	v12, _, _ =	vpop (xrf0);
	(xrf0) =	vadd.scan.msk.s32 $0xffff, v9;
	(v2sf) =	vpush v10, $0xF  }
0x3b: {  	v9 =	vsel vm12, $0x0, v6;
	v16, _, _ =	vpop (xrf0);
	(xrf0) =	vadd.scan.msk.s32 $0xffff, v7;
	(v2sf) =	vpush v15, $0xF  }
0x3c: {  	s26 =	simm.s32 $0x10;
	v7 =	vsel vm13, $0x0, v5;
	v15, _, _ =	vpop (xrf0);
	(xrf0) =	vadd.scan.msk.s32 $0xffff, v9;
	(v2sf) =	vpush v14, $0xF  }
0x3d: {  	v10 =	vld [tilespmem:s26+$0x0];
	v9 =	vsel vm13, $0x0, v6;
	v14, _, _ =	vpop (xrf0);
	(xrf0) =	vadd.scan.msk.s32 $0xffff, v7;
	(v2sf) =	vpush v8, $0xF  }
0x3e: {  	v7 =	vsel vm14, $0x0, v5;
	v8, _, _ =	vpop (xrf0);
	(xrf0) =	vadd.scan.msk.s32 $0xffff, v9;
	(v2sf) =	vpush v11, $0xF;
	v9 =	vld [tilespmem:s26+$0x200]  }
0x3f: {  	(v2sf) =	vpush v12, $0xF  }
0x40: {  	v17 =	vsel vm14, $0x0, v6;
	v11, _, _ =	vpop (xrf0);
	(xrf0) =	vadd.scan.msk.s32 $0xffff, v7;
	(v2sf) =	vpush v16, $0xF  }
0x41: {  	s14 =	spop (v2sf);
	v6 =	vsel vm15, $0x0, v6;
	v5 =	vsel vm15, $0x0, v5;
	v7, _, _ =	vpop (xrf0);
	(xrf0) =	vadd.scan.msk.s32 $0xffff, v17;
	(v2sf) =	vpush v15, $0xF  }
0x42: {  	s3 =	spop (v2sf);
	v12, _, _ =	vpop (xrf0);
	(xrf0) =	vadd.scan.msk.s32 $0xffff, v5;
	v5 =	vnsel vm0, $0x0, v10;
	(v2sf) =	vpush v14, $0xF  }
0x43: {  	s21 =	spop (v2sf);
	v15, _, _ =	vpop (xrf0);
	(xrf0) =	vadd.scan.msk.s32 $0xffff, v6;
	(v2sf) =	vpush v8, $0xF;
	v8 =	vnsel vm0, $0x0, v9  }
0x44: {  	s22 =	spop (v2sf);
	v6, _, _ =	vpop (xrf0)  }
0x45: {  	s25 =	spop (v2sf);
	(xrf0) =	vadd.scan.msk.s32 $0xffff, v5;
	v5, _, _ =	vpop (xrf0);
	(v2sf) =	vpush v11, $0xF;
	v11 =	vsel vm1, $0x0, v9  }
0x46: {  	s31 =	spop (v2sf);
	v14 =	vsel vm1, $0x0, v10;
	(xrf0) =	vadd.scan.msk.s32 $0xffff, v8;
	v8, _, _ =	vpop (xrf0)  }
0x47: {  	s6 =	spop (v2sf);
	(v2sf) =	vpush v7, $0xF;
	(xrf0) =	vadd.scan.msk.s32 $0xffff, v14;
	v7, _, _ =	vpop (xrf0)  }
0x48: {  	s4 =	spop (v2sf);
	(v2sf) =	vpush v12, $0xF;
	(xrf0) =	vadd.scan.msk.s32 $0xffff, v11;
	v11, _, _ =	vpop (xrf0)  }
0x49: {  	v14 =	vsel vm3, $0x0, v10;
	s23 =	spop (v2sf);
	(v2sf) =	vpush v13, $0xF;
	v13, _, _ =	vpop (xrf0)  }
0x4a: {  	v12 =	vsel vm3, $0x0, v9;
	s28 =	spop (v2sf);
	(xrf0) =	vadd.scan.msk.s32 $0xffff, v14;
	v14 =	vsel vm4, $0x0, v10;
	(v2sf) =	vpush v13, $0xF  }
0x4b: {  	s29 =	spop (v2sf);
	(xrf0) =	vadd.scan.msk.s32 $0xffff, v12;
	v12 =	vsel vm4, $0x0, v9;
	(v2sf) =	vpush v6, $0xF  }
0x4c: {  	s24 =	spop (v2sf);
	v13, _, _ =	vpop (xrf0);
	(xrf0) =	vadd.scan.msk.s32 $0xffff, v14;
	(v2sf) =	vpush v5, $0xF  }
0x4d: {  	s7 =	spop (v2sf);
	v6 =	vsel vm5, $0x0, v10;
	v14, _, _ =	vpop (xrf0);
	(xrf0) =	vadd.scan.msk.s32 $0xffff, v12;
	(v2sf) =	vpush v8, $0xF  }
0x4e: {  	s8 =	spop (v2sf);
	v5 =	vsel vm6, $0x0, v10;
	v12, _, _ =	vpop (xrf0);
	(xrf0) =	vadd.scan.msk.s32 $0xffff, v6;
	(v2sf) =	vpush v7, $0xF  }
0x4f: {  	v6 =	vsel vm6, $0x0, v9;
	s9 =	spop (v2sf);
	v16, _, _ =	vpop (xrf0);
	(xrf0) =	vadd.scan.msk.s32 $0xffff, v5;
	(v2sf) =	vpush v11, $0xF;
	v11 =	vsel vm2, $0x0, v10  }
0x50: {  	s10 =	spop (v2sf);
	v7 =	vsel vm5, $0x0, v9;
	v8, _, _ =	vpop (xrf0);
	(xrf0) =	vadd.scan.msk.s32 $0xffff, v6  }
0x51: {  	v5 =	vld [tilespmem:$0x10400];
	s5 =	spop (v2sf);
	v17, _, _ =	vpop (xrf0);
	(xrf0) =	vadd.scan.msk.s32 $0xffff, v7;
	(v2sf) =	vpush v8, $0xF  }
0x52: {  	v6 =	vld [tilespmem:$0x10410];
	s11 =	spop (v2sf);
	v8 =	vsel vm2, $0x0, v9;
	(xrf0) =	vadd.scan.msk.s32 $0xffff, v11;
	(v2sf) =	vpush v15, $0xF;
	v11, _, _ =	vpop (xrf0)  }
0x53: {  	[smem:s20] =	sst s3;
	v7 =	vld [tilespmem:$0x10420];
	s19 =	spop (v2sf);
	v15 =	vsel vm7, $0x0, v10;
	(xrf0) =	vadd.scan.msk.s32 $0xffff, v8;
	(v2sf) =	vpush v13, $0xF;
	v13, _, _ =	vpop (xrf0)  }
0x54: {  	v8 =	vld [tilespmem:$0x10430];
	s16 =	spop (v2sf);
	(xrf0) =	vadd.scan.msk.s32 $0xffff, v15;
	(v2sf) =	vpush v14, $0xF;
	v14 =	vsel vm7, $0x0, v9;
	v23, _, _ =	vpop (xrf0);
	[smem:$0x200] =	sst s21  }
0x55: {  	s18 =	spop (v2sf);
	(v2sf) =	vpush v12, $0xF;
	v21, _, _ =	vpop (xrf0);
	(xrf0) =	vadd.scan.msk.s32 $0xffff, v14;
	v12 =	vsel vm8, $0x0, v10;
	[smem:$0x1] =	sst s22  }
0x56: {  	s17 =	spop (v2sf);
	(v2sf) =	vpush v16, $0xF;
	v22, _, _ =	vpop (xrf0);
	(xrf0) =	vadd.scan.msk.s32 $0xffff, v12;
	v12 =	vsel vm8, $0x0, v9;
	[smem:$0x201] =	sst s25  }
0x57: {  	s21 =	spop (v2sf);
	(v2sf) =	vpush v17, $0xF;
	v24, _, _ =	vpop (xrf0);
	(xrf0) =	vadd.scan.msk.s32 $0xffff, v12;
	[smem:$0x2] =	sst s4  }
0x58: {  	v19 =	vsel vm11, $0x0, v10;
	v18 =	vsel vm12, $0x0, v10;
	v12 =	vsel vm9, $0x0, v10;
	s22 =	spop (v2sf)  }
0x59: {  	v20 =	vsel vm10, $0x0, v9;
	v14 =	vsel vm9, $0x0, v9;
	v15, _, _ =	vpop (xrf0);
	(v2sf) =	vpush v11, $0xF;
	(xrf0) =	vadd.scan.msk.s32 $0xffff, v12;
	s30 =	spop (v2sf)  }
0x5a: {  	v11 =	vsel vm10, $0x0, v10;
	v12 =	vsel vm14, $0x0, v10;
	(v2sf) =	vpush v15, $0xF;
	v16, _, _ =	vpop (xrf0);
	(xrf0) =	vadd.scan.msk.s32 $0xffff, v14;
	[smem:$0x202] =	sst s30  }
0x5b: {  	v15 =	vsel vm12, $0x0, v9;
	v14 =	vsel vm13, $0x0, v10;
	(v2sf) =	vpush v13, $0xF;
	v17, _, _ =	vpop (xrf0);
	(xrf0) =	vadd.scan.msk.s32 $0xffff, v11;
	[smem:$0x3] =	sst s14  }
0x5c: {  	s0 =	simm.s32 $0x80;
	v10 =	vsel vm15, $0x0, v10;
	v13 =	vsel vm13, $0x0, v9;
	v11 =	vsel vm14, $0x0, v9;
	s14 =	spop (v2sf)  }
.LBB2_2:
0x5d: {  	[dreg:$0xa] =	wrdreg s26  }
0x5e: {  	[smem:s20+$0x203] =	sst s31;
	s1 =	sadd.s32 $0x40, s0  }
0x5f: {  	s2 =	spop (v2sf);
	[dreg:$0x8] =	wrdreg s1  }
0x60: {  	[smem:s20+$0x4] =	sst s6;
	s1 =	spop (v2sf)  }
0x61: {  	[smem:s20+$0x204] =	sst s23;
	s3 =	spop (v2sf)  }
0x62: {  	[smem:s20+$0x5] =	sst s28;
	s26 =	spop (v2sf)  }
0x63: {  	[smem:s20+$0x205] =	sst s29;
	s13 =	spop (v2sf)  }
0x64: {  	[dreg:$0xb] =	wrdreg s13  }
0x65: {  	(v2sf) =	vpush v23, $0xF;
	v23, _, _ =	vpop (xrf0);
	(xrf0) =	vadd.scan.msk.s32 $0xffff, v20;
	s15 =	spop (v2sf);
	[smem:s20+$0x6] =	sst s24  }
0x66: {  	v25 =	vsel vm11, $0x0, v9;
	(v2sf) =	vpush v24, $0xF;
	v24, _, _ =	vpop (xrf0);
	(xrf0) =	vadd.scan.msk.s32 $0xffff, v19;
	[dreg:$0x9] =	wrdreg s15  }
0x67: {  	(v2sf) =	vpush v21, $0xF;
	v19, _, _ =	vpop (xrf0);
	(xrf0) =	vadd.scan.msk.s32 $0xffff, v25;
	[smem:s20+$0x206] =	sst s7  }
0x68: {  	(v2sf) =	vpush v22, $0xF;
	v20, _, _ =	vpop (xrf0);
	(xrf0) =	vadd.scan.msk.s32 $0xffff, v18;
	[smem:s20+$0x7] =	sst s8  }
0x69: {  	s4 =	smov.u32 s0;
	(v2sf) =	vpush v17, $0xF;
	v18, _, _ =	vpop (xrf0);
	(xrf0) =	vadd.scan.msk.s32 $0xffff, v15;
	[smem:s20+$0x207] =	sst s9  }
0x6a: {  	s30 =	sshra.s32 s4, $0x2;
	(v2sf) =	vpush v23, $0xF;
	v15, _, _ =	vpop (xrf0);
	(xrf0) =	vadd.scan.msk.s32 $0xffff, v14;
	[smem:s20+$0x8] =	sst s10  }
0x6b: {  	v17 =	vld [tilespmem:s30+$0x0];
	(v2sf) =	vpush v24, $0xF;
	v14, _, _ =	vpop (xrf0);
	(xrf0) =	vadd.scan.msk.s32 $0xffff, v13;
	s4 =	spop (v2sf);
	[smem:s20+$0x208] =	sst s5  }
0x6c: {  	v13 =	vld [tilespmem:s30+$0x200];
	s13 =	spop (v2sf);
	(v2sf) =	vpush v19, $0xF;
	v19, _, _ =	vpop (xrf0);
	(xrf0) =	vadd.scan.msk.s32 $0xffff, v12;
	[smem:s20+$0x9] =	sst s11  }
0x6d: {  	s15 =	spop (v2sf);
	(v2sf) =	vpush v20, $0xF;
	v12, _, _ =	vpop (xrf0);
	(xrf0) =	vadd.scan.msk.s32 $0xffff, v11;
	[smem:s20+$0x209] =	sst s19  }
0x6e: {  	v9 =	vsel vm15, $0x0, v9;
	s12 =	spop (v2sf);
	(v2sf) =	vpush v18, $0xF;
	v11, _, _ =	vpop (xrf0);
	(xrf0) =	vadd.scan.msk.s32 $0xffff, v10;
	[smem:s20+$0xA] =	sst s16  }
0x6f: {  	s25 =	spop (v2sf);
	(v2sf) =	vpush v15, $0xF;
	v21, _, _ =	vpop (xrf0);
	(xrf0) =	vadd.scan.msk.s32 $0xffff, v9;
	[smem:s20+$0x20A] =	sst s18  }
0x70: {  	v10 =	vsel vm1, $0x0, v17;
	v9 =	vnsel vm0, $0x0, v17;
	s31 =	spop (v2sf);
	(v2sf) =	vpush v14, $0xF;
	v14, _, _ =	vpop (xrf0);
	[smem:s20+$0xB] =	sst s17  }
0x71: {  	v15 =	vnsel vm0, $0x0, v13;
	(xrf0) =	vadd.scan.msk.s32 $0xffff, v9;
	s6 =	spop (v2sf);
	(v2sf) =	vpush v19, $0xF;
	v22, _, _ =	vpop (xrf0);
	[smem:s20+$0x20B] =	sst s21  }
0x72: {  	p0 =	sne.s32 s0, $0x7C0;
	v9 =	vsel vm3, $0x0, v17;
	(xrf0) =	vadd.scan.msk.s32 $0xffff, v15;
	s0 =	spop (v2sf);
	(v2sf) =	vpush v12, $0xF;
	v12, _, _ =	vpop (xrf0);
	s21 =	rddreg [dreg:$0xb]  }
0x73: {  	v18 =	vsel vm1, $0x0, v13;
	(xrf0) =	vadd.scan.msk.s32 $0xffff, v10;
	s23 =	spop (v2sf);
	(v2sf) =	vpush v11, $0xF;
	v10, _, _ =	vpop (xrf0);
	[smem:s20+$0xC] =	sst s22  }
0x74: {  	(xrf0) =	vadd.scan.msk.s32 $0xffff, v18;
	(v2sf) =	vpush v16, $0xF;
	s28 =	spop (v2sf);
	v16, _, _ =	vpop (xrf0);
	s22 =	rddreg [dreg:$0xa]  }
0x75: {  	v19 =	vsel vm3, $0x0, v13;
	(xrf0) =	vadd.scan.msk.s32 $0xffff, v9;
	s29 =	spop (v2sf);
	v9, _, _ =	vpop (xrf0);
	[smem:s20+$0x20C] =	sst s4  }
0x76: {  	v11 =	vsel vm4, $0x0, v17;
	(xrf0) =	vadd.scan.msk.s32 $0xffff, v19;
	s24 =	spop (v2sf);
	(v2sf) =	vpush v9, $0xF;
	[smem:s20+$0xD] =	sst s2  }
0x77: {  	v24 =	vsel vm5, $0x0, v17;
	v23 =	vsel vm4, $0x0, v13;
	v31, _, _ =	vpop (xrf0);
	(xrf0) =	vadd.scan.msk.s32 $0xffff, v11;
	s7 =	spop (v2sf);
	(v2sf) =	vpush v14, $0xF;
	[smem:s20+$0x20D] =	sst s1  }
0x78: {  	v25 =	vsel vm6, $0x0, v17;
	v32, _, _ =	vpop (xrf0);
	(xrf0) =	vadd.scan.msk.s32 $0xffff, v23;
	s8 =	spop (v2sf);
	(v2sf) =	vpush v22, $0xF;
	[smem:s20+$0xE] =	sst s3  }
0x79: {  	v22, _, _ =	vpop (xrf0);
	(xrf0) =	vadd.scan.msk.s32 $0xffff, v24;
	s9 =	spop (v2sf);
	(v2sf) =	vpush v12, $0xF;
	[smem:s20+$0x20E] =	sst s26  }
0x7a: {  	v26 =	vsel vm6, $0x0, v13;
	v9 =	vmov v13;
	v24, _, _ =	vpop (xrf0);
	(xrf0) =	vadd.scan.msk.s32 $0xffff, v25;
	s10 =	spop (v2sf);
	(v2sf) =	vpush v10, $0xF;
	s26 =	smov.u32 s30;
	s30 =	rddreg [dreg:$0x9]  }
0x7b: {  	v23 =	vsel vm5, $0x0, v9;
	v25, _, _ =	vpop (xrf0);
	(xrf0) =	vadd.scan.msk.s32 $0xffff, v26;
	s5 =	spop (v2sf);
	(v2sf) =	vpush v16, $0xF;
	[smem:s20+$0xF] =	sst s21  }
0x7c: {  	v33 =	vsel vm2, $0x0, v17;
	(v2sf) =	vpush v25, $0xF;
	v25, _, _ =	vpop (xrf0);
	(xrf0) =	vadd.scan.msk.s32 $0xffff, v23;
	s11 =	spop (v2sf);
	[smem:s20+$0x20F] =	sst s14;
	s20 =	smov.u32 s22  }
0x7d: {  	v34 =	vsel vm2, $0x0, v9;
	(xrf0) =	vadd.scan.msk.s32 $0xffff, v33;
	v16, _, _ =	vpop (xrf0);
	s19 =	spop (v2sf);
	(v2sf) =	vpush v21, $0xF;
	[smem:s20] =	sst s13  }
0x7e: {  	v28 =	vsel vm8, $0x0, v17;
	v63 =	vsel vm7, $0x0, v17;
	(v2sf) =	vpush v31, $0xF;
	(xrf0) =	vadd.scan.msk.s32 $0xffff, v34;
	v26, _, _ =	vpop (xrf0);
	s16 =	spop (v2sf);
	[smem:s20+$0x200] =	sst s15  }
0x7f: {  	v29 =	vsel vm9, $0x0, v17;
	v27 =	vsel vm7, $0x0, v13;
	(v2sf) =	vpush v32, $0xF;
	v23, _, _ =	vpop (xrf0);
	(xrf0) =	vadd.scan.msk.s32 $0xffff, v63;
	s18 =	spop (v2sf);
	[smem:s20+$0x1] =	sst s12  }
0x80: {  	v30 =	vsel vm9, $0x0, v13;
	v18 =	vsel vm12, $0x0, v17;
	(v2sf) =	vpush v22, $0xF;
	v21, _, _ =	vpop (xrf0);
	(xrf0) =	vadd.scan.msk.s32 $0xffff, v27;
	s17 =	spop (v2sf);
	[smem:s20+$0x201] =	sst s25  }
.Ltmp0:
0x81: {  	v19 =	vsel vm11, $0x0, v17;
	v27 =	vsel vm8, $0x0, v9;
	(v2sf) =	vpush v24, $0xF;
	v22, _, _ =	vpop (xrf0);
	(xrf0) =	vadd.scan.msk.s32 $0xffff, v28;
	s21 =	spop (v2sf);
	(pc) =	sbr.rel @p0 .LBB2_2-.Ltmp0, $4  }
0x82: {  	v20 =	vsel vm10, $0x0, v9;
	v15 =	vsel vm12, $0x0, v9;
	(v2sf) =	vpush v25, $0xF;
	v24, _, _ =	vpop (xrf0);
	(xrf0) =	vadd.scan.msk.s32 $0xffff, v27;
	[smem:s20+$0x2] =	sst s0;
	s22 =	spop (v2sf)  }
0x83: {  	v14 =	vsel vm13, $0x0, v17;
	v13 =	vsel vm13, $0x0, v9;
	s0 =	rddreg [dreg:$0x8];
	v25, _, _ =	vpop (xrf0);
	(v2sf) =	vpush v16, $0xF;
	(xrf0) =	vadd.scan.msk.s32 $0xffff, v29;
	s25 =	spop (v2sf)  }
0x84: {  	v11 =	vsel vm14, $0x0, v9;
	v27 =	vsel vm10, $0x0, v17;
	(v2sf) =	vpush v25, $0xF;
	v16, _, _ =	vpop (xrf0);
	(xrf0) =	vadd.scan.msk.s32 $0xffff, v30;
	[smem:s20+$0x202] =	sst s25  }
0x85: {  	v12 =	vsel vm14, $0x0, v17;
	v10 =	vsel vm15, $0x0, v17;
	(v2sf) =	vpush v26, $0xF;
	v17, _, _ =	vpop (xrf0);
	(xrf0) =	vadd.scan.msk.s32 $0xffff, v27;
	[smem:s20+$0x3] =	sst s30;
	s14 =	spop (v2sf)  }
0x86: {  	[smem:s20+$0x203] =	sst s31  }
0x87: {  	(v2sf) =	vpush v23, $0xF;
	s4 =	spop (v2sf);
	[smem:s20+$0x4] =	sst s6  }
0x88: {  	(v2sf) =	vpush v24, $0xF;
	s3 =	spop (v2sf);
	[smem:s20+$0x204] =	sst s23  }
0x89: {  	(v2sf) =	vpush v21, $0xF;
	s1 =	spop (v2sf);
	[smem:s20+$0x5] =	sst s28  }
0x8a: {  	(v2sf) =	vpush v22, $0xF;
	s2 =	spop (v2sf);
	[smem:s20+$0x205] =	sst s29  }
0x8b: {  	v61, _, _ =	vpop (xrf0);
	(xrf0) =	vadd.scan.msk.s32 $0xffff, v20;
	(v2sf) =	vpush v17, $0xF;
	s6 =	spop (v2sf);
	v17 =	vsel vm11, $0x0, v9;
	[smem:s20+$0x6] =	sst s24  }
0x8c: {  	v62, _, _ =	vpop (xrf0);
	(xrf0) =	vadd.scan.msk.s32 $0xffff, v19;
	s0 =	spop (v2sf);
	(v2sf) =	vpush v61, $0xF;
	[smem:s20+$0x206] =	sst s7  }
0x8d: {  	v19, _, _ =	vpop (xrf0);
	(xrf0) =	vadd.scan.msk.s32 $0xffff, v17;
	(v2sf) =	vpush v62, $0xF;
	s13 =	spop (v2sf);
	[smem:s20+$0x7] =	sst s8  }
0x8e: {  	v17, _, _ =	vpop (xrf0);
	(xrf0) =	vadd.scan.msk.s32 $0xffff, v18;
	s23 =	spop (v2sf);
	(v2sf) =	vpush v19, $0xF;
	[smem:s20+$0x207] =	sst s9  }
0x8f: {  	v18, _, _ =	vpop (xrf0);
	s12 =	spop (v2sf);
	(v2sf) =	vpush v17, $0xF;
	[smem:s20+$0x8] =	sst s10  }
0x90: {  	v17, _, _ =	vpop (xrf0);
	s24 =	spop (v2sf);
	(v2sf) =	vpush v18, $0xF;
	s10 =	rddreg [dreg:$0x2]  }
0x91: {  	v18, _, _ =	vpop (xrf0);
	s25 =	spop (v2sf);
	(v2sf) =	vpush v17, $0xF;
	[smem:s20+$0x208] =	sst s5  }
0x92: {  	v17, _, _ =	vpop (xrf0);
	s5 =	spop (v2sf);
	(v2sf) =	vpush v18, $0xF;
	[smem:s20+$0x9] =	sst s11  }
0x93: {  	s11 =	rddreg [dreg:$0x3];
	v18, _, _ =	vpop (xrf0);
	s8 =	spop (v2sf);
	(v2sf) =	vpush v17, $0xF  }
0x94: {  	[smem:s20+$0x209] =	sst s19;
	v17, _, _ =	vpop (xrf0);
	s31 =	spop (v2sf);
	(v2sf) =	vpush v18, $0xF  }
0x95: {  	[smem:s20+$0xA] =	sst s16;
	s15 =	spop (v2sf);
	(v2sf) =	vpush v17, $0xF  }
0x96: {  	[smem:s20+$0x20A] =	sst s18;
	(v2sf) =	vpush v16, $0xF;
	s16 =	spop (v2sf)  }
0x97: {  	(xrf0) =	vadd.scan.msk.s32 $0xffff, v15;
	[smem:s20+$0xB] =	sst s17;
	s17 =	spop (v2sf)  }
0x98: {  	(xrf0) =	vadd.scan.msk.s32 $0xffff, v14;
	[smem:s20+$0x20B] =	sst s21;
	s18 =	spop (v2sf)  }
0x99: {  	(xrf0) =	vadd.scan.msk.s32 $0xffff, v13;
	[smem:s20+$0xC] =	sst s22;
	s19 =	spop (v2sf)  }
0x9a: {  	(xrf0) =	vadd.scan.msk.s32 $0xffff, v12;
	[smem:s20+$0x20C] =	sst s13;
	s13 =	spop (v2sf)  }
0x9b: {  	v9 =	vsel vm15, $0x0, v9;
	(xrf0) =	vadd.scan.msk.s32 $0xffff, v11;
	[smem:s20+$0xD] =	sst s4;
	s4 =	spop (v2sf)  }
0x9c: {  	(xrf0) =	vadd.scan.msk.s32 $0xffff, v10;
	[smem:s20+$0x20D] =	sst s3;
	s3 =	spop (v2sf)  }
0x9d: {  	v10, _, _ =	vpop (xrf0);
	(xrf0) =	vadd.scan.msk.s32 $0xffff, v9;
	[smem:s20+$0xE] =	sst s1;
	s1 =	spop (v2sf)  }
0x9e: {  	v9, _, _ =	vpop (xrf0);
	[smem:s20+$0x20E] =	sst s2;
	s2 =	spop (v2sf)  }
0x9f: {  	v11, _, _ =	vpop (xrf0);
	[smem:s20+$0xF] =	sst s6;
	s6 =	spop (v2sf)  }
0xa0: {  	v12, _, _ =	vpop (xrf0);
	[smem:s20+$0x20F] =	sst s14;
	s21 =	spop (v2sf)  }
0xa1: {  	v13, _, _ =	vpop (xrf0);
	[smem:s26] =	sst s23;
	s22 =	spop (v2sf)  }
0xa2: {  	v14, _, _ =	vpop (xrf0);
	[smem:s26+$0x200] =	sst s12;
	s23 =	spop (v2sf)  }
0xa3: {  	v15, _, _ =	vpop (xrf0);
	[smem:s26+$0x1] =	sst s24;
	s24 =	spop (v2sf)  }
0xa4: {  	(v2sf) =	vpush v15, $0xF;
	[smem:s26+$0x201] =	sst s25;
	s25 =	spop (v2sf)  }
0xa5: {  	(v2sf) =	vpush v9, $0xF;
	[smem:s26+$0x2] =	sst s31;
	s31 =	spop (v2sf)  }
0xa6: {  	(v2sf) =	vpush v11, $0xF;
	[smem:s26+$0x202] =	sst s31  }
0xa7: {  	(v2sf) =	vpush v12, $0xF;
	[smem:s26+$0x3] =	sst s0  }
0xa8: {  	(v2sf) =	vpush v13, $0xF;
	[smem:s26+$0x203] =	sst s5  }
0xa9: {  	(v2sf) =	vpush v14, $0xF;
	[smem:s26+$0x4] =	sst s8  }
0xaa: {  	(v2sf) =	vpush v10, $0xF;
	[smem:s26+$0x204] =	sst s15  }
0xab: {  	[smem:s26+$0x5] =	sst s16  }
0xac: {  	[smem:s26+$0x205] =	sst s17  }
0xad: {  	[smem:s26+$0x6] =	sst s18  }
0xae: {  	[smem:s26+$0x206] =	sst s19  }
0xaf: {  	[smem:s26+$0x7] =	sst s13  }
0xb0: {  	[smem:s26+$0x207] =	sst s4  }
0xb1: {  	[smem:s26+$0x8] =	sst s3  }
0xb2: {  	[smem:s26+$0x208] =	sst s1  }
0xb3: {  	s17 =	spop (v2sf);
	[smem:s26+$0x9] =	sst s2  }
0xb4: {  	s18 =	spop (v2sf);
	[smem:s26+$0x209] =	sst s6  }
0xb5: {  	s19 =	spop (v2sf);
	[smem:s26+$0xA] =	sst s21  }
0xb6: {  	s20 =	spop (v2sf);
	[smem:s26+$0x20A] =	sst s22  }
0xb7: {  	s21 =	spop (v2sf);
	[smem:s26+$0xB] =	sst s23  }
0xb8: {  	s22 =	spop (v2sf);
	[smem:s26+$0x20B] =	sst s24  }
0xb9: {  	s23 =	spop (v2sf);
	[smem:s26+$0xC] =	sst s25  }
0xba: {  	[smem:s26+$0x20C] =	sst s23  }
0xbb: {  	[smem:s26+$0xD] =	sst s18  }
0xbc: {  	[smem:s26+$0x20D] =	sst s19  }
0xbd: {  	[smem:s26+$0xE] =	sst s20  }
0xbe: {  	[smem:s26+$0x20E] =	sst s21  }
0xbf: {  	[smem:s26+$0xF] =	sst s22  }
0xc0: {  	[smem:s26+$0x20F] =	sst s17  }
0xc1: {  	s9 =	simm.s32 $0x1400;
	s15 =	simm.s32 $0x8400;
	s0 =	sld [smem:$0x0]  }
0xc2: {  	s16 =	simm.s32 $0x9400;
	s13 =	simm.s32 $0x400;
	s31 =	sld [smem:$0x200]  }
0xc3: {  	s1 =	simm.s32 $0x1;
	s2 =	simm.s32 $0x1;
	s14 =	sld [smem:$0x1]  }
0xc4: {  	s20 =	sld [smem:$0x201];
	s24 =	sand.u32 $0x7F, s0;
	s25 =	sshra.s32 s0, $0x1F  }
0xc5: {  	p0 =	slt.s32 s0, $0x1;
	s3 =	sand.u32 $0x7F, s31;
	s4 =	sshra.s32 s31, $0x1F  }
0xc6: {  	p5 =	slt.s32 s31, $0x1;
	s17 =	sand.u32 $0x7F, s14;
	s18 =	sshra.s32 s14, $0x1F  }
0xc7: {  	s21 =	sand.u32 $0x7F, s20;
	s22 =	sshra.s32 s20, $0x1F;
	p3 =	slt.s32 s20, $0x1  }
0xc8: {  	p1 =	sne.s32 s24, $0x0;
	s26 =	sshrl.u32 s25, $0x19;
	p6 =	sne.s32 s3, $0x0  }
0xc9: {  	s5 =	sshrl.u32 s4, $0x19;
	s4 =	simm.s32 $0x7A1400;
	p2 =	sne.s32 s17, $0x0  }
0xca: {  	s19 =	sshrl.u32 s18, $0x19;
	p4 =	sne.s32 s21, $0x0;
	s23 =	sshrl.u32 s22, $0x19  }
0xcb: {  	s17 =	simm.s32 $0xA400;
	s3 =	sld [smem:$0x2];
	p0 =	por !p0, !p1  }
0xcc: {  	s22 =	simm.s32 $0x5400;
	s0 =	sadd.s32 s26, s0;
	p0 =	por !p0, !p0  }
0xcd: {  	p1 =	slt.s32 s14, $0x1;
	s0 =	sshrl.u32 s0, $0x7;
	s1 =	simm.s32 @!p0 $0x0  }
0xce: {  	p0 =	por !p5, !p6;
	p5 =	slt.s32 s3, $0x1;
	s0 =	ssub.s32 s0, s1  }
0xcf: {  	s1 =	sadd.s32 s5, s31;
	p0 =	por !p0, !p0;
	s31 =	simm.s32 $0x3400  }
0xd0: {  	s5 =	simm.s32 $0xB400;
	s0 =	sshll.u32 s0, $0xA;
	s1 =	sshrl.u32 s1, $0x7  }
0xd1: {  	s2 =	simm.s32 @!p0 $0x0;
	p0 =	por !p1, !p2;
	s6 =	sshrl.u32 s0, $0x3  }
0xd2: {  	s1 =	ssub.s32 s1, s2;
	s0 =	sadd.s32 $0x1E85000, s0;
	p0 =	por !p0, !p0  }
0xd3: {  	s7 =	sadd.s32 s10, s6;
	s1 =	sshll.u32 s1, $0xA;
	s0 =	sshrl.u32 s0, $0x3  }
0xd4: {  	[tilespmem:s13], [sflag:$0x1] =	stream.strided.gather [hbm4b:s7+s13], $0x1000, s4, s13, $0x38;
	[tilespmem:$0x10700] =	vst v63  }
0xd5: {  	s6 =	sand.u32 $0x7F, s3;
	s8 =	sshrl.u32 s1, $0x3;
	s0 =	sadd.s32 s10, s0  }
0xd6: {  	s12 =	sadd.s32 $0x1E85000, s1;
	s1 =	simm.s32 $0x1;
	s7 =	sshra.s32 s3, $0x1F  }
0xd7: {  	s2 =	sadd.s32 s11, s8;
	s1 =	simm.s32 @!p0 $0x0;
	p0 =	por !p3, !p4  }
0xd8: {  	[tilespmem:s15], [sflag:$0x1] =	stream.strided.gather [hbm4b:s2+s13], $0x1000, s4, s13, $0x38;
	[tilespmem:$0x10700] =	vst v63  }
0xd9: {  	p6 =	sne.s32 s6, $0x0;
	p0 =	por !p0, !p0;
	s2 =	simm.s32 $0x1  }
0xda: {  	[tilespmem:s9], [sflag:$0x1] =	stream.strided.gather [hbm4b:s0+s13], $0x1000, s4, s13, $0x38;
	[tilespmem:$0x10700] =	vst v63  }
0xdb: {  	s8 =	sshrl.u32 s7, $0x19;
	s2 =	simm.s32 @!p0 $0x0;
	s0 =	sshrl.u32 s12, $0x3  }
0xdc: {  	p0 =	por !p5, !p6;
	s9 =	sld [smem:$0x202];
	s0 =	sadd.s32 s11, s0  }
0xdd: {  	[tilespmem:s16], [sflag:$0x1] =	stream.strided.gather [hbm4b:s0+s13], $0x1000, s4, s13, $0x38;
	[tilespmem:$0x10700] =	vst v63  }
0xde: {  	p0 =	por !p0, !p0;
	s0 =	sadd.s32 s19, s14;
	s16 =	simm.s32 $0x2400  }
0xdf: {  	s0 =	sshrl.u32 s0, $0x7;
	s12 =	sand.u32 $0x7F, s9;
	s14 =	sshra.s32 s9, $0x1F  }
0xe0: {  	p1 =	slt.s32 s9, $0x1;
	s0 =	ssub.s32 s0, s1;
	s1 =	sadd.s32 s23, s20  }
0xe1: {  	p2 =	sne.s32 s12, $0x0;
	s0 =	sshll.u32 s0, $0xA;
	s1 =	sshrl.u32 s1, $0x7  }
0xe2: {  	s18 =	sshrl.u32 s14, $0x19;
	s24 =	sshrl.u32 s0, $0x3;
	s1 =	ssub.s32 s1, s2  }
0xe3: {  	s0 =	sadd.s32 $0x1E85000, s0;
	s25 =	sadd.s32 s10, s24;
	s1 =	sshll.u32 s1, $0xA  }
0xe4: {  	[tilespmem:s16], [sflag:$0x2] =	stream.strided.gather [hbm4b:s25+s13], $0x1000, s4, s13, $0x38;
	[tilespmem:$0x10700] =	vst v63  }
0xe5: {  	s0 =	sshrl.u32 s0, $0x3;
	s24 =	sld [smem:$0x3];
	s26 =	sshrl.u32 s1, $0x3  }
0xe6: {  	s0 =	sadd.s32 s10, s0;
	s25 =	simm.s32 $0xD400;
	s2 =	sadd.s32 s11, s26  }
0xe7: {  	[tilespmem:s17], [sflag:$0x2] =	stream.strided.gather [hbm4b:s2+s13], $0x1000, s4, s13, $0x38;
	[tilespmem:$0x10700] =	vst v63  }
0xe8: {  	s2 =	sadd.s32 $0x1E85000, s1;
	s1 =	simm.s32 $0x1;
	s26 =	sand.u32 $0x7F, s24  }
0xe9: {  	[tilespmem:s31], [sflag:$0x2] =	stream.strided.gather [hbm4b:s0+s13], $0x1000, s4, s13, $0x38;
	[tilespmem:$0x10700] =	vst v63  }
0xea: {  	p3 =	slt.s32 s24, $0x1;
	s1 =	simm.s32 @!p0 $0x0;
	s0 =	sshrl.u32 s2, $0x3  }
0xeb: {  	p0 =	por !p1, !p2;
	p4 =	sne.s32 s26, $0x0;
	s0 =	sadd.s32 s11, s0  }
0xec: {  	[tilespmem:s5], [sflag:$0x2] =	stream.strided.gather [hbm4b:s0+s13], $0x1000, s4, s13, $0x38;
	[tilespmem:$0x10700] =	vst v63  }
0xed: {  	p0 =	por !p0, !p0;
	s2 =	simm.s32 $0x1;
	s0 =	sadd.s32 s8, s3  }
0xee: {  	s31 =	sshra.s32 s24, $0x1F;
	s2 =	simm.s32 @!p0 $0x0;
	s0 =	sshrl.u32 s0, $0x7  }
0xef: {  	p0 =	por !p3, !p4;
	s0 =	ssub.s32 s0, s1;
	s1 =	sadd.s32 s18, s9  }
0xf0: {  	s3 =	sshrl.u32 s31, $0x19;
	s0 =	sshll.u32 s0, $0xA;
	s1 =	sshrl.u32 s1, $0x7  }
0xf1: {  	s5 =	sld [smem:$0x203];
	s19 =	sshrl.u32 s0, $0x3;
	s1 =	ssub.s32 s1, s2  }
0xf2: {  	s18 =	simm.s32 $0x4400;
	s20 =	sadd.s32 s10, s19;
	s1 =	sshll.u32 s1, $0xA  }
0xf3: {  	[tilespmem:s18], [sflag:$0x3] =	stream.strided.gather [hbm4b:s20+s13], $0x1000, s4, s13, $0x38;
	[tilespmem:$0x10700] =	vst v63  }
0xf4: {  	p0 =	por !p0, !p0;
	s0 =	sadd.s32 $0x1E85000, s0;
	s21 =	sshrl.u32 s1, $0x3  }
0xf5: {  	s19 =	simm.s32 $0xC400;
	s0 =	sshrl.u32 s0, $0x3;
	s2 =	sadd.s32 s11, s21  }
0xf6: {  	[tilespmem:s19], [sflag:$0x3] =	stream.strided.gather [hbm4b:s2+s13], $0x1000, s4, s13, $0x38;
	[tilespmem:$0x10700] =	vst v63  }
0xf7: {  	s6 =	sand.u32 $0x7F, s5;
	s0 =	sadd.s32 s10, s0;
	s23 =	sadd.s32 $0x1E85000, s1  }
0xf8: {  	[tilespmem:s22], [sflag:$0x3] =	stream.strided.gather [hbm4b:s0+s13], $0x1000, s4, s13, $0x38;
	[tilespmem:$0x10700] =	vst v63  }
0xf9: {  	s7 =	sshra.s32 s5, $0x1F;
	p5 =	slt.s32 s5, $0x1;
	s0 =	sshrl.u32 s23, $0x3  }
0xfa: {  	p6 =	sne.s32 s6, $0x0;
	s1 =	simm.s32 $0x1;
	s0 =	sadd.s32 s11, s0  }
0xfb: {  	[tilespmem:s25], [sflag:$0x3] =	stream.strided.gather [hbm4b:s0+s13], $0x1000, s4, s13, $0x38;
	[tilespmem:$0x10700] =	vst v63  }
0xfc: {  	s1 =	simm.s32 @!p0 $0x0;
	p0 =	por !p5, !p6;
	s0 =	sadd.s32 s3, s24  }
0xfd: {  	s8 =	sshrl.u32 s7, $0x19;
	p0 =	por !p0, !p0;
	s0 =	sshrl.u32 s0, $0x7  }
0xfe: {  	s2 =	simm.s32 $0x1;
	s0 =	ssub.s32 s0, s1;
	s1 =	sadd.s32 s8, s5  }
0xff: {  	s2 =	simm.s32 @!p0 $0x0;
	s0 =	sshll.u32 s0, $0xA;
	s1 =	sshrl.u32 s1, $0x7  }
0x100: {  	s9 =	sshrl.u32 s0, $0x3;
	s1 =	ssub.s32 s1, s2  }
0x101: {  	s21 =	simm.s32 $0x6400;
	s12 =	sadd.s32 s10, s9;
	s1 =	sshll.u32 s1, $0xA  }
0x102: {  	[tilespmem:s21], [sflag:$0x4] =	stream.strided.gather [hbm4b:s12+s13], $0x1000, s4, s13, $0x38;
	[tilespmem:$0x10700] =	vst v63  }
0x103: {  	s0 =	sadd.s32 $0x1E85000, s0;
	s14 =	sshrl.u32 s1, $0x3  }
0x104: {  	s22 =	simm.s32 $0xE400;
	s0 =	sshrl.u32 s0, $0x3;
	s2 =	sadd.s32 s11, s14  }
0x105: {  	[tilespmem:s22], [sflag:$0x4] =	stream.strided.gather [hbm4b:s2+s13], $0x1000, s4, s13, $0x38;
	[tilespmem:$0x10700] =	vst v63  }
0x106: {  	s20 =	simm.s32 $0x7400;
	s0 =	sadd.s32 s10, s0;
	s23 =	sadd.s32 $0x1E85000, s1  }
0x107: {  	[tilespmem:s20], [sflag:$0x4] =	stream.strided.gather [hbm4b:s0+s13], $0x1000, s4, s13, $0x38;
	[tilespmem:$0x10700] =	vst v63  }
0x108: {  	s0 =	sshrl.u32 s23, $0x3  }
0x109: {  	s24 =	simm.s32 $0xF400;
	s12 =	simm.s32 $0x1;
	s0 =	sadd.s32 s11, s0  }
0x10a: {  	[tilespmem:s24], [sflag:$0x4] =	stream.strided.gather [hbm4b:s0+s13], $0x1000, s4, s13, $0x38;
	[tilespmem:$0x10700] =	vst v63  }
0x10b: {  	_ =	swait.ge [sflag:s12], $0x2000  }
0x10c: {  	[sflag:s12] =	ssyncset.done $0x0  }
0x10d: {  	[sflag:s12] =	ssyncadd.s32 $0xFFFFE000  }
0x10e: {  	_ =	swait.ge [sflag:s12], $0x2000  }
0x10f: {  	[sflag:s12] =	ssyncset.done $0x0  }
0x110: {  	p0 =	por $0x0, $0x0;
	[sflag:s12] =	ssyncadd.s32 $0xFFFFE000  }
0x111: {  	s0 =	sld @!p0 [smem:$0x4]  }
0x112: {  	s1 =	sld @!p0 [smem:$0x204]  }
0x113: {  	s25 =	sld [smem:$0x0];
	_ =	sdelay $0x2  }
0x114: {  	s4 =	sand.u32 @!p0 $0x7F, s0;
	s2 =	sand.u32 $0x7F, s25  }
0x115: {  	s26 =	sld [smem:$0x200];
	p1 =	slt.s32 @!p0 s0, $0x1;
	p2 =	sne.s32 @!p0 s4, $0x0;
	v9 =	vor.u32 s2, v3  }
0x116: {  	s4 =	sshra.s32 @!p0 s0, $0x1F;
	s5 =	sshra.s32 @!p0 s1, $0x1F;
	s6 =	sand.u32 @!p0 $0x7F, s1;
	v10 =	vor.u32 s2, v2  }
0x117: {  	p1 =	por @!p0 !p1, !p2;
	s3 =	sshrl.u32 @!p0 s4, $0x19;
	p2 =	slt.s32 @!p0 s1, $0x1;
	v11 =	vor.u32 s2, v4  }
0x118: {  	s4 =	sshrl.u32 @!p0 s5, $0x19;
	v12 =	vor.u32 s2, v1;
	p1 =	por @!p0 !p1, !p1;
	s31 =	sand.u32 $0x7F, s26  }
0x119: {  	p3 =	sne.s32 @!p0 s6, $0x0;
	s5 =	simm.s32 @!p0 $0x1;
	p1 =	por !p1, p0;
	v13 =	vor.u32 s31, v3  }
0x11a: {  	s20 =	simm.s32 @!p0 $0x7A1400;
	v14 =	vor.u32 s31, v1;
	s5 =	simm.s32 @p1 $0x0;
	p1 =	por @!p0 !p2, !p3;
	v9 =	vld.idx.msk [tilespmem:v9+s13+$0x0], $0xffff  }
0x11b: {  	s0 =	sadd.s32 @!p0 s3, s0;
	s1 =	sadd.s32 @!p0 s4, s1;
	v15 =	vor.u32 s31, v2;
	p1 =	por @!p0 !p1, !p1;
	v10 =	vld.idx.msk [tilespmem:v10+s13+$0x0], $0xffff  }
0x11c: {  	s2 =	simm.s32 @!p0 $0x1;
	s0 =	sshrl.u32 @!p0 s0, $0x7;
	v16 =	vor.u32 s31, v4;
	p1 =	por !p1, p0;
	v11 =	vld.idx.msk [tilespmem:v11+s13+$0x0], $0xffff  }
0x11d: {  	s1 =	sshrl.u32 @!p0 s1, $0x7;
	s0 =	ssub.s32 @!p0 s0, s5;
	v12 =	vld.idx.msk [tilespmem:v12+s13+$0x0], $0xffff;
	s2 =	simm.s32 @p1 $0x0  }
0x11e: {  	s23 =	simm.s32 @!p0 $0x400;
	s0 =	sshll.u32 @!p0 s0, $0xA;
	v13 =	vld.idx.msk [tilespmem:v13+s15+$0x0], $0xffff;
	s1 =	ssub.s32 @!p0 s1, s2  }
0x11f: {  	s2 =	sshrl.u32 @!p0 s0, $0x3;
	s0 =	sadd.s32 @!p0 $0x1E85000, s0;
	v14 =	vld.idx.msk [tilespmem:v14+s15+$0x0], $0xffff;
	s1 =	sshll.u32 @!p0 s1, $0xA  }
0x120: {  	v15 =	vld.idx.msk [tilespmem:v15+s15+$0x0], $0xffff;
	s2 =	sadd.s32 @!p0 s10, s2;
	s0 =	sshrl.u32 @!p0 s0, $0x3;
	s3 =	sshrl.u32 @!p0 s1, $0x3  }
0x121: {  	v16 =	vld.idx.msk [tilespmem:v16+s15+$0x0], $0xffff;
	[tilespmem:s23], [sflag:$0x1] =	stream.strided.gather @!p0 [hbm4b:s2+s23], $0x1000, s20, s23, $0x38  }
0x122: {  	s1 =	sadd.s32 @!p0 $0x1E85000, s1;
	s2 =	sadd.s32 @!p0 s11, s3;
	s3 =	simm.s32 @!p0 $0x8400  }
0x123: {  	[tilespmem:s3], [sflag:$0x1] =	stream.strided.gather @!p0 [hbm4b:s2+s23], $0x1000, s20, s23, $0x38;
	[tilespmem:$0x10700] =	vst v63  }
0x124: {  	s0 =	sadd.s32 @!p0 s10, s0;
	s1 =	sshrl.u32 @!p0 s1, $0x3;
	s2 =	simm.s32 @!p0 $0x1400  }
0x125: {  	[tilespmem:s2], [sflag:$0x1] =	stream.strided.gather @!p0 [hbm4b:s0+s23], $0x1000, s20, s23, $0x38;
	[tilespmem:$0x10700] =	vst v63  }
0x126: {  	s25 =	simm.s32 $0x2;
	v12 =	vmul.f32 v14, v12;
	s0 =	sadd.s32 @!p0 s11, s1;
	s1 =	simm.s32 @!p0 $0x9400  }
0x127: {  	[tilespmem:s1], [sflag:$0x1] =	stream.strided.gather @!p0 [hbm4b:s0+s23], $0x1000, s20, s23, $0x38;
	[tilespmem:$0x10700] =	vst v63  }
0x128: {  	v10 =	vmul.f32 v15, v10;
	v12 =	vmul.f32 v12, v5;
	_ =	swait.ge [sflag:s25], $0x2000  }
0x129: {  	[sflag:s25] =	ssyncset.done $0x0  }
0x12a: {  	v9 =	vmul.f32 v13, v9;
	v10 =	vmul.f32 v10, v6;
	v12 =	vadd.f32 $0.0e+00, v12;
	[sflag:s25] =	ssyncadd.s32 $0xFFFFE000  }
0x12b: {  	_ =	swait.ge [sflag:s25], $0x2000  }
0x12c: {  	v11 =	vmul.f32 v16, v11;
	v9 =	vmul.f32 v9, v7;
	v10 =	vadd.f32 v10, v12;
	[sflag:s25] =	ssyncset.done $0x0  }
0x12d: {  	[sflag:s25] =	ssyncadd.s32 $0xFFFFE000  }
0x12e: {  	v9 =	vadd.f32 v9, v10;
	v10 =	vmul.f32 v11, v8;
	s0 =	sld @!p0 [smem:$0x5]  }
0x12f: {  	s1 =	sld @!p0 [smem:$0x205]  }
0x130: {  	v9 =	vadd.f32 v10, v9;
	s6 =	sld [smem:$0x1];
	_ =	sdelay $0x1  }
0x131: {  	(xrf2) =	vadd.scan.msk.f32 $0xffff, v9  }
0x132: {  	s7 =	sld [smem:$0x201];
	s2 =	sand.u32 $0x7F, s6  }
0x133: {  	s4 =	sand.u32 @!p0 $0x7F, s0;
	s5 =	sshra.s32 @!p0 s0, $0x1F;
	p1 =	slt.s32 @!p0 s0, $0x1;
	v9 =	vor.u32 s2, v4  }
0x134: {  	p2 =	sne.s32 @!p0 s4, $0x0;
	s4 =	sshrl.u32 @!p0 s5, $0x19;
	s3 =	sand.u32 @!p0 $0x7F, s1;
	v10 =	vor.u32 s2, v3  }
0x135: {  	p2 =	por @!p0 !p1, !p2;
	p1 =	slt.s32 @!p0 s1, $0x1;
	s0 =	sadd.s32 @!p0 s4, s0;
	v11 =	vor.u32 s2, v1  }
0x136: {  	s4 =	sshra.s32 @!p0 s1, $0x1F;
	p3 =	sne.s32 @!p0 s3, $0x0;
	v12 =	vor.u32 s2, v2;
	s8 =	sand.u32 $0x7F, s7  }
0x137: {  	s3 =	simm.s32 @!p0 $0x1;
	p2 =	por @!p0 !p2, !p2;
	s0 =	sshrl.u32 @!p0 s0, $0x7;
	v13 =	vor.u32 s8, v3  }
0x138: {  	p1 =	por @!p0 !p1, !p3;
	s4 =	sshrl.u32 @!p0 s4, $0x19;
	p2 =	por !p2, p0;
	v14 =	vor.u32 s8, v1;
	v15 =	vld.idx.msk [tilespmem:v9+s16+$0x0], $0xffff  }
0x139: {  	s2 =	simm.s32 @!p0 $0x1;
	p1 =	por @!p0 !p1, !p1;
	v16 =	vor.u32 s8, v4;
	s3 =	simm.s32 @p2 $0x0;
	v10 =	vld.idx.msk [tilespmem:v10+s16+$0x0], $0xffff  }
0x13a: {  	s1 =	sadd.s32 @!p0 s4, s1;
	p1 =	por !p1, p0;
	s0 =	ssub.s32 @!p0 s0, s3;
	v9 =	vor.u32 s8, v2;
	v11 =	vld.idx.msk [tilespmem:v11+s16+$0x0], $0xffff  }
0x13b: {  	s1 =	sshrl.u32 @!p0 s1, $0x7;
	s2 =	simm.s32 @p1 $0x0;
	s0 =	sshll.u32 @!p0 s0, $0xA;
	v12 =	vld.idx.msk [tilespmem:v12+s16+$0x0], $0xffff  }
0x13c: {  	s1 =	ssub.s32 @!p0 s1, s2;
	s3 =	sshrl.u32 @!p0 s0, $0x3;
	v13 =	vld.idx.msk [tilespmem:v13+s17+$0x0], $0xffff  }
0x13d: {  	s0 =	sadd.s32 @!p0 $0x1E85000, s0;
	s1 =	sshll.u32 @!p0 s1, $0xA;
	v14 =	vld.idx.msk [tilespmem:v14+s17+$0x0], $0xffff;
	s2 =	sadd.s32 @!p0 s10, s3  }
0x13e: {  	s0 =	sshrl.u32 @!p0 s0, $0x3;
	v16 =	vld.idx.msk [tilespmem:v16+s17+$0x0], $0xffff;
	s3 =	simm.s32 @!p0 $0x2400;
	s4 =	sshrl.u32 @!p0 s1, $0x3  }
0x13f: {  	v17 =	vld.idx.msk [tilespmem:v9+s17+$0x0], $0xffff;
	[tilespmem:s3], [sflag:$0x2] =	stream.strided.gather @!p0 [hbm4b:s2+s23], $0x1000, s20, s23, $0x38  }
0x140: {  	s1 =	sadd.s32 @!p0 $0x1E85000, s1;
	s2 =	sadd.s32 @!p0 s11, s4;
	s3 =	simm.s32 @!p0 $0xA400  }
0x141: {  	[tilespmem:s3], [sflag:$0x2] =	stream.strided.gather @!p0 [hbm4b:s2+s23], $0x1000, s20, s23, $0x38;
	[tilespmem:$0x10700] =	vst v63  }
0x142: {  	s1 =	sshrl.u32 @!p0 s1, $0x3;
	s0 =	sadd.s32 @!p0 s10, s0;
	s2 =	simm.s32 @!p0 $0x3400  }
0x143: {  	[tilespmem:s2], [sflag:$0x2] =	stream.strided.gather @!p0 [hbm4b:s0+s23], $0x1000, s20, s23, $0x38;
	[tilespmem:$0x10700] =	vst v63  }
0x144: {  	s26 =	simm.s32 $0x3;
	s0 =	sadd.s32 @!p0 s11, s1;
	s1 =	simm.s32 @!p0 $0xB400  }
0x145: {  	v9, _, _ =	vpop (xrf2);
	v11 =	vmul.f32 v14, v11;
	[tilespmem:s1], [sflag:$0x2] =	stream.strided.gather @!p0 [hbm4b:s0+s23], $0x1000, s20, s23, $0x38;
	[tilespmem:$0x10700] =	vst v63  }
0x146: {  	_ =	swait.ge [sflag:s26], $0x2000  }
0x147: {  	v11 =	vmul.f32 v11, v5;
	v12 =	vmul.f32 v17, v12;
	[sflag:s26] =	ssyncset.done $0x0  }
0x148: {  	[sflag:s26] =	ssyncadd.s32 $0xFFFFE000  }
0x149: {  	v10 =	vmul.f32 v13, v10;
	v11 =	vadd.f32 $0.0e+00, v11;
	v12 =	vmul.f32 v12, v6;
	_ =	swait.ge [sflag:s26], $0x2000  }
0x14a: {  	[sflag:s26] =	ssyncset.done $0x0  }
0x14b: {  	v13 =	vmul.f32 v16, v15;
	v10 =	vmul.f32 v10, v7;
	v11 =	vadd.f32 v12, v11;
	[sflag:s26] =	ssyncadd.s32 $0xFFFFE000  }
0x14c: {  	s0 =	sld @!p0 [smem:$0x6]  }
0x14d: {  	v10 =	vadd.f32 v10, v11;
	v11 =	vmul.f32 v13, v8;
	s9 =	sld [smem:$0x2];
	_ =	sdelay $0x1  }
0x14e: {  	v10 =	vadd.f32 v11, v10  }
0x14f: {  	s14 =	sld [smem:$0x202];
	s1 =	sand.u32 $0x7F, s9  }
0x150: {  	(xrf2) =	vadd.scan.msk.f32 $0xffff, v10;
	s3 =	sshra.s32 @!p0 s0, $0x1F;
	v10 =	vor.u32 s1, v1  }
0x151: {  	s4 =	sand.u32 @!p0 $0x7F, s0;
	s5 =	sld @!p0 [smem:$0x206];
	p1 =	slt.s32 @!p0 s0, $0x1;
	v12 =	vor.u32 s1, v3  }
0x152: {  	p2 =	sne.s32 @!p0 s4, $0x0;
	s3 =	sshrl.u32 @!p0 s3, $0x19;
	s2 =	sand.u32 $0x7F, s14;
	v13 =	vor.u32 s1, v2  }
0x153: {  	p1 =	por @!p0 !p1, !p2;
	s0 =	sadd.s32 @!p0 s3, s0;
	v14 =	vor.u32 s1, v4;
	s3 =	simm.s32 @!p0 $0x1  }
0x154: {  	v11 =	vor.u32 s2, v1;
	p1 =	por @!p0 !p1, !p1;
	p2 =	slt.s32 @!p0 s5, $0x1;
	s1 =	sand.u32 @!p0 $0x7F, s5  }
0x155: {  	v15 =	vor.u32 s2, v3;
	s0 =	sshrl.u32 @!p0 s0, $0x7;
	p1 =	por !p1, p0;
	p3 =	sne.s32 @!p0 s1, $0x0;
	v10 =	vld.idx.msk [tilespmem:v10+s18+$0x0], $0xffff  }
0x156: {  	v16 =	vor.u32 s2, v4;
	s1 =	sshra.s32 @!p0 s5, $0x1F;
	s3 =	simm.s32 @p1 $0x0;
	p1 =	por @!p0 !p2, !p3;
	v12 =	vld.idx.msk [tilespmem:v12+s18+$0x0], $0xffff  }
0x157: {  	v17 =	vor.u32 s2, v2;
	s2 =	simm.s32 @!p0 $0x1;
	s1 =	sshrl.u32 @!p0 s1, $0x19;
	p1 =	por @!p0 !p1, !p1;
	v13 =	vld.idx.msk [tilespmem:v13+s18+$0x0], $0xffff  }
0x158: {  	s0 =	ssub.s32 @!p0 s0, s3;
	s1 =	sadd.s32 @!p0 s1, s5;
	p1 =	por !p1, p0;
	v14 =	vld.idx.msk [tilespmem:v14+s18+$0x0], $0xffff  }
0x159: {  	s0 =	sshll.u32 @!p0 s0, $0xA;
	s1 =	sshrl.u32 @!p0 s1, $0x7;
	v11 =	vld.idx.msk [tilespmem:v11+s19+$0x0], $0xffff;
	s2 =	simm.s32 @p1 $0x0  }
0x15a: {  	s4 =	simm.s32 @!p0 $0x4400;
	s3 =	sshrl.u32 @!p0 s0, $0x3;
	v15 =	vld.idx.msk [tilespmem:v15+s19+$0x0], $0xffff;
	s1 =	ssub.s32 @!p0 s1, s2  }
0x15b: {  	s0 =	sadd.s32 @!p0 $0x1E85000, s0;
	v16 =	vld.idx.msk [tilespmem:v16+s19+$0x0], $0xffff;
	s2 =	sadd.s32 @!p0 s10, s3;
	s1 =	sshll.u32 @!p0 s1, $0xA  }
0x15c: {  	v17 =	vld.idx.msk [tilespmem:v17+s19+$0x0], $0xffff;
	[tilespmem:s4], [sflag:$0x3] =	stream.strided.gather @!p0 [hbm4b:s2+s23], $0x1000, s20, s23, $0x38  }
0x15d: {  	s0 =	sshrl.u32 @!p0 s0, $0x3;
	s3 =	sshrl.u32 @!p0 s1, $0x3  }
0x15e: {  	s1 =	sadd.s32 @!p0 $0x1E85000, s1;
	s2 =	sadd.s32 @!p0 s11, s3;
	s3 =	simm.s32 @!p0 $0xC400  }
0x15f: {  	[tilespmem:s3], [sflag:$0x3] =	stream.strided.gather @!p0 [hbm4b:s2+s23], $0x1000, s20, s23, $0x38;
	[tilespmem:$0x10700] =	vst v63  }
0x160: {  	s0 =	sadd.s32 @!p0 s10, s0;
	s1 =	sshrl.u32 @!p0 s1, $0x3;
	s2 =	simm.s32 @!p0 $0x5400  }
0x161: {  	v10 =	vmul.f32 v11, v10;
	[tilespmem:s2], [sflag:$0x3] =	stream.strided.gather @!p0 [hbm4b:s0+s23], $0x1000, s20, s23, $0x38;
	[tilespmem:$0x10700] =	vst v63  }
0x162: {  	s30 =	simm.s32 $0x4;
	s0 =	sadd.s32 @!p0 s11, s1;
	s1 =	simm.s32 @!p0 $0xD400  }
0x163: {  	v11, _, _ =	vpop (xrf2);
	v13 =	vmul.f32 v17, v13;
	v10 =	vmul.f32 v10, v5;
	[tilespmem:s1], [sflag:$0x3] =	stream.strided.gather @!p0 [hbm4b:s0+s23], $0x1000, s20, s23, $0x38;
	[tilespmem:$0x10700] =	vst v63  }
0x164: {  	_ =	swait.ge [sflag:s30], $0x2000  }
0x165: {  	v12 =	vmul.f32 v15, v12;
	v13 =	vmul.f32 v13, v6;
	v10 =	vadd.f32 $0.0e+00, v10;
	[sflag:s30] =	ssyncset.done $0x0  }
0x166: {  	[sflag:s30] =	ssyncadd.s32 $0xFFFFE000  }
0x167: {  	v14 =	vmul.f32 v16, v14;
	v12 =	vmul.f32 v12, v7;
	v10 =	vadd.f32 v13, v10;
	_ =	swait.ge [sflag:s30], $0x2000  }
0x168: {  	[sflag:s30] =	ssyncset.done $0x0  }
0x169: {  	v10 =	vadd.f32 v12, v10;
	v12 =	vmul.f32 v14, v8;
	[sflag:s30] =	ssyncadd.s32 $0xFFFFE000  }
0x16a: {  	s24 =	sld [smem:$0x3]  }
0x16b: {  	v10 =	vadd.f32 v12, v10;
	s31 =	sld [smem:$0x203];
	_ =	sdelay $0x1  }
0x16c: {  	s2 =	sld @!p0 [smem:$0x207];
	(xrf2) =	vadd.scan.msk.f32 $0xffff, v10;
	s0 =	sand.u32 $0x7F, s24  }
0x16d: {  	s3 =	sld @!p0 [smem:$0x7];
	s1 =	sand.u32 $0x7F, s31;
	v10 =	vor.u32 s0, v1  }
0x16e: {  	v12 =	vor.u32 s1, v1  }
0x16f: {  	s28 =	simm.s32 $0x0;
	s29 =	simm.s32 $0x0;
	s4 =	sand.u32 @!p0 $0x7F, s2;
	v13 =	vor.u32 s1, v4  }
0x170: {  	s5 =	simm.s32 @!p0 $0x1;
	v14 =	vor.u32 s1, v3;
	p1 =	sne.s32 @!p0 s4, $0x0;
	s4 =	sand.u32 @!p0 $0x7F, s3  }
0x171: {  	v15 =	vor.u32 s0, v4;
	p3 =	slt.s32 @!p0 s2, $0x1;
	p2 =	sne.s32 @!p0 s4, $0x0;
	s4 =	sshra.s32 @!p0 s2, $0x1F  }
0x172: {  	v16 =	vor.u32 s1, v2;
	p1 =	por @!p0 !p3, !p1;
	p3 =	slt.s32 @!p0 s3, $0x1;
	s4 =	sshrl.u32 @!p0 s4, $0x19;
	v10 =	vld.idx.msk [tilespmem:v10+s21+$0x0], $0xffff  }
0x173: {  	v17 =	vor.u32 s0, v3;
	p2 =	por @!p0 !p3, !p2;
	s1 =	sadd.s32 @!p0 s4, s2;
	s2 =	sshra.s32 @!p0 s3, $0x1F;
	v12 =	vld.idx.msk [tilespmem:v12+s22+$0x0], $0xffff  }
0x174: {  	v18 =	vor.u32 s0, v2;
	p1 =	por @!p0 !p1, !p1;
	p2 =	por @!p0 !p2, !p2;
	s2 =	sshrl.u32 @!p0 s2, $0x19;
	v13 =	vld.idx.msk [tilespmem:v13+s22+$0x0], $0xffff  }
0x175: {  	p1 =	por !p1, p0;
	p2 =	por !p2, p0;
	v19 =	vld.idx.msk [tilespmem:v14+s22+$0x0], $0xffff;
	s0 =	sadd.s32 @!p0 s2, s3  }
0x176: {  	v14 =	vld.idx.msk [tilespmem:v15+s21+$0x0], $0xffff;
	s2 =	simm.s32 @!p0 $0x1;
	s5 =	simm.s32 @p2 $0x0;
	s0 =	sshrl.u32 @!p0 s0, $0x7  }
0x177: {  	s1 =	sshrl.u32 @!p0 s1, $0x7;
	v16 =	vld.idx.msk [tilespmem:v16+s22+$0x0], $0xffff;
	s2 =	simm.s32 @p1 $0x0;
	s0 =	ssub.s32 @!p0 s0, s5  }
0x178: {  	s24 =	simm.s32 $0x2;
	v15 =	vld.idx.msk [tilespmem:v17+s21+$0x0], $0xffff;
	s1 =	ssub.s32 @!p0 s1, s2;
	s2 =	sshll.u32 @!p0 s0, $0xA  }
0x179: {  	s4 =	simm.s32 @!p0 $0x6400;
	v17 =	vld.idx.msk [tilespmem:v18+s21+$0x0], $0xffff;
	s1 =	sshll.u32 @!p0 s1, $0xA;
	s0 =	sshrl.u32 @!p0 s2, $0x3  }
0x17a: {  	s3 =	sshrl.u32 @!p0 s1, $0x3;
	v12 =	vmul.f32 v12, v10;
	s1 =	sadd.s32 @!p0 $0x1E85000, s1;
	s0 =	sadd.s32 @!p0 s10, s0  }
0x17b: {  	v11 =	vbroadcast v11, $0xF;
	[tilespmem:s4], [sflag:$0x4] =	stream.strided.gather @!p0 [hbm4b:s0+s23], $0x1000, s20, s23, $0x38;
	[tilespmem:$0x10700] =	vst v63  }
0x17c: {  	v10 =	vbroadcast v9, $0xF;
	s2 =	sadd.s32 @!p0 $0x1E85000, s2;
	s0 =	sadd.s32 @!p0 s11, s3;
	s3 =	simm.s32 @!p0 $0xE400;
	v63 =	vmul.f32 v12, v5  }
0x17d: {  	v18, _, _ =	vpop (xrf2);
	v9 =	vimm.f32 $0.0e+00;
	v13 =	vmul.f32 v13, v14;
	v15 =	vmul.f32 v19, v15;
	[tilespmem:s3], [sflag:$0x4] =	stream.strided.gather @!p0 [hbm4b:s0+s23], $0x1000, s20, s23, $0x38;
	[tilespmem:$0x10700] =	vst v63  }
0x17e: {  	v16 =	vmul.f32 v16, v17;
	s1 =	sshrl.u32 @!p0 s1, $0x3;
	s2 =	sshrl.u32 @!p0 s2, $0x3;
	v12 =	vbroadcast v18, $0xF;
	s0 =	simm.s32 $0x6;
	v14 =	vadd.f32 $0.0e+00, v63  }
.LBB2_4:
0x17f: {  	s29 =	sadd.s32 $0x10, s29;
	s3 =	smov.u32 s0;
	s0 =	sadd.s32 $0x4, s0  }
0x180: {  	p1 =	sne.s32 s0, $0x202;
	v16 =	vmul.f32 v16, v6  }
0x181: {  	v15 =	vmul.f32 v15, v7  }
0x182: {  	v14 =	vadd.f32 v16, v14  }
0x183: {  	v13 =	vmul.f32 v13, v8  }
0x184: {  	v14 =	vadd.f32 v15, v14;
	_ =	sdelay $0x1  }
0x185: {  	v13 =	vadd.f32 v13, v14;
	_ =	sdelay $0x1  }
0x186: {  	(xrf2) =	vadd.scan.msk.f32 $0xffff, v13;
	_ =	sdelay $0x3  }
0x187: {  	s4 =	sadd.s32 $0xFFFFFFFE, s24;
	s5 =	sadd.s32 $0xFFFFFFFF, s24  }
0x188: {  	s2 =	sadd.s32 @!p0 s10, s2;
	s6 =	simm.s32 @!p0 $0x7400;
	s5 =	sand.u32 $0xD, s5  }
0x189: {  	v13 =	vmov s5;
	[tilespmem:s6], [sflag:$0x4] =	stream.strided.gather @!p0 [hbm4b:s2+s23], $0x1000, s20, s23, $0x38;
	[tilespmem:$0x10700] =	vst v63  }
0x18a: {  	s1 =	sadd.s32 @!p0 s11, s1;
	s2 =	sand.u32 $0xC, s4;
	s4 =	simm.s32 @!p0 $0xF400  }
0x18b: {  	v14 =	vmov s2;
	[tilespmem:s4], [sflag:$0x4] =	stream.strided.gather @!p0 [hbm4b:s1+s23], $0x1000, s20, s23, $0x38;
	[tilespmem:$0x10700] =	vst v63  }
0x18c: {  	vm2 =	veq.s32 v13, v0;
	vm1 =	veq.s32 v14, v0;
	s1 =	sand.u32 $0xE, s24;
	s4 =	sor.u32 $0x3, s2;
	p0 =	sne.s32 s2, $0xC  }
0x18d: {  	s24 =	smov.u32 s3;
	v9 =	vsel vm1, v10, v9;
	v10 =	vmov s1;
	v13 =	vmov s4;
	s1 =	sand.u32 @!p0 $0x7C0, s28;
	s28 =	smov.u32 s29;
	v14 =	vld @!p0 [tilespmem:$0x10480];
	v15, _, _ =	vpop (xrf2)  }
0x18e: {  	v9 =	vsel vm2, v11, v9;
	vm1 =	veq.s32 v10, v0;
	s1 =	sshrl.u32 @!p0 s1, $0x2;
	v10 =	vbroadcast v15, $0xF  }
0x18f: {  	v9 =	vsel vm1, v12, v9;
	vm1 =	veq.s32 v13, v0  }
0x190: {  	v10 =	vsel vm1, v10, v9  }
0x191: {  	v9 =	vpsel !p0, $0x0, v10  }
0x192: {  	v10 =	vadd.f32 @!p0 v14, v10;
	_ =	sdelay $0x1  }
0x193: {  	[tilespmem:s1+$0x10500] =	vst @!p0 v10  }
0x194: {  	_ =	swait.ge [sflag:s12], $0x2000  }
0x195: {  	[sflag:s12] =	ssyncset.done $0x0  }
0x196: {  	[sflag:s12] =	ssyncadd.s32 $0xFFFFE000  }
0x197: {  	_ =	swait.ge [sflag:s12], $0x2000  }
0x198: {  	p0 =	seq.s32 s24, $0x1FE;
	[sflag:s12] =	ssyncset.done $0x0  }
0x199: {  	s14 =	sshra.s32 @!p0 s29, $0x2;
	[sflag:s12] =	ssyncadd.s32 $0xFFFFE000  }
0x19a: {  	s1 =	sld @!p0 [smem:s14+$0x4]  }
0x19b: {  	s6 =	sshra.s32 s29, $0x2;
	s2 =	sld @!p0 [smem:s14+$0x204]  }
0x19c: {  	s4 =	simm.s32 @!p0 $0x1;
	s3 =	sld [smem:s6+$0x0]  }
0x19d: {  	s5 =	sld [smem:s6+$0x200];
	s8 =	sand.u32 @!p0 $0x7F, s1  }
0x19e: {  	s7 =	sshra.s32 @!p0 s1, $0x1F;
	p2 =	slt.s32 @!p0 s1, $0x1;
	p3 =	sne.s32 @!p0 s8, $0x0  }
0x19f: {  	s8 =	sshra.s32 @!p0 s2, $0x1F;
	s9 =	sand.u32 @!p0 $0x7F, s2;
	s7 =	sshrl.u32 @!p0 s7, $0x19  }
0x1a0: {  	s3 =	sand.u32 $0x7F, s3;
	p2 =	por @!p0 !p2, !p3;
	p3 =	slt.s32 @!p0 s2, $0x1  }
0x1a1: {  	s8 =	sshrl.u32 @!p0 s8, $0x19;
	p4 =	sne.s32 @!p0 s9, $0x0;
	v10 =	vor.u32 s3, v1;
	v11 =	vor.u32 s3, v3;
	v12 =	vor.u32 s3, v4;
	p2 =	por @!p0 !p2, !p2  }
0x1a2: {  	s1 =	sadd.s32 @!p0 s7, s1;
	v13 =	vor.u32 s3, v2;
	s3 =	simm.s32 @!p0 $0x1;
	p2 =	por !p2, p0  }
0x1a3: {  	s1 =	sshrl.u32 @!p0 s1, $0x7;
	s3 =	simm.s32 @p2 $0x0;
	p2 =	por @!p0 !p3, !p4  }
0x1a4: {  	s2 =	sadd.s32 @!p0 s8, s2;
	s5 =	sand.u32 $0x7F, s5;
	p2 =	por @!p0 !p2, !p2  }
0x1a5: {  	s1 =	ssub.s32 @!p0 s1, s3;
	s3 =	simm.s32 @!p0 $0x1;
	p2 =	por !p2, p0  }
0x1a6: {  	v14 =	vor.u32 s5, v1;
	v15 =	vor.u32 s5, v2;
	v16 =	vor.u32 s5, v3;
	s2 =	sshrl.u32 @!p0 s2, $0x7;
	s1 =	sshll.u32 @!p0 s1, $0xA;
	s3 =	simm.s32 @p2 $0x0  }
0x1a7: {  	v17 =	vor.u32 s5, v4;
	v11 =	vld.idx.msk [tilespmem:v11+s13+$0x0], $0xffff;
	s2 =	ssub.s32 @!p0 s2, s3;
	s3 =	sshrl.u32 @!p0 s1, $0x3;
	s1 =	sadd.s32 @!p0 $0x1E85000, s1  }
0x1a8: {  	v13 =	vld.idx.msk [tilespmem:v13+s13+$0x0], $0xffff;
	s3 =	sadd.s32 @!p0 s10, s3;
	s2 =	sshll.u32 @!p0 s2, $0xA;
	s1 =	sshrl.u32 @!p0 s1, $0x3  }
0x1a9: {  	v12 =	vld.idx.msk [tilespmem:v12+s13+$0x0], $0xffff;
	s5 =	sshrl.u32 @!p0 s2, $0x3;
	s2 =	sadd.s32 @!p0 $0x1E85000, s2  }
0x1aa: {  	v10 =	vld.idx.msk [tilespmem:v10+s13+$0x0], $0xffff;
	s5 =	sadd.s32 @!p0 s11, s5;
	s2 =	sshrl.u32 @!p0 s2, $0x3  }
0x1ab: {  	v16 =	vld.idx.msk [tilespmem:v16+s15+$0x0], $0xffff  }
0x1ac: {  	v14 =	vld.idx.msk [tilespmem:v14+s15+$0x0], $0xffff  }
0x1ad: {  	v15 =	vld.idx.msk [tilespmem:v15+s15+$0x0], $0xffff  }
0x1ae: {  	s20 =	simm.s32 @!p0 $0x7A1400;
	s23 =	simm.s32 @!p0 $0x400;
	v17 =	vld.idx.msk [tilespmem:v17+s15+$0x0], $0xffff  }
0x1af: {  	[tilespmem:s23], [sflag:$0x1] =	stream.strided.gather @!p0 [hbm4b:s3+s23], $0x1000, s20, s23, $0x38;
	[tilespmem:$0x10700] =	vst v63  }
0x1b0: {  	s3 =	simm.s32 @!p0 $0x8400  }
0x1b1: {  	v11 =	vmul.f32 v16, v11;
	[tilespmem:s3], [sflag:$0x1] =	stream.strided.gather @!p0 [hbm4b:s5+s23], $0x1000, s20, s23, $0x38;
	[tilespmem:$0x10700] =	vst v63  }
0x1b2: {  	s1 =	sadd.s32 @!p0 s10, s1;
	v10 =	vmul.f32 v14, v10;
	s3 =	simm.s32 @!p0 $0x1400  }
0x1b3: {  	v13 =	vmul.f32 v15, v13;
	[tilespmem:s3], [sflag:$0x1] =	stream.strided.gather @!p0 [hbm4b:s1+s23], $0x1000, s20, s23, $0x38;
	[tilespmem:$0x10700] =	vst v63  }
0x1b4: {  	v10 =	vmul.f32 v10, v5;
	v12 =	vmul.f32 v17, v12;
	s1 =	sadd.s32 @!p0 s11, s2;
	s2 =	simm.s32 @!p0 $0x9400  }
0x1b5: {  	[tilespmem:s2], [sflag:$0x1] =	stream.strided.gather @!p0 [hbm4b:s1+s23], $0x1000, s20, s23, $0x38;
	[tilespmem:$0x10700] =	vst v63  }
0x1b6: {  	v13 =	vmul.f32 v13, v6;
	v10 =	vadd.f32 $0.0e+00, v10;
	_ =	swait.ge [sflag:s25], $0x2000  }
0x1b7: {  	[sflag:s25] =	ssyncset.done $0x0  }
0x1b8: {  	v11 =	vmul.f32 v11, v7;
	v10 =	vadd.f32 v13, v10;
	[sflag:s25] =	ssyncadd.s32 $0xFFFFE000  }
0x1b9: {  	_ =	swait.ge [sflag:s25], $0x2000  }
0x1ba: {  	v10 =	vadd.f32 v11, v10;
	v11 =	vmul.f32 v12, v8;
	[sflag:s25] =	ssyncset.done $0x0  }
0x1bb: {  	[sflag:s25] =	ssyncadd.s32 $0xFFFFE000  }
0x1bc: {  	v10 =	vadd.f32 v11, v10;
	s1 =	sld @!p0 [smem:s14+$0x5]  }
0x1bd: {  	s2 =	sld @!p0 [smem:s14+$0x205]  }
0x1be: {  	s3 =	sld [smem:s6+$0x1];
	(xrf2) =	vadd.scan.msk.f32 $0xffff, v10  }
0x1bf: {  	s5 =	sld [smem:s6+$0x201];
	s8 =	sand.u32 @!p0 $0x7F, s1  }
0x1c0: {  	s7 =	sshra.s32 @!p0 s1, $0x1F;
	p2 =	slt.s32 @!p0 s1, $0x1;
	p3 =	sne.s32 @!p0 s8, $0x0  }
0x1c1: {  	s7 =	sshrl.u32 @!p0 s7, $0x19;
	s8 =	sand.u32 @!p0 $0x7F, s2;
	p3 =	por @!p0 !p2, !p3  }
0x1c2: {  	p2 =	slt.s32 @!p0 s2, $0x1;
	s3 =	sand.u32 $0x7F, s3;
	s1 =	sadd.s32 @!p0 s7, s1  }
0x1c3: {  	s7 =	sshra.s32 @!p0 s2, $0x1F;
	p4 =	sne.s32 @!p0 s8, $0x0;
	p3 =	por @!p0 !p3, !p3;
	v11 =	vor.u32 s3, v1  }
0x1c4: {  	v12 =	vor.u32 s3, v2;
	v10 =	vor.u32 s3, v4;
	v13 =	vor.u32 s3, v3;
	s1 =	sshrl.u32 @!p0 s1, $0x7;
	s3 =	simm.s32 @!p0 $0x1;
	p3 =	por !p3, p0  }
0x1c5: {  	s7 =	sshrl.u32 @!p0 s7, $0x19;
	s5 =	sand.u32 $0x7F, s5;
	s3 =	simm.s32 @p3 $0x0  }
0x1c6: {  	p2 =	por @!p0 !p2, !p4;
	v14 =	vor.u32 s5, v1;
	s2 =	sadd.s32 @!p0 s7, s2;
	s1 =	ssub.s32 @!p0 s1, s3  }
0x1c7: {  	v15 =	vor.u32 s5, v2;
	v16 =	vor.u32 s5, v3;
	p2 =	por @!p0 !p2, !p2;
	v17 =	vor.u32 s5, v4;
	s5 =	simm.s32 @!p0 $0x1;
	s1 =	sshll.u32 @!p0 s1, $0xA  }
0x1c8: {  	p2 =	por !p2, p0;
	s3 =	sshrl.u32 @!p0 s1, $0x3;
	s1 =	sadd.s32 @!p0 $0x1E85000, s1  }
0x1c9: {  	s2 =	sshrl.u32 @!p0 s2, $0x7;
	s5 =	simm.s32 @p2 $0x0;
	v18 =	vld.idx.msk [tilespmem:v10+s16+$0x0], $0xffff;
	s3 =	sadd.s32 @!p0 s10, s3;
	v10, _, _ =	vpop (xrf2)  }
0x1ca: {  	s2 =	ssub.s32 @!p0 s2, s5;
	s1 =	sshrl.u32 @!p0 s1, $0x3;
	v10 =	vbroadcast v10, $0xF;
	v13 =	vld.idx.msk [tilespmem:v13+s16+$0x0], $0xffff  }
0x1cb: {  	s2 =	sshll.u32 @!p0 s2, $0xA;
	v11 =	vld.idx.msk [tilespmem:v11+s16+$0x0], $0xffff  }
0x1cc: {  	s5 =	sadd.s32 @!p0 $0x1E85000, s2;
	v12 =	vld.idx.msk [tilespmem:v12+s16+$0x0], $0xffff  }
0x1cd: {  	s5 =	sshrl.u32 @!p0 s5, $0x3;
	v16 =	vld.idx.msk [tilespmem:v16+s17+$0x0], $0xffff  }
0x1ce: {  	v14 =	vld.idx.msk [tilespmem:v14+s17+$0x0], $0xffff  }
0x1cf: {  	v15 =	vld.idx.msk [tilespmem:v15+s17+$0x0], $0xffff  }
0x1d0: {  	s7 =	simm.s32 @!p0 $0x2400;
	s2 =	sshrl.u32 @!p0 s2, $0x3;
	v17 =	vld.idx.msk [tilespmem:v17+s17+$0x0], $0xffff  }
0x1d1: {  	[tilespmem:s7], [sflag:$0x2] =	stream.strided.gather @!p0 [hbm4b:s3+s23], $0x1000, s20, s23, $0x38;
	[tilespmem:$0x10700] =	vst v63  }
0x1d2: {  	s2 =	sadd.s32 @!p0 s11, s2;
	s3 =	simm.s32 @!p0 $0xA400  }
0x1d3: {  	v13 =	vmul.f32 v16, v13;
	[tilespmem:s3], [sflag:$0x2] =	stream.strided.gather @!p0 [hbm4b:s2+s23], $0x1000, s20, s23, $0x38;
	[tilespmem:$0x10700] =	vst v63  }
0x1d4: {  	s1 =	sadd.s32 @!p0 s10, s1;
	v11 =	vmul.f32 v14, v11;
	s2 =	simm.s32 @!p0 $0x3400  }
0x1d5: {  	v12 =	vmul.f32 v15, v12;
	[tilespmem:s2], [sflag:$0x2] =	stream.strided.gather @!p0 [hbm4b:s1+s23], $0x1000, s20, s23, $0x38;
	[tilespmem:$0x10700] =	vst v63  }
0x1d6: {  	v11 =	vmul.f32 v11, v5;
	v14 =	vmul.f32 v17, v18;
	s1 =	sadd.s32 @!p0 s11, s5;
	s2 =	simm.s32 @!p0 $0xB400  }
0x1d7: {  	[tilespmem:s2], [sflag:$0x2] =	stream.strided.gather @!p0 [hbm4b:s1+s23], $0x1000, s20, s23, $0x38;
	[tilespmem:$0x10700] =	vst v63  }
0x1d8: {  	v12 =	vmul.f32 v12, v6;
	v11 =	vadd.f32 $0.0e+00, v11;
	_ =	swait.ge [sflag:s26], $0x2000  }
0x1d9: {  	[sflag:s26] =	ssyncset.done $0x0  }
0x1da: {  	v11 =	vadd.f32 v12, v11;
	v12 =	vmul.f32 v13, v7;
	[sflag:s26] =	ssyncadd.s32 $0xFFFFE000  }
0x1db: {  	_ =	swait.ge [sflag:s26], $0x2000  }
0x1dc: {  	v11 =	vadd.f32 v12, v11;
	v12 =	vmul.f32 v14, v8;
	[sflag:s26] =	ssyncset.done $0x0  }
0x1dd: {  	[sflag:s26] =	ssyncadd.s32 $0xFFFFE000  }
0x1de: {  	v11 =	vadd.f32 v12, v11;
	s1 =	sld @!p0 [smem:s14+$0x6]  }
0x1df: {  	s2 =	sld [smem:s6+$0x2];
	_ =	sdelay $0x1  }
0x1e0: {  	s3 =	sld [smem:s6+$0x202];
	(xrf2) =	vadd.scan.msk.f32 $0xffff, v11;
	s5 =	sshra.s32 @!p0 s1, $0x1F  }
0x1e1: {  	s7 =	sand.u32 @!p0 $0x7F, s1;
	s8 =	sld @!p0 [smem:s14+$0x206];
	s2 =	sand.u32 $0x7F, s2  }
0x1e2: {  	p2 =	slt.s32 @!p0 s1, $0x1;
	p3 =	sne.s32 @!p0 s7, $0x0;
	s5 =	sshrl.u32 @!p0 s5, $0x19;
	v11 =	vor.u32 s2, v1  }
0x1e3: {  	s3 =	sand.u32 $0x7F, s3;
	v12 =	vor.u32 s2, v2;
	v13 =	vor.u32 s2, v3;
	p2 =	por @!p0 !p2, !p3;
	s1 =	sadd.s32 @!p0 s5, s1;
	v17 =	vor.u32 s2, v4  }
0x1e4: {  	v14 =	vor.u32 s3, v1;
	v15 =	vor.u32 s3, v2;
	v16 =	vor.u32 s3, v3;
	p3 =	por @!p0 !p2, !p2;
	p2 =	slt.s32 @!p0 s8, $0x1;
	s2 =	sand.u32 @!p0 $0x7F, s8  }
0x1e5: {  	v18 =	vor.u32 s3, v4;
	s1 =	sshrl.u32 @!p0 s1, $0x7;
	s3 =	simm.s32 @!p0 $0x1;
	p3 =	por !p3, p0  }
0x1e6: {  	s5 =	sshra.s32 @!p0 s8, $0x1F;
	s3 =	simm.s32 @p3 $0x0;
	p3 =	sne.s32 @!p0 s2, $0x0  }
0x1e7: {  	s1 =	ssub.s32 @!p0 s1, s3;
	s3 =	sshrl.u32 @!p0 s5, $0x19;
	p2 =	por @!p0 !p2, !p3  }
0x1e8: {  	s5 =	simm.s32 @!p0 $0x1;
	s1 =	sshll.u32 @!p0 s1, $0xA;
	s2 =	sadd.s32 @!p0 s3, s8  }
0x1e9: {  	p2 =	por @!p0 !p2, !p2;
	v19 =	vld.idx.msk [tilespmem:v11+s18+$0x0], $0xffff;
	s3 =	sshrl.u32 @!p0 s1, $0x3;
	s1 =	sadd.s32 @!p0 $0x1E85000, s1  }
0x1ea: {  	p2 =	por !p2, p0;
	v14 =	vld.idx.msk [tilespmem:v14+s19+$0x0], $0xffff;
	s3 =	sadd.s32 @!p0 s10, s3;
	s1 =	sshrl.u32 @!p0 s1, $0x3;
	v11, _, _ =	vpop (xrf2)  }
0x1eb: {  	s2 =	sshrl.u32 @!p0 s2, $0x7;
	s5 =	simm.s32 @p2 $0x0;
	v11 =	vbroadcast v11, $0xF;
	v13 =	vld.idx.msk [tilespmem:v13+s18+$0x0], $0xffff  }
0x1ec: {  	s2 =	ssub.s32 @!p0 s2, s5;
	v12 =	vld.idx.msk [tilespmem:v12+s18+$0x0], $0xffff  }
0x1ed: {  	s2 =	sshll.u32 @!p0 s2, $0xA;
	v17 =	vld.idx.msk [tilespmem:v17+s18+$0x0], $0xffff  }
0x1ee: {  	s5 =	sshrl.u32 @!p0 s2, $0x3;
	s2 =	sadd.s32 @!p0 $0x1E85000, s2;
	v16 =	vld.idx.msk [tilespmem:v16+s19+$0x0], $0xffff  }
0x1ef: {  	s2 =	sshrl.u32 @!p0 s2, $0x3;
	v18 =	vld.idx.msk [tilespmem:v18+s19+$0x0], $0xffff  }
0x1f0: {  	s7 =	simm.s32 @!p0 $0x4400;
	v14 =	vmul.f32 v14, v19;
	v15 =	vld.idx.msk [tilespmem:v15+s19+$0x0], $0xffff  }
0x1f1: {  	[tilespmem:s7], [sflag:$0x3] =	stream.strided.gather @!p0 [hbm4b:s3+s23], $0x1000, s20, s23, $0x38;
	[tilespmem:$0x10700] =	vst v63  }
0x1f2: {  	v14 =	vmul.f32 v14, v5;
	s3 =	sadd.s32 @!p0 s11, s5;
	s5 =	simm.s32 @!p0 $0xC400  }
0x1f3: {  	[tilespmem:s5], [sflag:$0x3] =	stream.strided.gather @!p0 [hbm4b:s3+s23], $0x1000, s20, s23, $0x38;
	[tilespmem:$0x10700] =	vst v63  }
0x1f4: {  	s1 =	sadd.s32 @!p0 s10, s1;
	v13 =	vmul.f32 v16, v13;
	s3 =	simm.s32 @!p0 $0x5400  }
0x1f5: {  	v16 =	vmul.f32 v18, v17;
	[tilespmem:s3], [sflag:$0x3] =	stream.strided.gather @!p0 [hbm4b:s1+s23], $0x1000, s20, s23, $0x38;
	[tilespmem:$0x10700] =	vst v63  }
0x1f6: {  	v12 =	vmul.f32 v15, v12;
	s1 =	sadd.s32 @!p0 s11, s2;
	s2 =	simm.s32 @!p0 $0xD400  }
0x1f7: {  	[tilespmem:s2], [sflag:$0x3] =	stream.strided.gather @!p0 [hbm4b:s1+s23], $0x1000, s20, s23, $0x38;
	[tilespmem:$0x10700] =	vst v63  }
0x1f8: {  	v14 =	vadd.f32 $0.0e+00, v14;
	v12 =	vmul.f32 v12, v6;
	_ =	swait.ge [sflag:s30], $0x2000  }
0x1f9: {  	[sflag:s30] =	ssyncset.done $0x0  }
0x1fa: {  	v13 =	vmul.f32 v13, v7;
	v12 =	vadd.f32 v12, v14;
	[sflag:s30] =	ssyncadd.s32 $0xFFFFE000  }
0x1fb: {  	_ =	swait.ge [sflag:s30], $0x2000  }
0x1fc: {  	v12 =	vadd.f32 v13, v12;
	v13 =	vmul.f32 v16, v8;
	[sflag:s30] =	ssyncset.done $0x0  }
0x1fd: {  	[sflag:s30] =	ssyncadd.s32 $0xFFFFE000  }
0x1fe: {  	v12 =	vadd.f32 v13, v12;
	s1 =	sld [smem:s6+$0x3]  }
0x1ff: {  	s2 =	sld [smem:s6+$0x203]  }
0x200: {  	s3 =	sld @!p0 [smem:s14+$0x207];
	(xrf2) =	vadd.scan.msk.f32 $0xffff, v12  }
0x201: {  	s1 =	sand.u32 $0x7F, s1;
	s5 =	sld @!p0 [smem:s14+$0x7]  }
0x202: {  	s2 =	sand.u32 $0x7F, s2;
	v12 =	vor.u32 s1, v1;
	v13 =	vor.u32 s1, v2;
	v14 =	vor.u32 s1, v3  }
0x203: {  	v15 =	vor.u32 s2, v1;
	v16 =	vor.u32 s2, v2;
	v17 =	vor.u32 s2, v3;
	s6 =	sshra.s32 @!p0 s3, $0x1F;
	s7 =	sand.u32 @!p0 $0x7F, s3;
	p2 =	slt.s32 @!p0 s3, $0x1  }
0x204: {  	v18 =	vor.u32 s1, v4;
	v19 =	vor.u32 s2, v4;
	s1 =	sshrl.u32 @!p0 s6, $0x19;
	p3 =	sne.s32 @!p0 s7, $0x0;
	s2 =	sand.u32 @!p0 $0x7F, s5  }
0x205: {  	s1 =	sadd.s32 @!p0 s1, s3;
	p2 =	por @!p0 !p2, !p3;
	p3 =	slt.s32 @!p0 s5, $0x1  }
0x206: {  	p4 =	sne.s32 @!p0 s2, $0x0;
	s2 =	sshra.s32 @!p0 s5, $0x1F;
	p2 =	por @!p0 !p2, !p2  }
0x207: {  	s3 =	simm.s32 @!p0 $0x1;
	p3 =	por @!p0 !p3, !p4;
	v20 =	vld.idx.msk [tilespmem:v12+s21+$0x0], $0xffff;
	p2 =	por !p2, p0  }
0x208: {  	s1 =	sshrl.u32 @!p0 s1, $0x7;
	p3 =	por @!p0 !p3, !p3;
	v15 =	vld.idx.msk [tilespmem:v15+s22+$0x0], $0xffff;
	s3 =	simm.s32 @p2 $0x0  }
0x209: {  	s2 =	sshrl.u32 @!p0 s2, $0x19;
	p2 =	por !p3, p0;
	v19 =	vld.idx.msk [tilespmem:v19+s22+$0x0], $0xffff;
	s1 =	ssub.s32 @!p0 s1, s3  }
0x20a: {  	s2 =	sadd.s32 @!p0 s2, s5;
	s4 =	simm.s32 @p2 $0x0;
	v17 =	vld.idx.msk [tilespmem:v17+s22+$0x0], $0xffff;
	s1 =	sshll.u32 @!p0 s1, $0xA;
	v12, _, _ =	vpop (xrf2)  }
0x20b: {  	s2 =	sshrl.u32 @!p0 s2, $0x7;
	v12 =	vbroadcast v12, $0xF;
	v18 =	vld.idx.msk [tilespmem:v18+s21+$0x0], $0xffff;
	s3 =	sshrl.u32 @!p0 s1, $0x3;
	s1 =	sadd.s32 @!p0 $0x1E85000, s1  }
0x20c: {  	s2 =	ssub.s32 @!p0 s2, s4;
	v16 =	vld.idx.msk [tilespmem:v16+s22+$0x0], $0xffff;
	s1 =	sshrl.u32 @!p0 s1, $0x3  }
0x20d: {  	s2 =	sshll.u32 @!p0 s2, $0xA;
	v21 =	vld.idx.msk [tilespmem:v14+s21+$0x0], $0xffff  }
0x20e: {  	s4 =	sshrl.u32 @!p0 s2, $0x3;
	s2 =	sadd.s32 @!p0 $0x1E85000, s2;
	v14 =	vmul.f32 v15, v20;
	v20 =	vld.idx.msk [tilespmem:v13+s21+$0x0], $0xffff  }
0x20f: {  	s4 =	sadd.s32 @!p0 s10, s4;
	s2 =	sshrl.u32 @!p0 s2, $0x3  }
.Ltmp1:
0x210: {  	s5 =	simm.s32 @!p0 $0x6400;
	s3 =	sadd.s32 @!p0 s11, s3;
	v13 =	vmul.f32 v14, v5;
	(pc) =	sbr.rel @p1 .LBB2_4-.Ltmp1, $4  }
0x211: {  	[tilespmem:s5], [sflag:$0x4] =	stream.strided.gather @!p0 [hbm4b:s4+s23], $0x1000, s20, s23, $0x38;
	[tilespmem:$0x10700] =	vst v63  }
0x212: {  	v14 =	vadd.f32 $0.0e+00, v13;
	v13 =	vmul.f32 v19, v18;
	s4 =	simm.s32 @!p0 $0xE400  }
0x213: {  	v15 =	vmul.f32 v17, v21;
	[tilespmem:s4], [sflag:$0x4] =	stream.strided.gather @!p0 [hbm4b:s3+s23], $0x1000, s20, s23, $0x38;
	[tilespmem:$0x10700] =	vst v63  }
0x214: {  	v16 =	vmul.f32 v16, v20  }
0x215: {  	_ = 	snop  }
0x216: {  	v5 =	vmul.f32 v16, v6;
	_ =	sdelay $0x1  }
0x217: {  	v6 =	vmul.f32 v15, v7;
	v5 =	vadd.f32 v5, v14;
	_ =	sdelay $0x1  }
0x218: {  	v7 =	vmul.f32 v13, v8;
	v5 =	vadd.f32 v6, v5;
	_ =	sdelay $0x1  }
0x219: {  	v5 =	vadd.f32 v7, v5;
	_ =	sdelay $0x1  }
0x21a: {  	(xrf2) =	vadd.scan.msk.f32 $0xffff, v5;
	_ =	sdelay $0x2  }
0x21b: {  	s0 =	sadd.s32 $0xFFFFFFFE, s24;
	s3 =	sadd.s32 $0xFFFFFFFF, s24  }
0x21c: {  	s2 =	sadd.s32 @!p0 s10, s2;
	s4 =	simm.s32 @!p0 $0x7400;
	s1 =	sadd.s32 @!p0 s11, s1  }
0x21d: {  	[tilespmem:s4], [sflag:$0x4] =	stream.strided.gather @!p0 [hbm4b:s2+s23], $0x1000, s20, s23, $0x38;
	[tilespmem:$0x10700] =	vst v63  }
0x21e: {  	s3 =	sand.u32 $0xD, s3;
	s0 =	sand.u32 $0xC, s0;
	s2 =	simm.s32 @!p0 $0xF400  }
0x21f: {  	[tilespmem:s2], [sflag:$0x4] =	stream.strided.gather @!p0 [hbm4b:s1+s23], $0x1000, s20, s23, $0x38;
	[tilespmem:$0x10700] =	vst v63  }
0x220: {  	p0 =	sne.s32 s0, $0xC;
	v6 =	vmov s0;
	v5 =	vmov s3  }
0x221: {  	s26 =	sand.u32 $0xE, s24;
	s0 =	sor.u32 $0x3, s0;
	vm1 =	veq.s32 v6, v0;
	vm2 =	veq.s32 v5, v0;
	v5 =	vld @!p0 [tilespmem:$0x10480]  }
0x222: {  	v62 =	vmov s0;
	v6 =	vsel vm1, v10, v9;
	v7 =	vmov s26;
	v63, _, _ =	vpop (xrf2)  }
0x223: {  	vm1 =	veq.s32 v7, v0;
	v6 =	vsel vm2, v11, v6;
	v7 =	vbroadcast v63, $0xF  }
0x224: {  	v6 =	vsel vm1, v12, v6;
	vm1 =	veq.s32 v62, v0  }
0x225: {  	v6 =	vsel vm1, v7, v6  }
0x226: {  	s0 =	sand.u32 @!p0 $0x7C0, s28;
	v5 =	vadd.f32 @!p0 v5, v6  }
0x227: {  	s8 =	simm.s32 $0x0;
	s0 =	sshrl.u32 @!p0 s0, $0x2  }
0x228: {  	s29 =	simm.s32 $0x10500;
	s1 =	simm.s32 $0x5;
	s28 =	rddreg [dreg:$0xf];
	[tilespmem:s0+$0x10500] =	vst @!p0 v5  }
0x229: {  	[hbm4b:s28+s8] =	stream.linear.scatter [tilespmem:s29], [sflag:$0x5], $0x200, $0x38;
	[tilespmem:$0x10700] =	vst v63  }
0x22a: {  	_ =	swait.ge [sflag:s1], $0x200  }
0x22b: {  	s30 =	rddreg [dreg:$0x11]  }
0x22c: {  	s31 =	rddreg [dreg:$0x10];
	s2 =	sadd.s32 $0x1, s30  }
0x22d: {  	p0 =	sne.s32 s2, s31  }
.Ltmp2:
0x22e: {  	_ = 	snop;
	(pc) =	sbr.rel @p0 .LBB2_1-.Ltmp2, $3  }
0x22f: {  	_ =	sdelay $0x1  }
0x230: {  	[sflag:s1] =	ssyncset.done $0x0  }
0x231: {  	vm2 =	vcmask $0x70C;
	vm1 =	vcmask $0x308;
	[sflag:s1] =	ssyncadd.s32 $0xFFFFFE00  }
0x232: {  	_ =	sfence.sel $0x180000  }
0x233: {  	[bflag:$0x0] =	sbarrier.arrive $0xFFFF  }
0x234: {  	_ =	strace $0x90000047  }
0x235: {  	s0 =	stileid.u32;
	[bflag:$0x2] =	sbarrier.arrive $0xFFFF  }
0x236: {  	p0 =	sne.s32 s0, $0x0;
	s0 =	rddreg [dreg:$0x7]  }
0x237: {  	s0 =	sadd.s32 @!p0 $0x100000, s0  }
0x238: {  	[sflag:s0] =	ssyncadd.tile.s32 @!p0 $0x1;
	_ =	shalt  }
.Lfunc_end2:
_tile_overlayer_lowered:
.L_overlay_start_2:
0x239: {  	(tag) =	ssettag $0x2  }
0x23a: {  	s0 =	rddreg [dreg:$0x0];
	s2 =	stileid.u32  }
0x23b: {  	s1 =	rddreg [dreg:$0x1];
	p0 =	sne.s32 s2, $0x0  }
0x23c: {  	s3 =	rddreg [dreg:$0x2];
	[bflag:$0x3] =	sbarrier.arrive $0xFFFF;
	s2 =	simm.s32 @!p0 $0x1C05  }
0x23d: {  	[timem:s3], [sflag:s2] =	dma.local @!p0 [hbm:s0], s1  }
0x23e: {  	s0 =	simm.s32 @!p0 $0x5  }
0x23f: {  	_ =	swait.ge @!p0 [sflag:s0], s1  }
0x240: {  	s1 =	ssub.s32 @!p0 $0x0, s1;
	[sflag:s0] =	ssyncset.done @!p0 $0x0  }
0x241: {  	[sflag:s0] =	ssyncadd.s32 @!p0 s1  }
0x242: {  	[bflag:$0x3] =	sbarrier.arrive $0xFFFF  }
0x243: {  	_ =	shalt  }

</sc_bundles>
